<compile_context>
chip_gen: v7x
topology: tpu7x:2x2x1
jax: 0.10.2.dev20260603
libtpu: 0.0.44.dev20260713+nightly
codegen_flags: <defaults>
</compile_context>

<pallas_src>
import functools

import jax
import jax.numpy as jnp
from jax import lax
from jax.experimental import pallas as pl
from jax.experimental.pallas import tpu as pltpu
from jax.experimental.pallas import tpu_sc as plsc

N = 10000
E = 320000
D = 128
NB = 64
NC = 2
NS = 16
NW = NC * NS
CH = 80
SLAB = 2
CPW = 126
CPI = CPW
NSL = CPW // SLAB
PAD_E = NW * CPI * CH
A_ROWS = 10112
ZPS = A_ROWS // NS
DW = 128

_mesh = plsc.VectorSubcoreMesh(core_axis_name="c", subcore_axis_name="s")


@functools.partial(
    pl.kernel,
    out_type=jax.ShapeDtypeStruct((NC, A_ROWS, D), jnp.float32),
    mesh=_mesh,
    scratch_types=[
        pltpu.VMEM((CPI * CH,), jnp.int32),
        pltpu.VMEM((CPI, CH), jnp.int32),
        pltpu.VMEM((SLAB * CH, D), jnp.float32),
        pltpu.MemorySpace.VMEM_SHARED((A_ROWS, D), jnp.float32),
        pltpu.SemaphoreType.DMA,
    ],
)
def _sc_edge_scatter(table, srcw, dstw, out, src_v, dst_v, rows_v, acc, sem):
    c = lax.axis_index("c")
    s = lax.axis_index("s")
    w = c * NS + s
    pltpu.sync_copy(srcw.at[w], src_v)
    pltpu.sync_copy(dstw.at[w], dst_v)

    zero = jnp.zeros((16,), jnp.float32)

    W = SLAB * CH

    @pl.loop(0, W)
    def _zero_row(i):
        for j in range(D // 16):
            rows_v[i, pl.ds(j * 16, 16)] = zero

    for t in range(ZPS // W):
        pltpu.sync_copy(rows_v.at[pl.ds(0, W)],
                        acc.at[pl.ds(s * ZPS + t * W, W)])
    if ZPS % W:
        pltpu.sync_copy(rows_v.at[pl.ds(0, ZPS % W)],
                        acc.at[pl.ds(s * ZPS + (ZPS // W) * W, ZPS % W)])
    plsc.subcore_barrier()

    @pl.loop(0, NSL)
    def _slab(g):
        pltpu.async_copy(table.at[src_v.at[pl.ds(g * W, W)]],
                         rows_v, sem).wait()
        for k in range(SLAB):
            pltpu.sync_copy(rows_v.at[pl.ds(k * CH, CH)],
                            acc.at[dst_v.at[g * SLAB + k]], add=True)

    plsc.subcore_barrier()
    for t in range(ZPS // W):
        sl = pl.ds(s * ZPS + t * W, W)
        pltpu.sync_copy(acc.at[sl], out.at[c, sl])
    if ZPS % W:
        sl = pl.ds(s * ZPS + (ZPS // W) * W, ZPS % W)
        pltpu.sync_copy(acc.at[sl], out.at[c, sl])


@functools.partial(
    pl.kernel,
    out_type=jax.ShapeDtypeStruct((NC, A_ROWS, DW), jnp.float32),
    mesh=_mesh,
    scratch_types=[
        pltpu.VMEM((CPI, CH), jnp.int32),
        pltpu.VMEM((CH, DW), jnp.float32),
        pltpu.MemorySpace.VMEM_SHARED((A_ROWS, DW), jnp.float32),
    ],
)
def _sc_degree(dstw, out, dst_v, ones_v, acc):
    c = lax.axis_index("c")
    s = lax.axis_index("s")
    w = c * NS + s
    pltpu.sync_copy(dstw.at[w], dst_v)

    one = jnp.ones((16,), jnp.float32)
    zero = jnp.zeros((16,), jnp.float32)

    @pl.loop(0, CH)
    def _zfill(i):
        for j in range(DW // 16):
            ones_v[i, pl.ds(j * 16, 16)] = zero

    for t in range(ZPS // CH):
        n = min(CH, ZPS - t * CH)
        pltpu.sync_copy(ones_v.at[pl.ds(0, n)],
                        acc.at[pl.ds(s * ZPS + t * CH, n)])
    if ZPS % CH:
        pltpu.sync_copy(ones_v.at[pl.ds(0, ZPS % CH)],
                        acc.at[pl.ds(s * ZPS + (ZPS // CH) * CH, ZPS % CH)])
    plsc.subcore_barrier()

    @pl.loop(0, CH)
    def _fill(i):
        for j in range(DW // 16):
            ones_v[i, pl.ds(j * 16, 16)] = one

    @pl.loop(0, CPW)
    def _chunk(j):
        pltpu.sync_copy(ones_v, acc.at[dst_v.at[j]], add=True)

    plsc.subcore_barrier()
    for t in range(ZPS // CH):
        n = min(CH, ZPS - t * CH)
        sl = pl.ds(s * ZPS + t * CH, n)
        pltpu.sync_copy(acc.at[sl], out.at[c, sl])
    if ZPS % CH:
        sl = pl.ds(s * ZPS + (ZPS // CH) * CH, ZPS % CH)
        pltpu.sync_copy(acc.at[sl], out.at[c, sl])


def _tc_k0_body(x_ref, wn_ref, dp_ref, hn_ref, rc_ref):
    hn_ref[...] = jnp.dot(x_ref[...], wn_ref[...], preferred_element_type=jnp.float32)
    rc_ref[...] = 1.0 / jnp.maximum(dp_ref[0, 0:N, :] + dp_ref[1, 0:N, :], 1.0)


_k0 = pl.pallas_call(
    _tc_k0_body,
    out_shape=(
        jax.ShapeDtypeStruct((N, D), jnp.float32),
        jax.ShapeDtypeStruct((N, D), jnp.float32),
    ),
)


def _tc_combine_body(h_ref, ws_ref, bs_ref, bn_ref, wnn_ref, ap_ref, rc_ref,
                     hout_ref, hnout_ref):
    agg = ap_ref[0, 0:N, :] + ap_ref[1, 0:N, :]
    z = (jnp.dot(h_ref[...], ws_ref[...], preferred_element_type=jnp.float32)
         + bs_ref[...] + agg * rc_ref[...] + bn_ref[...])
    hnew = jnp.maximum(z, 0.0)
    hout_ref[...] = hnew
    hnout_ref[...] = jnp.dot(hnew, wnn_ref[...], preferred_element_type=jnp.float32)


_combine = pl.pallas_call(
    _tc_combine_body,
    out_shape=(
        jax.ShapeDtypeStruct((N, D), jnp.float32),
        jax.ShapeDtypeStruct((N, D), jnp.float32),
    ),
)


def _tc_final_body(h_ref, ws_ref, bs_ref, bn_ref, ap_ref, rc_ref, bv_ref, out_ref):
    agg = ap_ref[0, 0:N, :] + ap_ref[1, 0:N, :]
    z = (jnp.dot(h_ref[...], ws_ref[...], preferred_element_type=jnp.float32)
         + bs_ref[...] + agg * rc_ref[...] + bn_ref[...])
    h3 = jnp.maximum(z, 0.0)
    gid = lax.broadcasted_iota(jnp.int32, (1, NB), 1)
    oh = (bv_ref[...] == gid).astype(jnp.float32)
    ssum = lax.dot_general(oh, h3, (((0,), (0,)), ((), ())),
                           preferred_element_type=jnp.float32)
    cnt = lax.dot_general(oh, jnp.ones((N, 1), jnp.float32),
                          (((0,), (0,)), ((), ())),
                          preferred_element_type=jnp.float32)
    out_ref[...] = ssum / jnp.maximum(cnt, 1.0)


_final = pl.pallas_call(
    _tc_final_body,
    out_shape=jax.ShapeDtypeStruct((NB, D), jnp.float32),
)


def kernel(x, edge_index, batch_vec, Ws0, bs0, Wn0, bn0, Ws1, bs1, Wn1, bn1,
           Ws2, bs2, Wn2, bn2):
    src = edge_index[0].astype(jnp.int32)
    dst = edge_index[1].astype(jnp.int32)
    srcw = (jnp.zeros((NW, CPI * CH), jnp.int32)
            .at[:, :E // NW].set(src.reshape(NW, E // NW)))
    dstw = (jnp.full((NW, CPI * CH), N, jnp.int32)
            .at[:, :E // NW].set(dst.reshape(NW, E // NW)).reshape(NW, CPI, CH))
    bv = batch_vec.astype(jnp.int32).reshape(N, 1)

    degp = _sc_degree(dstw)
    hn1, rc = _k0(x, Wn0, degp)
    agg1 = _sc_edge_scatter(hn1, srcw, dstw)
    h1, hn2 = _combine(x, Ws0, bs0.reshape(1, D), bn0.reshape(1, D), Wn1, agg1, rc)
    agg2 = _sc_edge_scatter(hn2, srcw, dstw)
    h2, hn3 = _combine(h1, Ws1, bs1.reshape(1, D), bn1.reshape(1, D), Wn2, agg2, rc)
    agg3 = _sc_edge_scatter(hn3, srcw, dstw)
    out = _final(h2, Ws2, bs2.reshape(1, D), bn2.reshape(1, D), agg3, rc, bv)
    return out

# --- scband reference (transcript-rebuilt; emitter-appended) ---
"""Pipeline reference for scband-gnntower-75222057222468 (READ-ONLY COPY).

The authoritative reference and input builder live on the scoring server;
editing this copy changes nothing except your own understanding.
"""

import jax, jax.numpy as jnp
import numpy as np

N = 10000
E = 320000
D = 128
H = 128
NB = 64


def setup_inputs(seed: int = 0):
    key = jax.random.key(seed)
    ks = jax.random.split(key, 16)
    x = jax.random.normal(ks[0], (N, D), dtype=jnp.float32)
    edge_index = jax.random.randint(ks[1], (2, E), 0, N)
    batch_vec = jnp.sort(jax.random.randint(ks[2], (N,), 0, NB))
    batch_vec = batch_vec.at[0].set(0).at[-1].set(NB - 1)
    params = {}
    dims = [(D, H), (H, H), (H, H)]
    i = 3
    for l, (di, do) in enumerate(dims):
        params[f"Ws{l}"] = jax.random.normal(ks[i], (di, do), dtype=jnp.float32) * (1.0 / np.sqrt(di)); i += 1
        params[f"bs{l}"] = jnp.zeros((do,), dtype=jnp.float32)
        params[f"Wn{l}"] = jax.random.normal(ks[i], (di, do), dtype=jnp.float32) * (1.0 / np.sqrt(di)); i += 1
        params[f"bn{l}"] = jnp.zeros((do,), dtype=jnp.float32)
    return {"x": x, "edge_index": edge_index, "batch_vec": batch_vec, **params}


def _sage_layer(x, edge_index, Ws, bs, Wn, bn):
    src = edge_index[0]
    dst = edge_index[1]
    agg = jnp.zeros_like(x).at[dst].add(x[src])
    deg = jnp.bincount(dst, length=x.shape[0]).clip(1).astype(x.dtype)[:, None]
    agg = agg / deg
    h = x @ Ws + bs + agg @ Wn + bn
    return jax.nn.relu(h)  # dropout is identity in eval mode


def reference(x, edge_index, batch_vec, Ws0, bs0, Wn0, bn0, Ws1, bs1, Wn1, bn1, Ws2, bs2, Wn2, bn2):
    layers = [(Ws0, bs0, Wn0, bn0), (Ws1, bs1, Wn1, bn1), (Ws2, bs2, Wn2, bn2)]
    h = x
    for (Ws, bs, Wn, bn) in layers:
        h = _sage_layer(h, edge_index, Ws, bs, Wn, bn)
    B = NB
    out = jnp.zeros((B, h.shape[1]), dtype=h.dtype).at[batch_vec].add(h)
    cnt = jnp.bincount(batch_vec, length=B).clip(1).astype(h.dtype)[:, None]
    return out / cnt

if __name__ == "__main__":
    import jax
    _d = setup_inputs()
    print(jax.jit(kernel)(*tuple(_d.values())))

</pallas_src>

<mosaic_0001>
#map = affine_map<(d0, d1) -> (0, 0, 0)>
module attributes {stable_mosaic.version = 14 : i64} {
  func.func @_sc_degree(%arg0: i32, %arg1: i32, %arg2: memref<32x126x80xi32, #tpu.memory_space<hbm>>, %arg3: memref<2x10112x128xf32, #tpu.memory_space<hbm>>, %arg4: memref<126x80xi32, #tpu.memory_space<vmem>>, %arg5: memref<80x128xf32, #tpu.memory_space<vmem>>, %arg6: memref<10112x128xf32, #tpu.memory_space<vmem_shared>>) attributes {dimension_semantics = [#tpu.dimension_semantics<core_parallel>, #tpu.dimension_semantics<subcore_parallel>], iteration_bounds = array<i64: 2, 16>, scalar_prefetch = 0 : i64, scratch_operands = 3 : i64, tpu.core_type = #tpu.core_type<sc_vector_subcore>, window_params = [{transform_indices = #map}, {transform_indices = #map}]} {
    %mul3A = arith.constant 16 : i32
    %mul3A_0 = arith.muli %arg0, %mul3A : i32
    %add3A = arith.addi %mul3A_0, %arg1 : i32
    "tpu.region"() ({
      %run_scoped3A = tpu.sem_alloc : memref<!tpu.dma_semaphore, #tpu.memory_space<semaphore_mem>>
      %dma_start3A = arith.constant 0 : i32
      %dma_start3A_83 = arith.constant 0 : i32
      %dma_start3A_84 = tpu.memref_slice %arg2[%add3A, %dma_start3A, %dma_start3A_83] : memref<32x126x80xi32, #tpu.memory_space<hbm>> -> memref<1x126x80xi32, #tpu.memory_space<hbm>>
      %dma_start3A_85 = tpu.memref_squeeze %dma_start3A_84 : memref<1x126x80xi32, #tpu.memory_space<hbm>> -> memref<126x80xi32, #tpu.memory_space<hbm>>
      %dma_start3A_86 = arith.constant 0 : i32
      %dma_start3A_87 = arith.constant 0 : i32
      %dma_start3A_88 = tpu.memref_slice %arg2[%add3A, %dma_start3A_86, %dma_start3A_87] : memref<32x126x80xi32, #tpu.memory_space<hbm>> -> memref<1x126x80xi32, #tpu.memory_space<hbm>>
      %dma_start3A_89 = tpu.memref_squeeze %dma_start3A_88 : memref<1x126x80xi32, #tpu.memory_space<hbm>> -> memref<126x80xi32, #tpu.memory_space<hbm>>
      tpu.enqueue_dma source(%dma_start3A_89 : memref<126x80xi32, #tpu.memory_space<hbm>>) target(%arg4 : memref<126x80xi32, #tpu.memory_space<vmem>>) target_semaphore(%run_scoped3A : memref<!tpu.dma_semaphore, #tpu.memory_space<semaphore_mem>>)
      %dma_wait3A = arith.constant 0 : i32
      %dma_wait3A_90 = arith.constant 0 : i32
      %dma_wait3A_91 = tpu.memref_slice %arg2[%add3A, %dma_wait3A, %dma_wait3A_90] : memref<32x126x80xi32, #tpu.memory_space<hbm>> -> memref<1x126x80xi32, #tpu.memory_space<hbm>>
      %dma_wait3A_92 = tpu.memref_squeeze %dma_wait3A_91 : memref<1x126x80xi32, #tpu.memory_space<hbm>> -> memref<126x80xi32, #tpu.memory_space<hbm>>
      %dma_wait3A_93 = arith.constant 0 : i32
      %dma_wait3A_94 = arith.constant 0 : i32
      %dma_wait3A_95 = tpu.memref_slice %arg2[%add3A, %dma_wait3A_93, %dma_wait3A_94] : memref<32x126x80xi32, #tpu.memory_space<hbm>> -> memref<1x126x80xi32, #tpu.memory_space<hbm>>
      %dma_wait3A_96 = tpu.memref_squeeze %dma_wait3A_95 : memref<1x126x80xi32, #tpu.memory_space<hbm>> -> memref<126x80xi32, #tpu.memory_space<hbm>>
      tpu.wait_dma2 semaphore(%run_scoped3A : memref<!tpu.dma_semaphore, #tpu.memory_space<semaphore_mem>>) src(%dma_wait3A_96 : memref<126x80xi32, #tpu.memory_space<hbm>>) dst(%arg4 : memref<126x80xi32, #tpu.memory_space<vmem>>)
      tpu.yield
    }) : () -> ()
    %broadcast_in_dim3A = arith.constant 1.000000e+00 : f32
    %broadcast_in_dim3A_1 = vector.broadcast %broadcast_in_dim3A : f32 to vector<16xf32>
    %broadcast_in_dim3A_2 = arith.constant 0.000000e+00 : f32
    %broadcast_in_dim3A_3 = vector.broadcast %broadcast_in_dim3A_2 : f32 to vector<16xf32>
    %scan3A = arith.constant 0 : i32
    %scan3A_4 = arith.constant 80 : i32
    %scan3A_5 = arith.addi %scan3A, %scan3A_4 : i32
    %scan3A_6 = arith.constant 1 : i32
    scf.for %scan3A_83 = %scan3A to %scan3A_5 step %scan3A_6  : i32 {
      %mul3A_84 = arith.constant 1 : i32
      %mul3A_85 = arith.muli %scan3A_83, %mul3A_84 : i32
      %add3A_86 = arith.constant 0 : i32
      %add3A_87 = arith.addi %add3A_86, %mul3A_85 : i32
      %swap3A = arith.index_cast %add3A_87 : i32 to index
      %swap3A_88 = arith.constant 0 : index
      %swap3A_89 = tpu.vector_load %arg5[%swap3A, %swap3A_88] {strides = array<i32>} : memref<80x128xf32, #tpu.memory_space<vmem>>, vector<1x16xf32>,
      %swap3A_90 = vector.shape_cast %swap3A_89 : vector<1x16xf32> to vector<16xf32>
      %swap3A_91 = vector.shape_cast %broadcast_in_dim3A_3 : vector<16xf32> to vector<1x16xf32>
      tpu.vector_store %arg5[%swap3A, %swap3A_88], %swap3A_91 {strides = array<i32>} : memref<80x128xf32, #tpu.memory_space<vmem>>, vector<1x16xf32>,
      %swap3A_92 = arith.index_cast %add3A_87 : i32 to index
      %swap3A_93 = arith.constant 16 : index
      %swap3A_94 = tpu.vector_load %arg5[%swap3A_92, %swap3A_93] {strides = array<i32>} : memref<80x128xf32, #tpu.memory_space<vmem>>, vector<1x16xf32>,
      %swap3A_95 = vector.shape_cast %swap3A_94 : vector<1x16xf32> to vector<16xf32>
      %swap3A_96 = vector.shape_cast %broadcast_in_dim3A_3 : vector<16xf32> to vector<1x16xf32>
      tpu.vector_store %arg5[%swap3A_92, %swap3A_93], %swap3A_96 {strides = array<i32>} : memref<80x128xf32, #tpu.memory_space<vmem>>, vector<1x16xf32>,
      %swap3A_97 = arith.index_cast %add3A_87 : i32 to index
      %swap3A_98 = arith.constant 32 : index
      %swap3A_99 = tpu.vector_load %arg5[%swap3A_97, %swap3A_98] {strides = array<i32>} : memref<80x128xf32, #tpu.memory_space<vmem>>, vector<1x16xf32>,
      %swap3A_100 = vector.shape_cast %swap3A_99 : vector<1x16xf32> to vector<16xf32>
      %swap3A_101 = vector.shape_cast %broadcast_in_dim3A_3 : vector<16xf32> to vector<1x16xf32>
      tpu.vector_store %arg5[%swap3A_97, %swap3A_98], %swap3A_101 {strides = array<i32>} : memref<80x128xf32, #tpu.memory_space<vmem>>, vector<1x16xf32>,
      %swap3A_102 = arith.index_cast %add3A_87 : i32 to index
      %swap3A_103 = arith.constant 48 : index
      %swap3A_104 = tpu.vector_load %arg5[%swap3A_102, %swap3A_103] {strides = array<i32>} : memref<80x128xf32, #tpu.memory_space<vmem>>, vector<1x16xf32>,
      %swap3A_105 = vector.shape_cast %swap3A_104 : vector<1x16xf32> to vector<16xf32>
      %swap3A_106 = vector.shape_cast %broadcast_in_dim3A_3 : vector<16xf32> to vector<1x16xf32>
      tpu.vector_store %arg5[%swap3A_102, %swap3A_103], %swap3A_106 {strides = array<i32>} : memref<80x128xf32, #tpu.memory_space<vmem>>, vector<1x16xf32>,
      %swap3A_107 = arith.index_cast %add3A_87 : i32 to index
      %swap3A_108 = arith.constant 64 : index
      %swap3A_109 = tpu.vector_load %arg5[%swap3A_107, %swap3A_108] {strides = array<i32>} : memref<80x128xf32, #tpu.memory_space<vmem>>, vector<1x16xf32>,
      %swap3A_110 = vector.shape_cast %swap3A_109 : vector<1x16xf32> to vector<16xf32>
      %swap3A_111 = vector.shape_cast %broadcast_in_dim3A_3 : vector<16xf32> to vector<1x16xf32>
      tpu.vector_store %arg5[%swap3A_107, %swap3A_108], %swap3A_111 {strides = array<i32>} : memref<80x128xf32, #tpu.memory_space<vmem>>, vector<1x16xf32>,
      %swap3A_112 = arith.index_cast %add3A_87 : i32 to index
      %swap3A_113 = arith.constant 80 : index
      %swap3A_114 = tpu.vector_load %arg5[%swap3A_112, %swap3A_113] {strides = array<i32>} : memref<80x128xf32, #tpu.memory_space<vmem>>, vector<1x16xf32>,
      %swap3A_115 = vector.shape_cast %swap3A_114 : vector<1x16xf32> to vector<16xf32>
      %swap3A_116 = vector.shape_cast %broadcast_in_dim3A_3 : vector<16xf32> to vector<1x16xf32>
      tpu.vector_store %arg5[%swap3A_112, %swap3A_113], %swap3A_116 {strides = array<i32>} : memref<80x128xf32, #tpu.memory_space<vmem>>, vector<1x16xf32>,
      %swap3A_117 = arith.index_cast %add3A_87 : i32 to index
      %swap3A_118 = arith.constant 96 : index
      %swap3A_119 = tpu.vector_load %arg5[%swap3A_117, %swap3A_118] {strides = array<i32>} : memref<80x128xf32, #tpu.memory_space<vmem>>, vector<1x16xf32>,
      %swap3A_120 = vector.shape_cast %swap3A_119 : vector<1x16xf32> to vector<16xf32>
      %swap3A_121 = vector.shape_cast %broadcast_in_dim3A_3 : vector<16xf32> to vector<1x16xf32>
      tpu.vector_store %arg5[%swap3A_117, %swap3A_118], %swap3A_121 {strides = array<i32>} : memref<80x128xf32, #tpu.memory_space<vmem>>, vector<1x16xf32>,
      %swap3A_122 = arith.index_cast %add3A_87 : i32 to index
      %swap3A_123 = arith.constant 112 : index
      %swap3A_124 = tpu.vector_load %arg5[%swap3A_122, %swap3A_123] {strides = array<i32>} : memref<80x128xf32, #tpu.memory_space<vmem>>, vector<1x16xf32>,
      %swap3A_125 = vector.shape_cast %swap3A_124 : vector<1x16xf32> to vector<16xf32>
      %swap3A_126 = vector.shape_cast %broadcast_in_dim3A_3 : vector<16xf32> to vector<1x16xf32>
      tpu.vector_store %arg5[%swap3A_122, %swap3A_123], %swap3A_126 {strides = array<i32>} : memref<80x128xf32, #tpu.memory_space<vmem>>, vector<1x16xf32>,
    }
    %scan3A_7 = arith.constant 80 : i32
    %mul3A_8 = arith.constant 632 : i32
    %mul3A_9 = arith.muli %arg1, %mul3A_8 : i32
    %add3A_10 = arith.constant 0 : i32
    %add3A_11 = arith.addi %mul3A_9, %add3A_10 : i32
    "tpu.region"() ({
      %run_scoped3A = tpu.sem_alloc : memref<!tpu.dma_semaphore, #tpu.memory_space<semaphore_mem>>
      %dma_start3A = arith.constant 0 : i32
      %dma_start3A_83 = arith.constant 0 : i32
      %dma_start3A_84 = tpu.memref_slice %arg5[%dma_start3A, %dma_start3A_83] : memref<80x128xf32, #tpu.memory_space<vmem>> -> memref<80x128xf32, #tpu.memory_space<vmem>>
      %dma_start3A_85 = arith.constant 0 : i32
      %dma_start3A_86 = tpu.memref_slice %arg6[%add3A_11, %dma_start3A_85] : memref<10112x128xf32, #tpu.memory_space<vmem_shared>> -> memref<80x128xf32, #tpu.memory_space<vmem_shared>>
      %dma_start3A_87 = arith.constant 0 : i32
      %dma_start3A_88 = tpu.memref_slice %arg6[%add3A_11, %dma_start3A_87] : memref<10112x128xf32, #tpu.memory_space<vmem_shared>> -> memref<80x128xf32, #tpu.memory_space<vmem_shared>>
      %dma_start3A_89 = arith.constant 0 : i32
      %dma_start3A_90 = arith.constant 0 : i32
      %dma_start3A_91 = tpu.memref_slice %arg5[%dma_start3A_89, %dma_start3A_90] : memref<80x128xf32, #tpu.memory_space<vmem>> -> memref<80x128xf32, #tpu.memory_space<vmem>>
      tpu.enqueue_dma source(%dma_start3A_91 : memref<80x128xf32, #tpu.memory_space<vmem>>) target(%dma_start3A_88 : memref<80x128xf32, #tpu.memory_space<vmem_shared>>) target_semaphore(%run_scoped3A : memref<!tpu.dma_semaphore, #tpu.memory_space<semaphore_mem>>)
      %dma_wait3A = arith.constant 0 : i32
      %dma_wait3A_92 = arith.constant 0 : i32
      %dma_wait3A_93 = tpu.memref_slice %arg5[%dma_wait3A, %dma_wait3A_92] : memref<80x128xf32, #tpu.memory_space<vmem>> -> memref<80x128xf32, #tpu.memory_space<vmem>>
      %dma_wait3A_94 = arith.constant 0 : i32
      %dma_wait3A_95 = tpu.memref_slice %arg6[%add3A_11, %dma_wait3A_94] : memref<10112x128xf32, #tpu.memory_space<vmem_shared>> -> memref<80x128xf32, #tpu.memory_space<vmem_shared>>
      %dma_wait3A_96 = arith.constant 0 : i32
      %dma_wait3A_97 = tpu.memref_slice %arg6[%add3A_11, %dma_wait3A_96] : memref<10112x128xf32, #tpu.memory_space<vmem_shared>> -> memref<80x128xf32, #tpu.memory_space<vmem_shared>>
      %dma_wait3A_98 = arith.constant 0 : i32
      %dma_wait3A_99 = arith.constant 0 : i32
      %dma_wait3A_100 = tpu.memref_slice %arg5[%dma_wait3A_98, %dma_wait3A_99] : memref<80x128xf32, #tpu.memory_space<vmem>> -> memref<80x128xf32, #tpu.memory_space<vmem>>
      tpu.wait_dma2 semaphore(%run_scoped3A : memref<!tpu.dma_semaphore, #tpu.memory_space<semaphore_mem>>) src(%dma_wait3A_100 : memref<80x128xf32, #tpu.memory_space<vmem>>) dst(%dma_wait3A_97 : memref<80x128xf32, #tpu.memory_space<vmem_shared>>)
      tpu.yield
    }) : () -> ()
    %mul3A_12 = arith.constant 632 : i32
    %mul3A_13 = arith.muli %arg1, %mul3A_12 : i32
    %add3A_14 = arith.constant 80 : i32
    %add3A_15 = arith.addi %mul3A_13, %add3A_14 : i32
    "tpu.region"() ({
      %run_scoped3A = tpu.sem_alloc : memref<!tpu.dma_semaphore, #tpu.memory_space<semaphore_mem>>
      %dma_start3A = arith.constant 0 : i32
      %dma_start3A_83 = arith.constant 0 : i32
      %dma_start3A_84 = tpu.memref_slice %arg5[%dma_start3A, %dma_start3A_83] : memref<80x128xf32, #tpu.memory_space<vmem>> -> memref<80x128xf32, #tpu.memory_space<vmem>>
      %dma_start3A_85 = arith.constant 0 : i32
      %dma_start3A_86 = tpu.memref_slice %arg6[%add3A_15, %dma_start3A_85] : memref<10112x128xf32, #tpu.memory_space<vmem_shared>> -> memref<80x128xf32, #tpu.memory_space<vmem_shared>>
      %dma_start3A_87 = arith.constant 0 : i32
      %dma_start3A_88 = tpu.memref_slice %arg6[%add3A_15, %dma_start3A_87] : memref<10112x128xf32, #tpu.memory_space<vmem_shared>> -> memref<80x128xf32, #tpu.memory_space<vmem_shared>>
      %dma_start3A_89 = arith.constant 0 : i32
      %dma_start3A_90 = arith.constant 0 : i32
      %dma_start3A_91 = tpu.memref_slice %arg5[%dma_start3A_89, %dma_start3A_90] : memref<80x128xf32, #tpu.memory_space<vmem>> -> memref<80x128xf32, #tpu.memory_space<vmem>>
      tpu.enqueue_dma source(%dma_start3A_91 : memref<80x128xf32, #tpu.memory_space<vmem>>) target(%dma_start3A_88 : memref<80x128xf32, #tpu.memory_space<vmem_shared>>) target_semaphore(%run_scoped3A : memref<!tpu.dma_semaphore, #tpu.memory_space<semaphore_mem>>)
      %dma_wait3A = arith.constant 0 : i32
      %dma_wait3A_92 = arith.constant 0 : i32
      %dma_wait3A_93 = tpu.memref_slice %arg5[%dma_wait3A, %dma_wait3A_92] : memref<80x128xf32, #tpu.memory_space<vmem>> -> memref<80x128xf32, #tpu.memory_space<vmem>>
      %dma_wait3A_94 = arith.constant 0 : i32
      %dma_wait3A_95 = tpu.memref_slice %arg6[%add3A_15, %dma_wait3A_94] : memref<10112x128xf32, #tpu.memory_space<vmem_shared>> -> memref<80x128xf32, #tpu.memory_space<vmem_shared>>
      %dma_wait3A_96 = arith.constant 0 : i32
      %dma_wait3A_97 = tpu.memref_slice %arg6[%add3A_15, %dma_wait3A_96] : memref<10112x128xf32, #tpu.memory_space<vmem_shared>> -> memref<80x128xf32, #tpu.memory_space<vmem_shared>>
      %dma_wait3A_98 = arith.constant 0 : i32
      %dma_wait3A_99 = arith.constant 0 : i32
      %dma_wait3A_100 = tpu.memref_slice %arg5[%dma_wait3A_98, %dma_wait3A_99] : memref<80x128xf32, #tpu.memory_space<vmem>> -> memref<80x128xf32, #tpu.memory_space<vmem>>
      tpu.wait_dma2 semaphore(%run_scoped3A : memref<!tpu.dma_semaphore, #tpu.memory_space<semaphore_mem>>) src(%dma_wait3A_100 : memref<80x128xf32, #tpu.memory_space<vmem>>) dst(%dma_wait3A_97 : memref<80x128xf32, #tpu.memory_space<vmem_shared>>)
      tpu.yield
    }) : () -> ()
    %mul3A_16 = arith.constant 632 : i32
    %mul3A_17 = arith.muli %arg1, %mul3A_16 : i32
    %add3A_18 = arith.constant 160 : i32
    %add3A_19 = arith.addi %mul3A_17, %add3A_18 : i32
    "tpu.region"() ({
      %run_scoped3A = tpu.sem_alloc : memref<!tpu.dma_semaphore, #tpu.memory_space<semaphore_mem>>
      %dma_start3A = arith.constant 0 : i32
      %dma_start3A_83 = arith.constant 0 : i32
      %dma_start3A_84 = tpu.memref_slice %arg5[%dma_start3A, %dma_start3A_83] : memref<80x128xf32, #tpu.memory_space<vmem>> -> memref<80x128xf32, #tpu.memory_space<vmem>>
      %dma_start3A_85 = arith.constant 0 : i32
      %dma_start3A_86 = tpu.memref_slice %arg6[%add3A_19, %dma_start3A_85] : memref<10112x128xf32, #tpu.memory_space<vmem_shared>> -> memref<80x128xf32, #tpu.memory_space<vmem_shared>>
      %dma_start3A_87 = arith.constant 0 : i32
      %dma_start3A_88 = tpu.memref_slice %arg6[%add3A_19, %dma_start3A_87] : memref<10112x128xf32, #tpu.memory_space<vmem_shared>> -> memref<80x128xf32, #tpu.memory_space<vmem_shared>>
      %dma_start3A_89 = arith.constant 0 : i32
      %dma_start3A_90 = arith.constant 0 : i32
      %dma_start3A_91 = tpu.memref_slice %arg5[%dma_start3A_89, %dma_start3A_90] : memref<80x128xf32, #tpu.memory_space<vmem>> -> memref<80x128xf32, #tpu.memory_space<vmem>>
      tpu.enqueue_dma source(%dma_start3A_91 : memref<80x128xf32, #tpu.memory_space<vmem>>) target(%dma_start3A_88 : memref<80x128xf32, #tpu.memory_space<vmem_shared>>) target_semaphore(%run_scoped3A : memref<!tpu.dma_semaphore, #tpu.memory_space<semaphore_mem>>)
      %dma_wait3A = arith.constant 0 : i32
      %dma_wait3A_92 = arith.constant 0 : i32
      %dma_wait3A_93 = tpu.memref_slice %arg5[%dma_wait3A, %dma_wait3A_92] : memref<80x128xf32, #tpu.memory_space<vmem>> -> memref<80x128xf32, #tpu.memory_space<vmem>>
      %dma_wait3A_94 = arith.constant 0 : i32
      %dma_wait3A_95 = tpu.memref_slice %arg6[%add3A_19, %dma_wait3A_94] : memref<10112x128xf32, #tpu.memory_space<vmem_shared>> -> memref<80x128xf32, #tpu.memory_space<vmem_shared>>
      %dma_wait3A_96 = arith.constant 0 : i32
      %dma_wait3A_97 = tpu.memref_slice %arg6[%add3A_19, %dma_wait3A_96] : memref<10112x128xf32, #tpu.memory_space<vmem_shared>> -> memref<80x128xf32, #tpu.memory_space<vmem_shared>>
      %dma_wait3A_98 = arith.constant 0 : i32
      %dma_wait3A_99 = arith.constant 0 : i32
      %dma_wait3A_100 = tpu.memref_slice %arg5[%dma_wait3A_98, %dma_wait3A_99] : memref<80x128xf32, #tpu.memory_space<vmem>> -> memref<80x128xf32, #tpu.memory_space<vmem>>
      tpu.wait_dma2 semaphore(%run_scoped3A : memref<!tpu.dma_semaphore, #tpu.memory_space<semaphore_mem>>) src(%dma_wait3A_100 : memref<80x128xf32, #tpu.memory_space<vmem>>) dst(%dma_wait3A_97 : memref<80x128xf32, #tpu.memory_space<vmem_shared>>)
      tpu.yield
    }) : () -> ()
    %mul3A_20 = arith.constant 632 : i32
    %mul3A_21 = arith.muli %arg1, %mul3A_20 : i32
    %add3A_22 = arith.constant 240 : i32
    %add3A_23 = arith.addi %mul3A_21, %add3A_22 : i32
    "tpu.region"() ({
      %run_scoped3A = tpu.sem_alloc : memref<!tpu.dma_semaphore, #tpu.memory_space<semaphore_mem>>
      %dma_start3A = arith.constant 0 : i32
      %dma_start3A_83 = arith.constant 0 : i32
      %dma_start3A_84 = tpu.memref_slice %arg5[%dma_start3A, %dma_start3A_83] : memref<80x128xf32, #tpu.memory_space<vmem>> -> memref<80x128xf32, #tpu.memory_space<vmem>>
      %dma_start3A_85 = arith.constant 0 : i32
      %dma_start3A_86 = tpu.memref_slice %arg6[%add3A_23, %dma_start3A_85] : memref<10112x128xf32, #tpu.memory_space<vmem_shared>> -> memref<80x128xf32, #tpu.memory_space<vmem_shared>>
      %dma_start3A_87 = arith.constant 0 : i32
      %dma_start3A_88 = tpu.memref_slice %arg6[%add3A_23, %dma_start3A_87] : memref<10112x128xf32, #tpu.memory_space<vmem_shared>> -> memref<80x128xf32, #tpu.memory_space<vmem_shared>>
      %dma_start3A_89 = arith.constant 0 : i32
      %dma_start3A_90 = arith.constant 0 : i32
      %dma_start3A_91 = tpu.memref_slice %arg5[%dma_start3A_89, %dma_start3A_90] : memref<80x128xf32, #tpu.memory_space<vmem>> -> memref<80x128xf32, #tpu.memory_space<vmem>>
      tpu.enqueue_dma source(%dma_start3A_91 : memref<80x128xf32, #tpu.memory_space<vmem>>) target(%dma_start3A_88 : memref<80x128xf32, #tpu.memory_space<vmem_shared>>) target_semaphore(%run_scoped3A : memref<!tpu.dma_semaphore, #tpu.memory_space<semaphore_mem>>)
      %dma_wait3A = arith.constant 0 : i32
      %dma_wait3A_92 = arith.constant 0 : i32
      %dma_wait3A_93 = tpu.memref_slice %arg5[%dma_wait3A, %dma_wait3A_92] : memref<80x128xf32, #tpu.memory_space<vmem>> -> memref<80x128xf32, #tpu.memory_space<vmem>>
      %dma_wait3A_94 = arith.constant 0 : i32
      %dma_wait3A_95 = tpu.memref_slice %arg6[%add3A_23, %dma_wait3A_94] : memref<10112x128xf32, #tpu.memory_space<vmem_shared>> -> memref<80x128xf32, #tpu.memory_space<vmem_shared>>
      %dma_wait3A_96 = arith.constant 0 : i32
      %dma_wait3A_97 = tpu.memref_slice %arg6[%add3A_23, %dma_wait3A_96] : memref<10112x128xf32, #tpu.memory_space<vmem_shared>> -> memref<80x128xf32, #tpu.memory_space<vmem_shared>>
      %dma_wait3A_98 = arith.constant 0 : i32
      %dma_wait3A_99 = arith.constant 0 : i32
      %dma_wait3A_100 = tpu.memref_slice %arg5[%dma_wait3A_98, %dma_wait3A_99] : memref<80x128xf32, #tpu.memory_space<vmem>> -> memref<80x128xf32, #tpu.memory_space<vmem>>
      tpu.wait_dma2 semaphore(%run_scoped3A : memref<!tpu.dma_semaphore, #tpu.memory_space<semaphore_mem>>) src(%dma_wait3A_100 : memref<80x128xf32, #tpu.memory_space<vmem>>) dst(%dma_wait3A_97 : memref<80x128xf32, #tpu.memory_space<vmem_shared>>)
      tpu.yield
    }) : () -> ()
    %mul3A_24 = arith.constant 632 : i32
    %mul3A_25 = arith.muli %arg1, %mul3A_24 : i32
    %add3A_26 = arith.constant 320 : i32
    %add3A_27 = arith.addi %mul3A_25, %add3A_26 : i32
    "tpu.region"() ({
      %run_scoped3A = tpu.sem_alloc : memref<!tpu.dma_semaphore, #tpu.memory_space<semaphore_mem>>
      %dma_start3A = arith.constant 0 : i32
      %dma_start3A_83 = arith.constant 0 : i32
      %dma_start3A_84 = tpu.memref_slice %arg5[%dma_start3A, %dma_start3A_83] : memref<80x128xf32, #tpu.memory_space<vmem>> -> memref<80x128xf32, #tpu.memory_space<vmem>>
      %dma_start3A_85 = arith.constant 0 : i32
      %dma_start3A_86 = tpu.memref_slice %arg6[%add3A_27, %dma_start3A_85] : memref<10112x128xf32, #tpu.memory_space<vmem_shared>> -> memref<80x128xf32, #tpu.memory_space<vmem_shared>>
      %dma_start3A_87 = arith.constant 0 : i32
      %dma_start3A_88 = tpu.memref_slice %arg6[%add3A_27, %dma_start3A_87] : memref<10112x128xf32, #tpu.memory_space<vmem_shared>> -> memref<80x128xf32, #tpu.memory_space<vmem_shared>>
      %dma_start3A_89 = arith.constant 0 : i32
      %dma_start3A_90 = arith.constant 0 : i32
      %dma_start3A_91 = tpu.memref_slice %arg5[%dma_start3A_89, %dma_start3A_90] : memref<80x128xf32, #tpu.memory_space<vmem>> -> memref<80x128xf32, #tpu.memory_space<vmem>>
      tpu.enqueue_dma source(%dma_start3A_91 : memref<80x128xf32, #tpu.memory_space<vmem>>) target(%dma_start3A_88 : memref<80x128xf32, #tpu.memory_space<vmem_shared>>) target_semaphore(%run_scoped3A : memref<!tpu.dma_semaphore, #tpu.memory_space<semaphore_mem>>)
      %dma_wait3A = arith.constant 0 : i32
      %dma_wait3A_92 = arith.constant 0 : i32
      %dma_wait3A_93 = tpu.memref_slice %arg5[%dma_wait3A, %dma_wait3A_92] : memref<80x128xf32, #tpu.memory_space<vmem>> -> memref<80x128xf32, #tpu.memory_space<vmem>>
      %dma_wait3A_94 = arith.constant 0 : i32
      %dma_wait3A_95 = tpu.memref_slice %arg6[%add3A_27, %dma_wait3A_94] : memref<10112x128xf32, #tpu.memory_space<vmem_shared>> -> memref<80x128xf32, #tpu.memory_space<vmem_shared>>
      %dma_wait3A_96 = arith.constant 0 : i32
      %dma_wait3A_97 = tpu.memref_slice %arg6[%add3A_27, %dma_wait3A_96] : memref<10112x128xf32, #tpu.memory_space<vmem_shared>> -> memref<80x128xf32, #tpu.memory_space<vmem_shared>>
      %dma_wait3A_98 = arith.constant 0 : i32
      %dma_wait3A_99 = arith.constant 0 : i32
      %dma_wait3A_100 = tpu.memref_slice %arg5[%dma_wait3A_98, %dma_wait3A_99] : memref<80x128xf32, #tpu.memory_space<vmem>> -> memref<80x128xf32, #tpu.memory_space<vmem>>
      tpu.wait_dma2 semaphore(%run_scoped3A : memref<!tpu.dma_semaphore, #tpu.memory_space<semaphore_mem>>) src(%dma_wait3A_100 : memref<80x128xf32, #tpu.memory_space<vmem>>) dst(%dma_wait3A_97 : memref<80x128xf32, #tpu.memory_space<vmem_shared>>)
      tpu.yield
    }) : () -> ()
    %mul3A_28 = arith.constant 632 : i32
    %mul3A_29 = arith.muli %arg1, %mul3A_28 : i32
    %add3A_30 = arith.constant 400 : i32
    %add3A_31 = arith.addi %mul3A_29, %add3A_30 : i32
    "tpu.region"() ({
      %run_scoped3A = tpu.sem_alloc : memref<!tpu.dma_semaphore, #tpu.memory_space<semaphore_mem>>
      %dma_start3A = arith.constant 0 : i32
      %dma_start3A_83 = arith.constant 0 : i32
      %dma_start3A_84 = tpu.memref_slice %arg5[%dma_start3A, %dma_start3A_83] : memref<80x128xf32, #tpu.memory_space<vmem>> -> memref<80x128xf32, #tpu.memory_space<vmem>>
      %dma_start3A_85 = arith.constant 0 : i32
      %dma_start3A_86 = tpu.memref_slice %arg6[%add3A_31, %dma_start3A_85] : memref<10112x128xf32, #tpu.memory_space<vmem_shared>> -> memref<80x128xf32, #tpu.memory_space<vmem_shared>>
      %dma_start3A_87 = arith.constant 0 : i32
      %dma_start3A_88 = tpu.memref_slice %arg6[%add3A_31, %dma_start3A_87] : memref<10112x128xf32, #tpu.memory_space<vmem_shared>> -> memref<80x128xf32, #tpu.memory_space<vmem_shared>>
      %dma_start3A_89 = arith.constant 0 : i32
      %dma_start3A_90 = arith.constant 0 : i32
      %dma_start3A_91 = tpu.memref_slice %arg5[%dma_start3A_89, %dma_start3A_90] : memref<80x128xf32, #tpu.memory_space<vmem>> -> memref<80x128xf32, #tpu.memory_space<vmem>>
      tpu.enqueue_dma source(%dma_start3A_91 : memref<80x128xf32, #tpu.memory_space<vmem>>) target(%dma_start3A_88 : memref<80x128xf32, #tpu.memory_space<vmem_shared>>) target_semaphore(%run_scoped3A : memref<!tpu.dma_semaphore, #tpu.memory_space<semaphore_mem>>)
      %dma_wait3A = arith.constant 0 : i32
      %dma_wait3A_92 = arith.constant 0 : i32
      %dma_wait3A_93 = tpu.memref_slice %arg5[%dma_wait3A, %dma_wait3A_92] : memref<80x128xf32, #tpu.memory_space<vmem>> -> memref<80x128xf32, #tpu.memory_space<vmem>>
      %dma_wait3A_94 = arith.constant 0 : i32
      %dma_wait3A_95 = tpu.memref_slice %arg6[%add3A_31, %dma_wait3A_94] : memref<10112x128xf32, #tpu.memory_space<vmem_shared>> -> memref<80x128xf32, #tpu.memory_space<vmem_shared>>
      %dma_wait3A_96 = arith.constant 0 : i32
      %dma_wait3A_97 = tpu.memref_slice %arg6[%add3A_31, %dma_wait3A_96] : memref<10112x128xf32, #tpu.memory_space<vmem_shared>> -> memref<80x128xf32, #tpu.memory_space<vmem_shared>>
      %dma_wait3A_98 = arith.constant 0 : i32
      %dma_wait3A_99 = arith.constant 0 : i32
      %dma_wait3A_100 = tpu.memref_slice %arg5[%dma_wait3A_98, %dma_wait3A_99] : memref<80x128xf32, #tpu.memory_space<vmem>> -> memref<80x128xf32, #tpu.memory_space<vmem>>
      tpu.wait_dma2 semaphore(%run_scoped3A : memref<!tpu.dma_semaphore, #tpu.memory_space<semaphore_mem>>) src(%dma_wait3A_100 : memref<80x128xf32, #tpu.memory_space<vmem>>) dst(%dma_wait3A_97 : memref<80x128xf32, #tpu.memory_space<vmem_shared>>)
      tpu.yield
    }) : () -> ()
    %mul3A_32 = arith.constant 632 : i32
    %mul3A_33 = arith.muli %arg1, %mul3A_32 : i32
    %add3A_34 = arith.constant 480 : i32
    %add3A_35 = arith.addi %mul3A_33, %add3A_34 : i32
    "tpu.region"() ({
      %run_scoped3A = tpu.sem_alloc : memref<!tpu.dma_semaphore, #tpu.memory_space<semaphore_mem>>
      %dma_start3A = arith.constant 0 : i32
      %dma_start3A_83 = arith.constant 0 : i32
      %dma_start3A_84 = tpu.memref_slice %arg5[%dma_start3A, %dma_start3A_83] : memref<80x128xf32, #tpu.memory_space<vmem>> -> memref<80x128xf32, #tpu.memory_space<vmem>>
      %dma_start3A_85 = arith.constant 0 : i32
      %dma_start3A_86 = tpu.memref_slice %arg6[%add3A_35, %dma_start3A_85] : memref<10112x128xf32, #tpu.memory_space<vmem_shared>> -> memref<80x128xf32, #tpu.memory_space<vmem_shared>>
      %dma_start3A_87 = arith.constant 0 : i32
      %dma_start3A_88 = tpu.memref_slice %arg6[%add3A_35, %dma_start3A_87] : memref<10112x128xf32, #tpu.memory_space<vmem_shared>> -> memref<80x128xf32, #tpu.memory_space<vmem_shared>>
      %dma_start3A_89 = arith.constant 0 : i32
      %dma_start3A_90 = arith.constant 0 : i32
      %dma_start3A_91 = tpu.memref_slice %arg5[%dma_start3A_89, %dma_start3A_90] : memref<80x128xf32, #tpu.memory_space<vmem>> -> memref<80x128xf32, #tpu.memory_space<vmem>>
      tpu.enqueue_dma source(%dma_start3A_91 : memref<80x128xf32, #tpu.memory_space<vmem>>) target(%dma_start3A_88 : memref<80x128xf32, #tpu.memory_space<vmem_shared>>) target_semaphore(%run_scoped3A : memref<!tpu.dma_semaphore, #tpu.memory_space<semaphore_mem>>)
      %dma_wait3A = arith.constant 0 : i32
      %dma_wait3A_92 = arith.constant 0 : i32
      %dma_wait3A_93 = tpu.memref_slice %arg5[%dma_wait3A, %dma_wait3A_92] : memref<80x128xf32, #tpu.memory_space<vmem>> -> memref<80x128xf32, #tpu.memory_space<vmem>>
      %dma_wait3A_94 = arith.constant 0 : i32
      %dma_wait3A_95 = tpu.memref_slice %arg6[%add3A_35, %dma_wait3A_94] : memref<10112x128xf32, #tpu.memory_space<vmem_shared>> -> memref<80x128xf32, #tpu.memory_space<vmem_shared>>
      %dma_wait3A_96 = arith.constant 0 : i32
      %dma_wait3A_97 = tpu.memref_slice %arg6[%add3A_35, %dma_wait3A_96] : memref<10112x128xf32, #tpu.memory_space<vmem_shared>> -> memref<80x128xf32, #tpu.memory_space<vmem_shared>>
      %dma_wait3A_98 = arith.constant 0 : i32
      %dma_wait3A_99 = arith.constant 0 : i32
      %dma_wait3A_100 = tpu.memref_slice %arg5[%dma_wait3A_98, %dma_wait3A_99] : memref<80x128xf32, #tpu.memory_space<vmem>> -> memref<80x128xf32, #tpu.memory_space<vmem>>
      tpu.wait_dma2 semaphore(%run_scoped3A : memref<!tpu.dma_semaphore, #tpu.memory_space<semaphore_mem>>) src(%dma_wait3A_100 : memref<80x128xf32, #tpu.memory_space<vmem>>) dst(%dma_wait3A_97 : memref<80x128xf32, #tpu.memory_space<vmem_shared>>)
      tpu.yield
    }) : () -> ()
    %mul3A_36 = arith.constant 632 : i32
    %mul3A_37 = arith.muli %arg1, %mul3A_36 : i32
    %add3A_38 = arith.constant 560 : i32
    %add3A_39 = arith.addi %mul3A_37, %add3A_38 : i32
    "tpu.region"() ({
      %run_scoped3A = tpu.sem_alloc : memref<!tpu.dma_semaphore, #tpu.memory_space<semaphore_mem>>
      %dma_start3A = arith.constant 0 : i32
      %dma_start3A_83 = arith.constant 0 : i32
      %dma_start3A_84 = tpu.memref_slice %arg5[%dma_start3A, %dma_start3A_83] : memref<80x128xf32, #tpu.memory_space<vmem>> -> memref<72x128xf32, #tpu.memory_space<vmem>>
      %dma_start3A_85 = arith.constant 0 : i32
      %dma_start3A_86 = tpu.memref_slice %arg6[%add3A_39, %dma_start3A_85] : memref<10112x128xf32, #tpu.memory_space<vmem_shared>> -> memref<72x128xf32, #tpu.memory_space<vmem_shared>>
      %dma_start3A_87 = arith.constant 0 : i32
      %dma_start3A_88 = tpu.memref_slice %arg6[%add3A_39, %dma_start3A_87] : memref<10112x128xf32, #tpu.memory_space<vmem_shared>> -> memref<72x128xf32, #tpu.memory_space<vmem_shared>>
      %dma_start3A_89 = arith.constant 0 : i32
      %dma_start3A_90 = arith.constant 0 : i32
      %dma_start3A_91 = tpu.memref_slice %arg5[%dma_start3A_89, %dma_start3A_90] : memref<80x128xf32, #tpu.memory_space<vmem>> -> memref<72x128xf32, #tpu.memory_space<vmem>>
      tpu.enqueue_dma source(%dma_start3A_91 : memref<72x128xf32, #tpu.memory_space<vmem>>) target(%dma_start3A_88 : memref<72x128xf32, #tpu.memory_space<vmem_shared>>) target_semaphore(%run_scoped3A : memref<!tpu.dma_semaphore, #tpu.memory_space<semaphore_mem>>)
      %dma_wait3A = arith.constant 0 : i32
      %dma_wait3A_92 = arith.constant 0 : i32
      %dma_wait3A_93 = tpu.memref_slice %arg5[%dma_wait3A, %dma_wait3A_92] : memref<80x128xf32, #tpu.memory_space<vmem>> -> memref<72x128xf32, #tpu.memory_space<vmem>>
      %dma_wait3A_94 = arith.constant 0 : i32
      %dma_wait3A_95 = tpu.memref_slice %arg6[%add3A_39, %dma_wait3A_94] : memref<10112x128xf32, #tpu.memory_space<vmem_shared>> -> memref<72x128xf32, #tpu.memory_space<vmem_shared>>
      %dma_wait3A_96 = arith.constant 0 : i32
      %dma_wait3A_97 = tpu.memref_slice %arg6[%add3A_39, %dma_wait3A_96] : memref<10112x128xf32, #tpu.memory_space<vmem_shared>> -> memref<72x128xf32, #tpu.memory_space<vmem_shared>>
      %dma_wait3A_98 = arith.constant 0 : i32
      %dma_wait3A_99 = arith.constant 0 : i32
      %dma_wait3A_100 = tpu.memref_slice %arg5[%dma_wait3A_98, %dma_wait3A_99] : memref<80x128xf32, #tpu.memory_space<vmem>> -> memref<72x128xf32, #tpu.memory_space<vmem>>
      tpu.wait_dma2 semaphore(%run_scoped3A : memref<!tpu.dma_semaphore, #tpu.memory_space<semaphore_mem>>) src(%dma_wait3A_100 : memref<72x128xf32, #tpu.memory_space<vmem>>) dst(%dma_wait3A_97 : memref<72x128xf32, #tpu.memory_space<vmem_shared>>)
      tpu.yield
    }) : () -> ()
    %barrier3A = arith.constant 0 : index
    tpu.barrier barrier_id(%barrier3A)
    %scan3A_40 = arith.constant 0 : i32
    %scan3A_41 = arith.constant 80 : i32
    %scan3A_42 = arith.addi %scan3A_40, %scan3A_41 : i32
    %scan3A_43 = arith.constant 1 : i32
    scf.for %scan3A_83 = %scan3A_40 to %scan3A_42 step %scan3A_43  : i32 {
      %mul3A_84 = arith.constant 1 : i32
      %mul3A_85 = arith.muli %scan3A_83, %mul3A_84 : i32
      %add3A_86 = arith.constant 0 : i32
      %add3A_87 = arith.addi %add3A_86, %mul3A_85 : i32
      %swap3A = arith.index_cast %add3A_87 : i32 to index
      %swap3A_88 = arith.constant 0 : index
      %swap3A_89 = tpu.vector_load %arg5[%swap3A, %swap3A_88] {strides = array<i32>} : memref<80x128xf32, #tpu.memory_space<vmem>>, vector<1x16xf32>,
      %swap3A_90 = vector.shape_cast %swap3A_89 : vector<1x16xf32> to vector<16xf32>
      %swap3A_91 = vector.shape_cast %broadcast_in_dim3A_1 : vector<16xf32> to vector<1x16xf32>
      tpu.vector_store %arg5[%swap3A, %swap3A_88], %swap3A_91 {strides = array<i32>} : memref<80x128xf32, #tpu.memory_space<vmem>>, vector<1x16xf32>,
      %swap3A_92 = arith.index_cast %add3A_87 : i32 to index
      %swap3A_93 = arith.constant 16 : index
      %swap3A_94 = tpu.vector_load %arg5[%swap3A_92, %swap3A_93] {strides = array<i32>} : memref<80x128xf32, #tpu.memory_space<vmem>>, vector<1x16xf32>,
      %swap3A_95 = vector.shape_cast %swap3A_94 : vector<1x16xf32> to vector<16xf32>
      %swap3A_96 = vector.shape_cast %broadcast_in_dim3A_1 : vector<16xf32> to vector<1x16xf32>
      tpu.vector_store %arg5[%swap3A_92, %swap3A_93], %swap3A_96 {strides = array<i32>} : memref<80x128xf32, #tpu.memory_space<vmem>>, vector<1x16xf32>,
      %swap3A_97 = arith.index_cast %add3A_87 : i32 to index
      %swap3A_98 = arith.constant 32 : index
      %swap3A_99 = tpu.vector_load %arg5[%swap3A_97, %swap3A_98] {strides = array<i32>} : memref<80x128xf32, #tpu.memory_space<vmem>>, vector<1x16xf32>,
      %swap3A_100 = vector.shape_cast %swap3A_99 : vector<1x16xf32> to vector<16xf32>
      %swap3A_101 = vector.shape_cast %broadcast_in_dim3A_1 : vector<16xf32> to vector<1x16xf32>
      tpu.vector_store %arg5[%swap3A_97, %swap3A_98], %swap3A_101 {strides = array<i32>} : memref<80x128xf32, #tpu.memory_space<vmem>>, vector<1x16xf32>,
      %swap3A_102 = arith.index_cast %add3A_87 : i32 to index
      %swap3A_103 = arith.constant 48 : index
      %swap3A_104 = tpu.vector_load %arg5[%swap3A_102, %swap3A_103] {strides = array<i32>} : memref<80x128xf32, #tpu.memory_space<vmem>>, vector<1x16xf32>,
      %swap3A_105 = vector.shape_cast %swap3A_104 : vector<1x16xf32> to vector<16xf32>
      %swap3A_106 = vector.shape_cast %broadcast_in_dim3A_1 : vector<16xf32> to vector<1x16xf32>
      tpu.vector_store %arg5[%swap3A_102, %swap3A_103], %swap3A_106 {strides = array<i32>} : memref<80x128xf32, #tpu.memory_space<vmem>>, vector<1x16xf32>,
      %swap3A_107 = arith.index_cast %add3A_87 : i32 to index
      %swap3A_108 = arith.constant 64 : index
      %swap3A_109 = tpu.vector_load %arg5[%swap3A_107, %swap3A_108] {strides = array<i32>} : memref<80x128xf32, #tpu.memory_space<vmem>>, vector<1x16xf32>,
      %swap3A_110 = vector.shape_cast %swap3A_109 : vector<1x16xf32> to vector<16xf32>
      %swap3A_111 = vector.shape_cast %broadcast_in_dim3A_1 : vector<16xf32> to vector<1x16xf32>
      tpu.vector_store %arg5[%swap3A_107, %swap3A_108], %swap3A_111 {strides = array<i32>} : memref<80x128xf32, #tpu.memory_space<vmem>>, vector<1x16xf32>,
      %swap3A_112 = arith.index_cast %add3A_87 : i32 to index
      %swap3A_113 = arith.constant 80 : index
      %swap3A_114 = tpu.vector_load %arg5[%swap3A_112, %swap3A_113] {strides = array<i32>} : memref<80x128xf32, #tpu.memory_space<vmem>>, vector<1x16xf32>,
      %swap3A_115 = vector.shape_cast %swap3A_114 : vector<1x16xf32> to vector<16xf32>
      %swap3A_116 = vector.shape_cast %broadcast_in_dim3A_1 : vector<16xf32> to vector<1x16xf32>
      tpu.vector_store %arg5[%swap3A_112, %swap3A_113], %swap3A_116 {strides = array<i32>} : memref<80x128xf32, #tpu.memory_space<vmem>>, vector<1x16xf32>,
      %swap3A_117 = arith.index_cast %add3A_87 : i32 to index
      %swap3A_118 = arith.constant 96 : index
      %swap3A_119 = tpu.vector_load %arg5[%swap3A_117, %swap3A_118] {strides = array<i32>} : memref<80x128xf32, #tpu.memory_space<vmem>>, vector<1x16xf32>,
      %swap3A_120 = vector.shape_cast %swap3A_119 : vector<1x16xf32> to vector<16xf32>
      %swap3A_121 = vector.shape_cast %broadcast_in_dim3A_1 : vector<16xf32> to vector<1x16xf32>
      tpu.vector_store %arg5[%swap3A_117, %swap3A_118], %swap3A_121 {strides = array<i32>} : memref<80x128xf32, #tpu.memory_space<vmem>>, vector<1x16xf32>,
      %swap3A_122 = arith.index_cast %add3A_87 : i32 to index
      %swap3A_123 = arith.constant 112 : index
      %swap3A_124 = tpu.vector_load %arg5[%swap3A_122, %swap3A_123] {strides = array<i32>} : memref<80x128xf32, #tpu.memory_space<vmem>>, vector<1x16xf32>,
      %swap3A_125 = vector.shape_cast %swap3A_124 : vector<1x16xf32> to vector<16xf32>
      %swap3A_126 = vector.shape_cast %broadcast_in_dim3A_1 : vector<16xf32> to vector<1x16xf32>
      tpu.vector_store %arg5[%swap3A_122, %swap3A_123], %swap3A_126 {strides = array<i32>} : memref<80x128xf32, #tpu.memory_space<vmem>>, vector<1x16xf32>,
    }
    %scan3A_44 = arith.constant 80 : i32
    %scan3A_45 = arith.constant 0 : i32
    %scan3A_46 = arith.constant 126 : i32
    %scan3A_47 = arith.addi %scan3A_45, %scan3A_46 : i32
    %scan3A_48 = arith.constant 1 : i32
    scf.for %scan3A_83 = %scan3A_45 to %scan3A_47 step %scan3A_48  : i32 {
      %mul3A_84 = arith.constant 1 : i32
      %mul3A_85 = arith.muli %scan3A_83, %mul3A_84 : i32
      %add3A_86 = arith.constant 0 : i32
      %add3A_87 = arith.addi %add3A_86, %mul3A_85 : i32
      "tpu.region"() ({
        %run_scoped3A = tpu.sem_alloc : memref<!tpu.dma_semaphore, #tpu.memory_space<semaphore_mem>>
        %dma_start3A = arith.constant 0 : i32
        %dma_start3A_88 = tpu.memref_slice %arg4[%add3A_87, %dma_start3A] : memref<126x80xi32, #tpu.memory_space<vmem>> -> memref<1x80xi32, #tpu.memory_space<vmem>>
        %dma_start3A_89 = tpu.memref_squeeze %dma_start3A_88 : memref<1x80xi32, #tpu.memory_space<vmem>> -> memref<80xi32, #tpu.memory_space<vmem>>
        %dma_start3A_90 = arith.constant 0 : i32
        %dma_start3A_91 = arith.constant 0 : i32
        %dma_start3A_92 = tpu.memref_slice %arg6[%dma_start3A_90, %dma_start3A_91] : memref<10112x128xf32, #tpu.memory_space<vmem_shared>> -> memref<10112x128xf32, #tpu.memory_space<vmem_shared>>
        tpu.enqueue_indirect_dma source(%arg5 : memref<80x128xf32, #tpu.memory_space<vmem>>) target(%dma_start3A_92 : memref<10112x128xf32, #tpu.memory_space<vmem_shared>>) offsets(%dma_start3A_89 : memref<80xi32, #tpu.memory_space<vmem>>) semaphore(%run_scoped3A : memref<!tpu.dma_semaphore, #tpu.memory_space<semaphore_mem>>) {add = true}
        %dma_wait3A = arith.constant 0 : i32
        %dma_wait3A_93 = tpu.memref_slice %arg4[%add3A_87, %dma_wait3A] : memref<126x80xi32, #tpu.memory_space<vmem>> -> memref<1x80xi32, #tpu.memory_space<vmem>>
        %dma_wait3A_94 = tpu.memref_squeeze %dma_wait3A_93 : memref<1x80xi32, #tpu.memory_space<vmem>> -> memref<80xi32, #tpu.memory_space<vmem>>
        %dma_wait3A_95 = arith.constant 0 : i32
        %dma_wait3A_96 = arith.constant 0 : i32
        %dma_wait3A_97 = tpu.memref_slice %arg6[%dma_wait3A_95, %dma_wait3A_96] : memref<10112x128xf32, #tpu.memory_space<vmem_shared>> -> memref<10112x128xf32, #tpu.memory_space<vmem_shared>>
        tpu.wait_indirect_dma semaphore(%run_scoped3A : memref<!tpu.dma_semaphore, #tpu.memory_space<semaphore_mem>>) src(%arg5 : memref<80x128xf32, #tpu.memory_space<vmem>>) dst(%dma_wait3A_97 : memref<10112x128xf32, #tpu.memory_space<vmem_shared>>)
        tpu.yield
      }) : () -> ()
    }
    %scan3A_49 = arith.constant 126 : i32
    %barrier3A_50 = arith.constant 0 : index
    tpu.barrier barrier_id(%barrier3A_50)
    %mul3A_51 = arith.constant 632 : i32
    %mul3A_52 = arith.muli %arg1, %mul3A_51 : i32
    %add3A_53 = arith.constant 0 : i32
    %add3A_54 = arith.addi %mul3A_52, %add3A_53 : i32
    "tpu.region"() ({
      %run_scoped3A = tpu.sem_alloc : memref<!tpu.dma_semaphore, #tpu.memory_space<semaphore_mem>>
      %dma_start3A = arith.constant 0 : i32
      %dma_start3A_83 = tpu.memref_slice %arg3[%arg0, %add3A_54, %dma_start3A] : memref<2x10112x128xf32, #tpu.memory_space<hbm>> -> memref<1x80x128xf32, #tpu.memory_space<hbm>>
      %dma_start3A_84 = tpu.memref_squeeze %dma_start3A_83 : memref<1x80x128xf32, #tpu.memory_space<hbm>> -> memref<80x128xf32, #tpu.memory_space<hbm>>
      %dma_start3A_85 = arith.constant 0 : i32
      %dma_start3A_86 = tpu.memref_slice %arg6[%add3A_54, %dma_start3A_85] : memref<10112x128xf32, #tpu.memory_space<vmem_shared>> -> memref<80x128xf32, #tpu.memory_space<vmem_shared>>
      tpu.enqueue_dma source(%dma_start3A_86 : memref<80x128xf32, #tpu.memory_space<vmem_shared>>) target(%dma_start3A_84 : memref<80x128xf32, #tpu.memory_space<hbm>>) target_semaphore(%run_scoped3A : memref<!tpu.dma_semaphore, #tpu.memory_space<semaphore_mem>>)
      %dma_wait3A = arith.constant 0 : i32
      %dma_wait3A_87 = tpu.memref_slice %arg3[%arg0, %add3A_54, %dma_wait3A] : memref<2x10112x128xf32, #tpu.memory_space<hbm>> -> memref<1x80x128xf32, #tpu.memory_space<hbm>>
      %dma_wait3A_88 = tpu.memref_squeeze %dma_wait3A_87 : memref<1x80x128xf32, #tpu.memory_space<hbm>> -> memref<80x128xf32, #tpu.memory_space<hbm>>
      %dma_wait3A_89 = arith.constant 0 : i32
      %dma_wait3A_90 = tpu.memref_slice %arg6[%add3A_54, %dma_wait3A_89] : memref<10112x128xf32, #tpu.memory_space<vmem_shared>> -> memref<80x128xf32, #tpu.memory_space<vmem_shared>>
      tpu.wait_dma2 semaphore(%run_scoped3A : memref<!tpu.dma_semaphore, #tpu.memory_space<semaphore_mem>>) src(%dma_wait3A_90 : memref<80x128xf32, #tpu.memory_space<vmem_shared>>) dst(%dma_wait3A_88 : memref<80x128xf32, #tpu.memory_space<hbm>>)
      tpu.yield
    }) : () -> ()
    %mul3A_55 = arith.constant 632 : i32
    %mul3A_56 = arith.muli %arg1, %mul3A_55 : i32
    %add3A_57 = arith.constant 80 : i32
    %add3A_58 = arith.addi %mul3A_56, %add3A_57 : i32
    "tpu.region"() ({
      %run_scoped3A = tpu.sem_alloc : memref<!tpu.dma_semaphore, #tpu.memory_space<semaphore_mem>>
      %dma_start3A = arith.constant 0 : i32
      %dma_start3A_83 = tpu.memref_slice %arg3[%arg0, %add3A_58, %dma_start3A] : memref<2x10112x128xf32, #tpu.memory_space<hbm>> -> memref<1x80x128xf32, #tpu.memory_space<hbm>>
      %dma_start3A_84 = tpu.memref_squeeze %dma_start3A_83 : memref<1x80x128xf32, #tpu.memory_space<hbm>> -> memref<80x128xf32, #tpu.memory_space<hbm>>
      %dma_start3A_85 = arith.constant 0 : i32
      %dma_start3A_86 = tpu.memref_slice %arg6[%add3A_58, %dma_start3A_85] : memref<10112x128xf32, #tpu.memory_space<vmem_shared>> -> memref<80x128xf32, #tpu.memory_space<vmem_shared>>
      tpu.enqueue_dma source(%dma_start3A_86 : memref<80x128xf32, #tpu.memory_space<vmem_shared>>) target(%dma_start3A_84 : memref<80x128xf32, #tpu.memory_space<hbm>>) target_semaphore(%run_scoped3A : memref<!tpu.dma_semaphore, #tpu.memory_space<semaphore_mem>>)
      %dma_wait3A = arith.constant 0 : i32
      %dma_wait3A_87 = tpu.memref_slice %arg3[%arg0, %add3A_58, %dma_wait3A] : memref<2x10112x128xf32, #tpu.memory_space<hbm>> -> memref<1x80x128xf32, #tpu.memory_space<hbm>>
      %dma_wait3A_88 = tpu.memref_squeeze %dma_wait3A_87 : memref<1x80x128xf32, #tpu.memory_space<hbm>> -> memref<80x128xf32, #tpu.memory_space<hbm>>
      %dma_wait3A_89 = arith.constant 0 : i32
      %dma_wait3A_90 = tpu.memref_slice %arg6[%add3A_58, %dma_wait3A_89] : memref<10112x128xf32, #tpu.memory_space<vmem_shared>> -> memref<80x128xf32, #tpu.memory_space<vmem_shared>>
      tpu.wait_dma2 semaphore(%run_scoped3A : memref<!tpu.dma_semaphore, #tpu.memory_space<semaphore_mem>>) src(%dma_wait3A_90 : memref<80x128xf32, #tpu.memory_space<vmem_shared>>) dst(%dma_wait3A_88 : memref<80x128xf32, #tpu.memory_space<hbm>>)
      tpu.yield
    }) : () -> ()
    %mul3A_59 = arith.constant 632 : i32
    %mul3A_60 = arith.muli %arg1, %mul3A_59 : i32
    %add3A_61 = arith.constant 160 : i32
    %add3A_62 = arith.addi %mul3A_60, %add3A_61 : i32
    "tpu.region"() ({
      %run_scoped3A = tpu.sem_alloc : memref<!tpu.dma_semaphore, #tpu.memory_space<semaphore_mem>>
      %dma_start3A = arith.constant 0 : i32
      %dma_start3A_83 = tpu.memref_slice %arg3[%arg0, %add3A_62, %dma_start3A] : memref<2x10112x128xf32, #tpu.memory_space<hbm>> -> memref<1x80x128xf32, #tpu.memory_space<hbm>>
      %dma_start3A_84 = tpu.memref_squeeze %dma_start3A_83 : memref<1x80x128xf32, #tpu.memory_space<hbm>> -> memref<80x128xf32, #tpu.memory_space<hbm>>
      %dma_start3A_85 = arith.constant 0 : i32
      %dma_start3A_86 = tpu.memref_slice %arg6[%add3A_62, %dma_start3A_85] : memref<10112x128xf32, #tpu.memory_space<vmem_shared>> -> memref<80x128xf32, #tpu.memory_space<vmem_shared>>
      tpu.enqueue_dma source(%dma_start3A_86 : memref<80x128xf32, #tpu.memory_space<vmem_shared>>) target(%dma_start3A_84 : memref<80x128xf32, #tpu.memory_space<hbm>>) target_semaphore(%run_scoped3A : memref<!tpu.dma_semaphore, #tpu.memory_space<semaphore_mem>>)
      %dma_wait3A = arith.constant 0 : i32
      %dma_wait3A_87 = tpu.memref_slice %arg3[%arg0, %add3A_62, %dma_wait3A] : memref<2x10112x128xf32, #tpu.memory_space<hbm>> -> memref<1x80x128xf32, #tpu.memory_space<hbm>>
      %dma_wait3A_88 = tpu.memref_squeeze %dma_wait3A_87 : memref<1x80x128xf32, #tpu.memory_space<hbm>> -> memref<80x128xf32, #tpu.memory_space<hbm>>
      %dma_wait3A_89 = arith.constant 0 : i32
      %dma_wait3A_90 = tpu.memref_slice %arg6[%add3A_62, %dma_wait3A_89] : memref<10112x128xf32, #tpu.memory_space<vmem_shared>> -> memref<80x128xf32, #tpu.memory_space<vmem_shared>>
      tpu.wait_dma2 semaphore(%run_scoped3A : memref<!tpu.dma_semaphore, #tpu.memory_space<semaphore_mem>>) src(%dma_wait3A_90 : memref<80x128xf32, #tpu.memory_space<vmem_shared>>) dst(%dma_wait3A_88 : memref<80x128xf32, #tpu.memory_space<hbm>>)
      tpu.yield
    }) : () -> ()
    %mul3A_63 = arith.constant 632 : i32
    %mul3A_64 = arith.muli %arg1, %mul3A_63 : i32
    %add3A_65 = arith.constant 240 : i32
    %add3A_66 = arith.addi %mul3A_64, %add3A_65 : i32
    "tpu.region"() ({
      %run_scoped3A = tpu.sem_alloc : memref<!tpu.dma_semaphore, #tpu.memory_space<semaphore_mem>>
      %dma_start3A = arith.constant 0 : i32
      %dma_start3A_83 = tpu.memref_slice %arg3[%arg0, %add3A_66, %dma_start3A] : memref<2x10112x128xf32, #tpu.memory_space<hbm>> -> memref<1x80x128xf32, #tpu.memory_space<hbm>>
      %dma_start3A_84 = tpu.memref_squeeze %dma_start3A_83 : memref<1x80x128xf32, #tpu.memory_space<hbm>> -> memref<80x128xf32, #tpu.memory_space<hbm>>
      %dma_start3A_85 = arith.constant 0 : i32
      %dma_start3A_86 = tpu.memref_slice %arg6[%add3A_66, %dma_start3A_85] : memref<10112x128xf32, #tpu.memory_space<vmem_shared>> -> memref<80x128xf32, #tpu.memory_space<vmem_shared>>
      tpu.enqueue_dma source(%dma_start3A_86 : memref<80x128xf32, #tpu.memory_space<vmem_shared>>) target(%dma_start3A_84 : memref<80x128xf32, #tpu.memory_space<hbm>>) target_semaphore(%run_scoped3A : memref<!tpu.dma_semaphore, #tpu.memory_space<semaphore_mem>>)
      %dma_wait3A = arith.constant 0 : i32
      %dma_wait3A_87 = tpu.memref_slice %arg3[%arg0, %add3A_66, %dma_wait3A] : memref<2x10112x128xf32, #tpu.memory_space<hbm>> -> memref<1x80x128xf32, #tpu.memory_space<hbm>>
      %dma_wait3A_88 = tpu.memref_squeeze %dma_wait3A_87 : memref<1x80x128xf32, #tpu.memory_space<hbm>> -> memref<80x128xf32, #tpu.memory_space<hbm>>
      %dma_wait3A_89 = arith.constant 0 : i32
      %dma_wait3A_90 = tpu.memref_slice %arg6[%add3A_66, %dma_wait3A_89] : memref<10112x128xf32, #tpu.memory_space<vmem_shared>> -> memref<80x128xf32, #tpu.memory_space<vmem_shared>>
      tpu.wait_dma2 semaphore(%run_scoped3A : memref<!tpu.dma_semaphore, #tpu.memory_space<semaphore_mem>>) src(%dma_wait3A_90 : memref<80x128xf32, #tpu.memory_space<vmem_shared>>) dst(%dma_wait3A_88 : memref<80x128xf32, #tpu.memory_space<hbm>>)
      tpu.yield
    }) : () -> ()
    %mul3A_67 = arith.constant 632 : i32
    %mul3A_68 = arith.muli %arg1, %mul3A_67 : i32
    %add3A_69 = arith.constant 320 : i32
    %add3A_70 = arith.addi %mul3A_68, %add3A_69 : i32
    "tpu.region"() ({
      %run_scoped3A = tpu.sem_alloc : memref<!tpu.dma_semaphore, #tpu.memory_space<semaphore_mem>>
      %dma_start3A = arith.constant 0 : i32
      %dma_start3A_83 = tpu.memref_slice %arg3[%arg0, %add3A_70, %dma_start3A] : memref<2x10112x128xf32, #tpu.memory_space<hbm>> -> memref<1x80x128xf32, #tpu.memory_space<hbm>>
      %dma_start3A_84 = tpu.memref_squeeze %dma_start3A_83 : memref<1x80x128xf32, #tpu.memory_space<hbm>> -> memref<80x128xf32, #tpu.memory_space<hbm>>
      %dma_start3A_85 = arith.constant 0 : i32
      %dma_start3A_86 = tpu.memref_slice %arg6[%add3A_70, %dma_start3A_85] : memref<10112x128xf32, #tpu.memory_space<vmem_shared>> -> memref<80x128xf32, #tpu.memory_space<vmem_shared>>
      tpu.enqueue_dma source(%dma_start3A_86 : memref<80x128xf32, #tpu.memory_space<vmem_shared>>) target(%dma_start3A_84 : memref<80x128xf32, #tpu.memory_space<hbm>>) target_semaphore(%run_scoped3A : memref<!tpu.dma_semaphore, #tpu.memory_space<semaphore_mem>>)
      %dma_wait3A = arith.constant 0 : i32
      %dma_wait3A_87 = tpu.memref_slice %arg3[%arg0, %add3A_70, %dma_wait3A] : memref<2x10112x128xf32, #tpu.memory_space<hbm>> -> memref<1x80x128xf32, #tpu.memory_space<hbm>>
      %dma_wait3A_88 = tpu.memref_squeeze %dma_wait3A_87 : memref<1x80x128xf32, #tpu.memory_space<hbm>> -> memref<80x128xf32, #tpu.memory_space<hbm>>
      %dma_wait3A_89 = arith.constant 0 : i32
      %dma_wait3A_90 = tpu.memref_slice %arg6[%add3A_70, %dma_wait3A_89] : memref<10112x128xf32, #tpu.memory_space<vmem_shared>> -> memref<80x128xf32, #tpu.memory_space<vmem_shared>>
      tpu.wait_dma2 semaphore(%run_scoped3A : memref<!tpu.dma_semaphore, #tpu.memory_space<semaphore_mem>>) src(%dma_wait3A_90 : memref<80x128xf32, #tpu.memory_space<vmem_shared>>) dst(%dma_wait3A_88 : memref<80x128xf32, #tpu.memory_space<hbm>>)
      tpu.yield
    }) : () -> ()
    %mul3A_71 = arith.constant 632 : i32
    %mul3A_72 = arith.muli %arg1, %mul3A_71 : i32
    %add3A_73 = arith.constant 400 : i32
    %add3A_74 = arith.addi %mul3A_72, %add3A_73 : i32
    "tpu.region"() ({
      %run_scoped3A = tpu.sem_alloc : memref<!tpu.dma_semaphore, #tpu.memory_space<semaphore_mem>>
      %dma_start3A = arith.constant 0 : i32
      %dma_start3A_83 = tpu.memref_slice %arg3[%arg0, %add3A_74, %dma_start3A] : memref<2x10112x128xf32, #tpu.memory_space<hbm>> -> memref<1x80x128xf32, #tpu.memory_space<hbm>>
      %dma_start3A_84 = tpu.memref_squeeze %dma_start3A_83 : memref<1x80x128xf32, #tpu.memory_space<hbm>> -> memref<80x128xf32, #tpu.memory_space<hbm>>
      %dma_start3A_85 = arith.constant 0 : i32
      %dma_start3A_86 = tpu.memref_slice %arg6[%add3A_74, %dma_start3A_85] : memref<10112x128xf32, #tpu.memory_space<vmem_shared>> -> memref<80x128xf32, #tpu.memory_space<vmem_shared>>
      tpu.enqueue_dma source(%dma_start3A_86 : memref<80x128xf32, #tpu.memory_space<vmem_shared>>) target(%dma_start3A_84 : memref<80x128xf32, #tpu.memory_space<hbm>>) target_semaphore(%run_scoped3A : memref<!tpu.dma_semaphore, #tpu.memory_space<semaphore_mem>>)
      %dma_wait3A = arith.constant 0 : i32
      %dma_wait3A_87 = tpu.memref_slice %arg3[%arg0, %add3A_74, %dma_wait3A] : memref<2x10112x128xf32, #tpu.memory_space<hbm>> -> memref<1x80x128xf32, #tpu.memory_space<hbm>>
      %dma_wait3A_88 = tpu.memref_squeeze %dma_wait3A_87 : memref<1x80x128xf32, #tpu.memory_space<hbm>> -> memref<80x128xf32, #tpu.memory_space<hbm>>
      %dma_wait3A_89 = arith.constant 0 : i32
      %dma_wait3A_90 = tpu.memref_slice %arg6[%add3A_74, %dma_wait3A_89] : memref<10112x128xf32, #tpu.memory_space<vmem_shared>> -> memref<80x128xf32, #tpu.memory_space<vmem_shared>>
      tpu.wait_dma2 semaphore(%run_scoped3A : memref<!tpu.dma_semaphore, #tpu.memory_space<semaphore_mem>>) src(%dma_wait3A_90 : memref<80x128xf32, #tpu.memory_space<vmem_shared>>) dst(%dma_wait3A_88 : memref<80x128xf32, #tpu.memory_space<hbm>>)
      tpu.yield
    }) : () -> ()
    %mul3A_75 = arith.constant 632 : i32
    %mul3A_76 = arith.muli %arg1, %mul3A_75 : i32
    %add3A_77 = arith.constant 480 : i32
    %add3A_78 = arith.addi %mul3A_76, %add3A_77 : i32
    "tpu.region"() ({
      %run_scoped3A = tpu.sem_alloc : memref<!tpu.dma_semaphore, #tpu.memory_space<semaphore_mem>>
      %dma_start3A = arith.constant 0 : i32
      %dma_start3A_83 = tpu.memref_slice %arg3[%arg0, %add3A_78, %dma_start3A] : memref<2x10112x128xf32, #tpu.memory_space<hbm>> -> memref<1x80x128xf32, #tpu.memory_space<hbm>>
      %dma_start3A_84 = tpu.memref_squeeze %dma_start3A_83 : memref<1x80x128xf32, #tpu.memory_space<hbm>> -> memref<80x128xf32, #tpu.memory_space<hbm>>
      %dma_start3A_85 = arith.constant 0 : i32
      %dma_start3A_86 = tpu.memref_slice %arg6[%add3A_78, %dma_start3A_85] : memref<10112x128xf32, #tpu.memory_space<vmem_shared>> -> memref<80x128xf32, #tpu.memory_space<vmem_shared>>
      tpu.enqueue_dma source(%dma_start3A_86 : memref<80x128xf32, #tpu.memory_space<vmem_shared>>) target(%dma_start3A_84 : memref<80x128xf32, #tpu.memory_space<hbm>>) target_semaphore(%run_scoped3A : memref<!tpu.dma_semaphore, #tpu.memory_space<semaphore_mem>>)
      %dma_wait3A = arith.constant 0 : i32
      %dma_wait3A_87 = tpu.memref_slice %arg3[%arg0, %add3A_78, %dma_wait3A] : memref<2x10112x128xf32, #tpu.memory_space<hbm>> -> memref<1x80x128xf32, #tpu.memory_space<hbm>>
      %dma_wait3A_88 = tpu.memref_squeeze %dma_wait3A_87 : memref<1x80x128xf32, #tpu.memory_space<hbm>> -> memref<80x128xf32, #tpu.memory_space<hbm>>
      %dma_wait3A_89 = arith.constant 0 : i32
      %dma_wait3A_90 = tpu.memref_slice %arg6[%add3A_78, %dma_wait3A_89] : memref<10112x128xf32, #tpu.memory_space<vmem_shared>> -> memref<80x128xf32, #tpu.memory_space<vmem_shared>>
      tpu.wait_dma2 semaphore(%run_scoped3A : memref<!tpu.dma_semaphore, #tpu.memory_space<semaphore_mem>>) src(%dma_wait3A_90 : memref<80x128xf32, #tpu.memory_space<vmem_shared>>) dst(%dma_wait3A_88 : memref<80x128xf32, #tpu.memory_space<hbm>>)
      tpu.yield
    }) : () -> ()
    %mul3A_79 = arith.constant 632 : i32
    %mul3A_80 = arith.muli %arg1, %mul3A_79 : i32
    %add3A_81 = arith.constant 560 : i32
    %add3A_82 = arith.addi %mul3A_80, %add3A_81 : i32
    "tpu.region"() ({
      %run_scoped3A = tpu.sem_alloc : memref<!tpu.dma_semaphore, #tpu.memory_space<semaphore_mem>>
      %dma_start3A = arith.constant 0 : i32
      %dma_start3A_83 = tpu.memref_slice %arg3[%arg0, %add3A_82, %dma_start3A] : memref<2x10112x128xf32, #tpu.memory_space<hbm>> -> memref<1x72x128xf32, #tpu.memory_space<hbm>>
      %dma_start3A_84 = tpu.memref_squeeze %dma_start3A_83 : memref<1x72x128xf32, #tpu.memory_space<hbm>> -> memref<72x128xf32, #tpu.memory_space<hbm>>
      %dma_start3A_85 = arith.constant 0 : i32
      %dma_start3A_86 = tpu.memref_slice %arg6[%add3A_82, %dma_start3A_85] : memref<10112x128xf32, #tpu.memory_space<vmem_shared>> -> memref<72x128xf32, #tpu.memory_space<vmem_shared>>
      tpu.enqueue_dma source(%dma_start3A_86 : memref<72x128xf32, #tpu.memory_space<vmem_shared>>) target(%dma_start3A_84 : memref<72x128xf32, #tpu.memory_space<hbm>>) target_semaphore(%run_scoped3A : memref<!tpu.dma_semaphore, #tpu.memory_space<semaphore_mem>>)
      %dma_wait3A = arith.constant 0 : i32
      %dma_wait3A_87 = tpu.memref_slice %arg3[%arg0, %add3A_82, %dma_wait3A] : memref<2x10112x128xf32, #tpu.memory_space<hbm>> -> memref<1x72x128xf32, #tpu.memory_space<hbm>>
      %dma_wait3A_88 = tpu.memref_squeeze %dma_wait3A_87 : memref<1x72x128xf32, #tpu.memory_space<hbm>> -> memref<72x128xf32, #tpu.memory_space<hbm>>
      %dma_wait3A_89 = arith.constant 0 : i32
      %dma_wait3A_90 = tpu.memref_slice %arg6[%add3A_82, %dma_wait3A_89] : memref<10112x128xf32, #tpu.memory_space<vmem_shared>> -> memref<72x128xf32, #tpu.memory_space<vmem_shared>>
      tpu.wait_dma2 semaphore(%run_scoped3A : memref<!tpu.dma_semaphore, #tpu.memory_space<semaphore_mem>>) src(%dma_wait3A_90 : memref<72x128xf32, #tpu.memory_space<vmem_shared>>) dst(%dma_wait3A_88 : memref<72x128xf32, #tpu.memory_space<hbm>>)
      tpu.yield
    }) : () -> ()
    return
  }
}

#map = affine_map<(d0, d1) -> (0, 0)>
#map1 = affine_map<(d0, d1) -> (0, 0, 0)>
module attributes {stable_mosaic.version = 14 : i64} {
  func.func @_sc_edge_scatter(%arg0: i32, %arg1: i32, %arg2: memref<10000x128xf32, #tpu.memory_space<hbm>>, %arg3: memref<32x10080xi32, #tpu.memory_space<hbm>>, %arg4: memref<32x126x80xi32, #tpu.memory_space<hbm>>, %arg5: memref<2x10112x128xf32, #tpu.memory_space<hbm>>, %arg6: memref<10080xi32, #tpu.memory_space<vmem>>, %arg7: memref<126x80xi32, #tpu.memory_space<vmem>>, %arg8: memref<160x128xf32, #tpu.memory_space<vmem>>, %arg9: memref<10112x128xf32, #tpu.memory_space<vmem_shared>>, %arg10: memref<!tpu.dma_semaphore, #tpu.memory_space<semaphore_mem>>) attributes {dimension_semantics = [#tpu.dimension_semantics<core_parallel>, #tpu.dimension_semantics<subcore_parallel>], iteration_bounds = array<i64: 2, 16>, scalar_prefetch = 0 : i64, scratch_operands = 5 : i64, tpu.core_type = #tpu.core_type<sc_vector_subcore>, window_params = [{transform_indices = #map}, {transform_indices = #map}, {transform_indices = #map1}, {transform_indices = #map1}]} {
    %mul3A = arith.constant 16 : i32
    %mul3A_0 = arith.muli %arg0, %mul3A : i32
    %add3A = arith.addi %mul3A_0, %arg1 : i32
    "tpu.region"() ({
      %run_scoped3A = tpu.sem_alloc : memref<!tpu.dma_semaphore, #tpu.memory_space<semaphore_mem>>
      %dma_start3A = arith.constant 0 : i32
      %dma_start3A_44 = tpu.memref_slice %arg3[%add3A, %dma_start3A] : memref<32x10080xi32, #tpu.memory_space<hbm>> -> memref<1x10080xi32, #tpu.memory_space<hbm>>
      %dma_start3A_45 = tpu.memref_squeeze %dma_start3A_44 : memref<1x10080xi32, #tpu.memory_space<hbm>> -> memref<10080xi32, #tpu.memory_space<hbm>>
      %dma_start3A_46 = arith.constant 0 : i32
      %dma_start3A_47 = tpu.memref_slice %arg3[%add3A, %dma_start3A_46] : memref<32x10080xi32, #tpu.memory_space<hbm>> -> memref<1x10080xi32, #tpu.memory_space<hbm>>
      %dma_start3A_48 = tpu.memref_squeeze %dma_start3A_47 : memref<1x10080xi32, #tpu.memory_space<hbm>> -> memref<10080xi32, #tpu.memory_space<hbm>>
      tpu.enqueue_dma source(%dma_start3A_48 : memref<10080xi32, #tpu.memory_space<hbm>>) target(%arg6 : memref<10080xi32, #tpu.memory_space<vmem>>) target_semaphore(%run_scoped3A : memref<!tpu.dma_semaphore, #tpu.memory_space<semaphore_mem>>)
      %dma_wait3A = arith.constant 0 : i32
      %dma_wait3A_49 = tpu.memref_slice %arg3[%add3A, %dma_wait3A] : memref<32x10080xi32, #tpu.memory_space<hbm>> -> memref<1x10080xi32, #tpu.memory_space<hbm>>
      %dma_wait3A_50 = tpu.memref_squeeze %dma_wait3A_49 : memref<1x10080xi32, #tpu.memory_space<hbm>> -> memref<10080xi32, #tpu.memory_space<hbm>>
      %dma_wait3A_51 = arith.constant 0 : i32
      %dma_wait3A_52 = tpu.memref_slice %arg3[%add3A, %dma_wait3A_51] : memref<32x10080xi32, #tpu.memory_space<hbm>> -> memref<1x10080xi32, #tpu.memory_space<hbm>>
      %dma_wait3A_53 = tpu.memref_squeeze %dma_wait3A_52 : memref<1x10080xi32, #tpu.memory_space<hbm>> -> memref<10080xi32, #tpu.memory_space<hbm>>
      tpu.wait_dma2 semaphore(%run_scoped3A : memref<!tpu.dma_semaphore, #tpu.memory_space<semaphore_mem>>) src(%dma_wait3A_53 : memref<10080xi32, #tpu.memory_space<hbm>>) dst(%arg6 : memref<10080xi32, #tpu.memory_space<vmem>>)
      tpu.yield
    }) : () -> ()
    "tpu.region"() ({
      %run_scoped3A = tpu.sem_alloc : memref<!tpu.dma_semaphore, #tpu.memory_space<semaphore_mem>>
      %dma_start3A = arith.constant 0 : i32
      %dma_start3A_44 = arith.constant 0 : i32
      %dma_start3A_45 = tpu.memref_slice %arg4[%add3A, %dma_start3A, %dma_start3A_44] : memref<32x126x80xi32, #tpu.memory_space<hbm>> -> memref<1x126x80xi32, #tpu.memory_space<hbm>>
      %dma_start3A_46 = tpu.memref_squeeze %dma_start3A_45 : memref<1x126x80xi32, #tpu.memory_space<hbm>> -> memref<126x80xi32, #tpu.memory_space<hbm>>
      %dma_start3A_47 = arith.constant 0 : i32
      %dma_start3A_48 = arith.constant 0 : i32
      %dma_start3A_49 = tpu.memref_slice %arg4[%add3A, %dma_start3A_47, %dma_start3A_48] : memref<32x126x80xi32, #tpu.memory_space<hbm>> -> memref<1x126x80xi32, #tpu.memory_space<hbm>>
      %dma_start3A_50 = tpu.memref_squeeze %dma_start3A_49 : memref<1x126x80xi32, #tpu.memory_space<hbm>> -> memref<126x80xi32, #tpu.memory_space<hbm>>
      tpu.enqueue_dma source(%dma_start3A_50 : memref<126x80xi32, #tpu.memory_space<hbm>>) target(%arg7 : memref<126x80xi32, #tpu.memory_space<vmem>>) target_semaphore(%run_scoped3A : memref<!tpu.dma_semaphore, #tpu.memory_space<semaphore_mem>>)
      %dma_wait3A = arith.constant 0 : i32
      %dma_wait3A_51 = arith.constant 0 : i32
      %dma_wait3A_52 = tpu.memref_slice %arg4[%add3A, %dma_wait3A, %dma_wait3A_51] : memref<32x126x80xi32, #tpu.memory_space<hbm>> -> memref<1x126x80xi32, #tpu.memory_space<hbm>>
      %dma_wait3A_53 = tpu.memref_squeeze %dma_wait3A_52 : memref<1x126x80xi32, #tpu.memory_space<hbm>> -> memref<126x80xi32, #tpu.memory_space<hbm>>
      %dma_wait3A_54 = arith.constant 0 : i32
      %dma_wait3A_55 = arith.constant 0 : i32
      %dma_wait3A_56 = tpu.memref_slice %arg4[%add3A, %dma_wait3A_54, %dma_wait3A_55] : memref<32x126x80xi32, #tpu.memory_space<hbm>> -> memref<1x126x80xi32, #tpu.memory_space<hbm>>
      %dma_wait3A_57 = tpu.memref_squeeze %dma_wait3A_56 : memref<1x126x80xi32, #tpu.memory_space<hbm>> -> memref<126x80xi32, #tpu.memory_space<hbm>>
      tpu.wait_dma2 semaphore(%run_scoped3A : memref<!tpu.dma_semaphore, #tpu.memory_space<semaphore_mem>>) src(%dma_wait3A_57 : memref<126x80xi32, #tpu.memory_space<hbm>>) dst(%arg7 : memref<126x80xi32, #tpu.memory_space<vmem>>)
      tpu.yield
    }) : () -> ()
    %broadcast_in_dim3A = arith.constant 0.000000e+00 : f32
    %broadcast_in_dim3A_1 = vector.broadcast %broadcast_in_dim3A : f32 to vector<16xf32>
    %scan3A = arith.constant 0 : i32
    %scan3A_2 = arith.constant 160 : i32
    %scan3A_3 = arith.addi %scan3A, %scan3A_2 : i32
    %scan3A_4 = arith.constant 1 : i32
    scf.for %scan3A_44 = %scan3A to %scan3A_3 step %scan3A_4  : i32 {
      %mul3A_45 = arith.constant 1 : i32
      %mul3A_46 = arith.muli %scan3A_44, %mul3A_45 : i32
      %add3A_47 = arith.constant 0 : i32
      %add3A_48 = arith.addi %add3A_47, %mul3A_46 : i32
      %swap3A = arith.index_cast %add3A_48 : i32 to index
      %swap3A_49 = arith.constant 0 : index
      %swap3A_50 = tpu.vector_load %arg8[%swap3A, %swap3A_49] {strides = array<i32>} : memref<160x128xf32, #tpu.memory_space<vmem>>, vector<1x16xf32>,
      %swap3A_51 = vector.shape_cast %swap3A_50 : vector<1x16xf32> to vector<16xf32>
      %swap3A_52 = vector.shape_cast %broadcast_in_dim3A_1 : vector<16xf32> to vector<1x16xf32>
      tpu.vector_store %arg8[%swap3A, %swap3A_49], %swap3A_52 {strides = array<i32>} : memref<160x128xf32, #tpu.memory_space<vmem>>, vector<1x16xf32>,
      %swap3A_53 = arith.index_cast %add3A_48 : i32 to index
      %swap3A_54 = arith.constant 16 : index
      %swap3A_55 = tpu.vector_load %arg8[%swap3A_53, %swap3A_54] {strides = array<i32>} : memref<160x128xf32, #tpu.memory_space<vmem>>, vector<1x16xf32>,
      %swap3A_56 = vector.shape_cast %swap3A_55 : vector<1x16xf32> to vector<16xf32>
      %swap3A_57 = vector.shape_cast %broadcast_in_dim3A_1 : vector<16xf32> to vector<1x16xf32>
      tpu.vector_store %arg8[%swap3A_53, %swap3A_54], %swap3A_57 {strides = array<i32>} : memref<160x128xf32, #tpu.memory_space<vmem>>, vector<1x16xf32>,
      %swap3A_58 = arith.index_cast %add3A_48 : i32 to index
      %swap3A_59 = arith.constant 32 : index
      %swap3A_60 = tpu.vector_load %arg8[%swap3A_58, %swap3A_59] {strides = array<i32>} : memref<160x128xf32, #tpu.memory_space<vmem>>, vector<1x16xf32>,
      %swap3A_61 = vector.shape_cast %swap3A_60 : vector<1x16xf32> to vector<16xf32>
      %swap3A_62 = vector.shape_cast %broadcast_in_dim3A_1 : vector<16xf32> to vector<1x16xf32>
      tpu.vector_store %arg8[%swap3A_58, %swap3A_59], %swap3A_62 {strides = array<i32>} : memref<160x128xf32, #tpu.memory_space<vmem>>, vector<1x16xf32>,
      %swap3A_63 = arith.index_cast %add3A_48 : i32 to index
      %swap3A_64 = arith.constant 48 : index
      %swap3A_65 = tpu.vector_load %arg8[%swap3A_63, %swap3A_64] {strides = array<i32>} : memref<160x128xf32, #tpu.memory_space<vmem>>, vector<1x16xf32>,
      %swap3A_66 = vector.shape_cast %swap3A_65 : vector<1x16xf32> to vector<16xf32>
      %swap3A_67 = vector.shape_cast %broadcast_in_dim3A_1 : vector<16xf32> to vector<1x16xf32>
      tpu.vector_store %arg8[%swap3A_63, %swap3A_64], %swap3A_67 {strides = array<i32>} : memref<160x128xf32, #tpu.memory_space<vmem>>, vector<1x16xf32>,
      %swap3A_68 = arith.index_cast %add3A_48 : i32 to index
      %swap3A_69 = arith.constant 64 : index
      %swap3A_70 = tpu.vector_load %arg8[%swap3A_68, %swap3A_69] {strides = array<i32>} : memref<160x128xf32, #tpu.memory_space<vmem>>, vector<1x16xf32>,
      %swap3A_71 = vector.shape_cast %swap3A_70 : vector<1x16xf32> to vector<16xf32>
      %swap3A_72 = vector.shape_cast %broadcast_in_dim3A_1 : vector<16xf32> to vector<1x16xf32>
      tpu.vector_store %arg8[%swap3A_68, %swap3A_69], %swap3A_72 {strides = array<i32>} : memref<160x128xf32, #tpu.memory_space<vmem>>, vector<1x16xf32>,
      %swap3A_73 = arith.index_cast %add3A_48 : i32 to index
      %swap3A_74 = arith.constant 80 : index
      %swap3A_75 = tpu.vector_load %arg8[%swap3A_73, %swap3A_74] {strides = array<i32>} : memref<160x128xf32, #tpu.memory_space<vmem>>, vector<1x16xf32>,
      %swap3A_76 = vector.shape_cast %swap3A_75 : vector<1x16xf32> to vector<16xf32>
      %swap3A_77 = vector.shape_cast %broadcast_in_dim3A_1 : vector<16xf32> to vector<1x16xf32>
      tpu.vector_store %arg8[%swap3A_73, %swap3A_74], %swap3A_77 {strides = array<i32>} : memref<160x128xf32, #tpu.memory_space<vmem>>, vector<1x16xf32>,
      %swap3A_78 = arith.index_cast %add3A_48 : i32 to index
      %swap3A_79 = arith.constant 96 : index
      %swap3A_80 = tpu.vector_load %arg8[%swap3A_78, %swap3A_79] {strides = array<i32>} : memref<160x128xf32, #tpu.memory_space<vmem>>, vector<1x16xf32>,
      %swap3A_81 = vector.shape_cast %swap3A_80 : vector<1x16xf32> to vector<16xf32>
      %swap3A_82 = vector.shape_cast %broadcast_in_dim3A_1 : vector<16xf32> to vector<1x16xf32>
      tpu.vector_store %arg8[%swap3A_78, %swap3A_79], %swap3A_82 {strides = array<i32>} : memref<160x128xf32, #tpu.memory_space<vmem>>, vector<1x16xf32>,
      %swap3A_83 = arith.index_cast %add3A_48 : i32 to index
      %swap3A_84 = arith.constant 112 : index
      %swap3A_85 = tpu.vector_load %arg8[%swap3A_83, %swap3A_84] {strides = array<i32>} : memref<160x128xf32, #tpu.memory_space<vmem>>, vector<1x16xf32>,
      %swap3A_86 = vector.shape_cast %swap3A_85 : vector<1x16xf32> to vector<16xf32>
      %swap3A_87 = vector.shape_cast %broadcast_in_dim3A_1 : vector<16xf32> to vector<1x16xf32>
      tpu.vector_store %arg8[%swap3A_83, %swap3A_84], %swap3A_87 {strides = array<i32>} : memref<160x128xf32, #tpu.memory_space<vmem>>, vector<1x16xf32>,
    }
    %scan3A_5 = arith.constant 160 : i32
    %mul3A_6 = arith.constant 632 : i32
    %mul3A_7 = arith.muli %arg1, %mul3A_6 : i32
    %add3A_8 = arith.constant 0 : i32
    %add3A_9 = arith.addi %mul3A_7, %add3A_8 : i32
    "tpu.region"() ({
      %run_scoped3A = tpu.sem_alloc : memref<!tpu.dma_semaphore, #tpu.memory_space<semaphore_mem>>
      %dma_start3A = arith.constant 0 : i32
      %dma_start3A_44 = arith.constant 0 : i32
      %dma_start3A_45 = tpu.memref_slice %arg8[%dma_start3A, %dma_start3A_44] : memref<160x128xf32, #tpu.memory_space<vmem>> -> memref<160x128xf32, #tpu.memory_space<vmem>>
      %dma_start3A_46 = arith.constant 0 : i32
      %dma_start3A_47 = tpu.memref_slice %arg9[%add3A_9, %dma_start3A_46] : memref<10112x128xf32, #tpu.memory_space<vmem_shared>> -> memref<160x128xf32, #tpu.memory_space<vmem_shared>>
      %dma_start3A_48 = arith.constant 0 : i32
      %dma_start3A_49 = tpu.memref_slice %arg9[%add3A_9, %dma_start3A_48] : memref<10112x128xf32, #tpu.memory_space<vmem_shared>> -> memref<160x128xf32, #tpu.memory_space<vmem_shared>>
      %dma_start3A_50 = arith.constant 0 : i32
      %dma_start3A_51 = arith.constant 0 : i32
      %dma_start3A_52 = tpu.memref_slice %arg8[%dma_start3A_50, %dma_start3A_51] : memref<160x128xf32, #tpu.memory_space<vmem>> -> memref<160x128xf32, #tpu.memory_space<vmem>>
      tpu.enqueue_dma source(%dma_start3A_52 : memref<160x128xf32, #tpu.memory_space<vmem>>) target(%dma_start3A_49 : memref<160x128xf32, #tpu.memory_space<vmem_shared>>) target_semaphore(%run_scoped3A : memref<!tpu.dma_semaphore, #tpu.memory_space<semaphore_mem>>)
      %dma_wait3A = arith.constant 0 : i32
      %dma_wait3A_53 = arith.constant 0 : i32
      %dma_wait3A_54 = tpu.memref_slice %arg8[%dma_wait3A, %dma_wait3A_53] : memref<160x128xf32, #tpu.memory_space<vmem>> -> memref<160x128xf32, #tpu.memory_space<vmem>>
      %dma_wait3A_55 = arith.constant 0 : i32
      %dma_wait3A_56 = tpu.memref_slice %arg9[%add3A_9, %dma_wait3A_55] : memref<10112x128xf32, #tpu.memory_space<vmem_shared>> -> memref<160x128xf32, #tpu.memory_space<vmem_shared>>
      %dma_wait3A_57 = arith.constant 0 : i32
      %dma_wait3A_58 = tpu.memref_slice %arg9[%add3A_9, %dma_wait3A_57] : memref<10112x128xf32, #tpu.memory_space<vmem_shared>> -> memref<160x128xf32, #tpu.memory_space<vmem_shared>>
      %dma_wait3A_59 = arith.constant 0 : i32
      %dma_wait3A_60 = arith.constant 0 : i32
      %dma_wait3A_61 = tpu.memref_slice %arg8[%dma_wait3A_59, %dma_wait3A_60] : memref<160x128xf32, #tpu.memory_space<vmem>> -> memref<160x128xf32, #tpu.memory_space<vmem>>
      tpu.wait_dma2 semaphore(%run_scoped3A : memref<!tpu.dma_semaphore, #tpu.memory_space<semaphore_mem>>) src(%dma_wait3A_61 : memref<160x128xf32, #tpu.memory_space<vmem>>) dst(%dma_wait3A_58 : memref<160x128xf32, #tpu.memory_space<vmem_shared>>)
      tpu.yield
    }) : () -> ()
    %mul3A_10 = arith.constant 632 : i32
    %mul3A_11 = arith.muli %arg1, %mul3A_10 : i32
    %add3A_12 = arith.constant 160 : i32
    %add3A_13 = arith.addi %mul3A_11, %add3A_12 : i32
    "tpu.region"() ({
      %run_scoped3A = tpu.sem_alloc : memref<!tpu.dma_semaphore, #tpu.memory_space<semaphore_mem>>
      %dma_start3A = arith.constant 0 : i32
      %dma_start3A_44 = arith.constant 0 : i32
      %dma_start3A_45 = tpu.memref_slice %arg8[%dma_start3A, %dma_start3A_44] : memref<160x128xf32, #tpu.memory_space<vmem>> -> memref<160x128xf32, #tpu.memory_space<vmem>>
      %dma_start3A_46 = arith.constant 0 : i32
      %dma_start3A_47 = tpu.memref_slice %arg9[%add3A_13, %dma_start3A_46] : memref<10112x128xf32, #tpu.memory_space<vmem_shared>> -> memref<160x128xf32, #tpu.memory_space<vmem_shared>>
      %dma_start3A_48 = arith.constant 0 : i32
      %dma_start3A_49 = tpu.memref_slice %arg9[%add3A_13, %dma_start3A_48] : memref<10112x128xf32, #tpu.memory_space<vmem_shared>> -> memref<160x128xf32, #tpu.memory_space<vmem_shared>>
      %dma_start3A_50 = arith.constant 0 : i32
      %dma_start3A_51 = arith.constant 0 : i32
      %dma_start3A_52 = tpu.memref_slice %arg8[%dma_start3A_50, %dma_start3A_51] : memref<160x128xf32, #tpu.memory_space<vmem>> -> memref<160x128xf32, #tpu.memory_space<vmem>>
      tpu.enqueue_dma source(%dma_start3A_52 : memref<160x128xf32, #tpu.memory_space<vmem>>) target(%dma_start3A_49 : memref<160x128xf32, #tpu.memory_space<vmem_shared>>) target_semaphore(%run_scoped3A : memref<!tpu.dma_semaphore, #tpu.memory_space<semaphore_mem>>)
      %dma_wait3A = arith.constant 0 : i32
      %dma_wait3A_53 = arith.constant 0 : i32
      %dma_wait3A_54 = tpu.memref_slice %arg8[%dma_wait3A, %dma_wait3A_53] : memref<160x128xf32, #tpu.memory_space<vmem>> -> memref<160x128xf32, #tpu.memory_space<vmem>>
      %dma_wait3A_55 = arith.constant 0 : i32
      %dma_wait3A_56 = tpu.memref_slice %arg9[%add3A_13, %dma_wait3A_55] : memref<10112x128xf32, #tpu.memory_space<vmem_shared>> -> memref<160x128xf32, #tpu.memory_space<vmem_shared>>
      %dma_wait3A_57 = arith.constant 0 : i32
      %dma_wait3A_58 = tpu.memref_slice %arg9[%add3A_13, %dma_wait3A_57] : memref<10112x128xf32, #tpu.memory_space<vmem_shared>> -> memref<160x128xf32, #tpu.memory_space<vmem_shared>>
      %dma_wait3A_59 = arith.constant 0 : i32
      %dma_wait3A_60 = arith.constant 0 : i32
      %dma_wait3A_61 = tpu.memref_slice %arg8[%dma_wait3A_59, %dma_wait3A_60] : memref<160x128xf32, #tpu.memory_space<vmem>> -> memref<160x128xf32, #tpu.memory_space<vmem>>
      tpu.wait_dma2 semaphore(%run_scoped3A : memref<!tpu.dma_semaphore, #tpu.memory_space<semaphore_mem>>) src(%dma_wait3A_61 : memref<160x128xf32, #tpu.memory_space<vmem>>) dst(%dma_wait3A_58 : memref<160x128xf32, #tpu.memory_space<vmem_shared>>)
      tpu.yield
    }) : () -> ()
    %mul3A_14 = arith.constant 632 : i32
    %mul3A_15 = arith.muli %arg1, %mul3A_14 : i32
    %add3A_16 = arith.constant 320 : i32
    %add3A_17 = arith.addi %mul3A_15, %add3A_16 : i32
    "tpu.region"() ({
      %run_scoped3A = tpu.sem_alloc : memref<!tpu.dma_semaphore, #tpu.memory_space<semaphore_mem>>
      %dma_start3A = arith.constant 0 : i32
      %dma_start3A_44 = arith.constant 0 : i32
      %dma_start3A_45 = tpu.memref_slice %arg8[%dma_start3A, %dma_start3A_44] : memref<160x128xf32, #tpu.memory_space<vmem>> -> memref<160x128xf32, #tpu.memory_space<vmem>>
      %dma_start3A_46 = arith.constant 0 : i32
      %dma_start3A_47 = tpu.memref_slice %arg9[%add3A_17, %dma_start3A_46] : memref<10112x128xf32, #tpu.memory_space<vmem_shared>> -> memref<160x128xf32, #tpu.memory_space<vmem_shared>>
      %dma_start3A_48 = arith.constant 0 : i32
      %dma_start3A_49 = tpu.memref_slice %arg9[%add3A_17, %dma_start3A_48] : memref<10112x128xf32, #tpu.memory_space<vmem_shared>> -> memref<160x128xf32, #tpu.memory_space<vmem_shared>>
      %dma_start3A_50 = arith.constant 0 : i32
      %dma_start3A_51 = arith.constant 0 : i32
      %dma_start3A_52 = tpu.memref_slice %arg8[%dma_start3A_50, %dma_start3A_51] : memref<160x128xf32, #tpu.memory_space<vmem>> -> memref<160x128xf32, #tpu.memory_space<vmem>>
      tpu.enqueue_dma source(%dma_start3A_52 : memref<160x128xf32, #tpu.memory_space<vmem>>) target(%dma_start3A_49 : memref<160x128xf32, #tpu.memory_space<vmem_shared>>) target_semaphore(%run_scoped3A : memref<!tpu.dma_semaphore, #tpu.memory_space<semaphore_mem>>)
      %dma_wait3A = arith.constant 0 : i32
      %dma_wait3A_53 = arith.constant 0 : i32
      %dma_wait3A_54 = tpu.memref_slice %arg8[%dma_wait3A, %dma_wait3A_53] : memref<160x128xf32, #tpu.memory_space<vmem>> -> memref<160x128xf32, #tpu.memory_space<vmem>>
      %dma_wait3A_55 = arith.constant 0 : i32
      %dma_wait3A_56 = tpu.memref_slice %arg9[%add3A_17, %dma_wait3A_55] : memref<10112x128xf32, #tpu.memory_space<vmem_shared>> -> memref<160x128xf32, #tpu.memory_space<vmem_shared>>
      %dma_wait3A_57 = arith.constant 0 : i32
      %dma_wait3A_58 = tpu.memref_slice %arg9[%add3A_17, %dma_wait3A_57] : memref<10112x128xf32, #tpu.memory_space<vmem_shared>> -> memref<160x128xf32, #tpu.memory_space<vmem_shared>>
      %dma_wait3A_59 = arith.constant 0 : i32
      %dma_wait3A_60 = arith.constant 0 : i32
      %dma_wait3A_61 = tpu.memref_slice %arg8[%dma_wait3A_59, %dma_wait3A_60] : memref<160x128xf32, #tpu.memory_space<vmem>> -> memref<160x128xf32, #tpu.memory_space<vmem>>
      tpu.wait_dma2 semaphore(%run_scoped3A : memref<!tpu.dma_semaphore, #tpu.memory_space<semaphore_mem>>) src(%dma_wait3A_61 : memref<160x128xf32, #tpu.memory_space<vmem>>) dst(%dma_wait3A_58 : memref<160x128xf32, #tpu.memory_space<vmem_shared>>)
      tpu.yield
    }) : () -> ()
    %mul3A_18 = arith.constant 632 : i32
    %mul3A_19 = arith.muli %arg1, %mul3A_18 : i32
    %add3A_20 = arith.constant 480 : i32
    %add3A_21 = arith.addi %mul3A_19, %add3A_20 : i32
    "tpu.region"() ({
      %run_scoped3A = tpu.sem_alloc : memref<!tpu.dma_semaphore, #tpu.memory_space<semaphore_mem>>
      %dma_start3A = arith.constant 0 : i32
      %dma_start3A_44 = arith.constant 0 : i32
      %dma_start3A_45 = tpu.memref_slice %arg8[%dma_start3A, %dma_start3A_44] : memref<160x128xf32, #tpu.memory_space<vmem>> -> memref<152x128xf32, #tpu.memory_space<vmem>>
      %dma_start3A_46 = arith.constant 0 : i32
      %dma_start3A_47 = tpu.memref_slice %arg9[%add3A_21, %dma_start3A_46] : memref<10112x128xf32, #tpu.memory_space<vmem_shared>> -> memref<152x128xf32, #tpu.memory_space<vmem_shared>>
      %dma_start3A_48 = arith.constant 0 : i32
      %dma_start3A_49 = tpu.memref_slice %arg9[%add3A_21, %dma_start3A_48] : memref<10112x128xf32, #tpu.memory_space<vmem_shared>> -> memref<152x128xf32, #tpu.memory_space<vmem_shared>>
      %dma_start3A_50 = arith.constant 0 : i32
      %dma_start3A_51 = arith.constant 0 : i32
      %dma_start3A_52 = tpu.memref_slice %arg8[%dma_start3A_50, %dma_start3A_51] : memref<160x128xf32, #tpu.memory_space<vmem>> -> memref<152x128xf32, #tpu.memory_space<vmem>>
      tpu.enqueue_dma source(%dma_start3A_52 : memref<152x128xf32, #tpu.memory_space<vmem>>) target(%dma_start3A_49 : memref<152x128xf32, #tpu.memory_space<vmem_shared>>) target_semaphore(%run_scoped3A : memref<!tpu.dma_semaphore, #tpu.memory_space<semaphore_mem>>)
      %dma_wait3A = arith.constant 0 : i32
      %dma_wait3A_53 = arith.constant 0 : i32
      %dma_wait3A_54 = tpu.memref_slice %arg8[%dma_wait3A, %dma_wait3A_53] : memref<160x128xf32, #tpu.memory_space<vmem>> -> memref<152x128xf32, #tpu.memory_space<vmem>>
      %dma_wait3A_55 = arith.constant 0 : i32
      %dma_wait3A_56 = tpu.memref_slice %arg9[%add3A_21, %dma_wait3A_55] : memref<10112x128xf32, #tpu.memory_space<vmem_shared>> -> memref<152x128xf32, #tpu.memory_space<vmem_shared>>
      %dma_wait3A_57 = arith.constant 0 : i32
      %dma_wait3A_58 = tpu.memref_slice %arg9[%add3A_21, %dma_wait3A_57] : memref<10112x128xf32, #tpu.memory_space<vmem_shared>> -> memref<152x128xf32, #tpu.memory_space<vmem_shared>>
      %dma_wait3A_59 = arith.constant 0 : i32
      %dma_wait3A_60 = arith.constant 0 : i32
      %dma_wait3A_61 = tpu.memref_slice %arg8[%dma_wait3A_59, %dma_wait3A_60] : memref<160x128xf32, #tpu.memory_space<vmem>> -> memref<152x128xf32, #tpu.memory_space<vmem>>
      tpu.wait_dma2 semaphore(%run_scoped3A : memref<!tpu.dma_semaphore, #tpu.memory_space<semaphore_mem>>) src(%dma_wait3A_61 : memref<152x128xf32, #tpu.memory_space<vmem>>) dst(%dma_wait3A_58 : memref<152x128xf32, #tpu.memory_space<vmem_shared>>)
      tpu.yield
    }) : () -> ()
    %barrier3A = arith.constant 0 : index
    tpu.barrier barrier_id(%barrier3A)
    %scan3A_22 = arith.constant 0 : i32
    %scan3A_23 = arith.constant 63 : i32
    %scan3A_24 = arith.addi %scan3A_22, %scan3A_23 : i32
    %scan3A_25 = arith.constant 1 : i32
    scf.for %scan3A_44 = %scan3A_22 to %scan3A_24 step %scan3A_25  : i32 {
      %mul3A_45 = arith.constant 1 : i32
      %mul3A_46 = arith.muli %scan3A_44, %mul3A_45 : i32
      %add3A_47 = arith.constant 0 : i32
      %add3A_48 = arith.addi %add3A_47, %mul3A_46 : i32
      %mul3A_49 = arith.constant 160 : i32
      %mul3A_50 = arith.muli %add3A_48, %mul3A_49 : i32
      %dma_start3A = tpu.memref_slice %arg6[%mul3A_50] : memref<10080xi32, #tpu.memory_space<vmem>> -> memref<160xi32, #tpu.memory_space<vmem>>
      %dma_start3A_51 = arith.constant 0 : i32
      %dma_start3A_52 = arith.constant 0 : i32
      %dma_start3A_53 = tpu.memref_slice %arg2[%dma_start3A_51, %dma_start3A_52] : memref<10000x128xf32, #tpu.memory_space<hbm>> -> memref<10000x128xf32, #tpu.memory_space<hbm>>
      tpu.enqueue_indirect_dma source(%dma_start3A_53 : memref<10000x128xf32, #tpu.memory_space<hbm>>) target(%arg8 : memref<160x128xf32, #tpu.memory_space<vmem>>) offsets(%dma_start3A : memref<160xi32, #tpu.memory_space<vmem>>) semaphore(%arg10 : memref<!tpu.dma_semaphore, #tpu.memory_space<semaphore_mem>>)
      %dma_wait3A = tpu.memref_slice %arg6[%mul3A_50] : memref<10080xi32, #tpu.memory_space<vmem>> -> memref<160xi32, #tpu.memory_space<vmem>>
      %dma_wait3A_54 = arith.constant 0 : i32
      %dma_wait3A_55 = arith.constant 0 : i32
      %dma_wait3A_56 = tpu.memref_slice %arg2[%dma_wait3A_54, %dma_wait3A_55] : memref<10000x128xf32, #tpu.memory_space<hbm>> -> memref<10000x128xf32, #tpu.memory_space<hbm>>
      tpu.wait_indirect_dma semaphore(%arg10 : memref<!tpu.dma_semaphore, #tpu.memory_space<semaphore_mem>>) src(%dma_wait3A_56 : memref<10000x128xf32, #tpu.memory_space<hbm>>) dst(%arg8 : memref<160x128xf32, #tpu.memory_space<vmem>>)
      %mul3A_57 = arith.constant 2 : i32
      %mul3A_58 = arith.muli %add3A_48, %mul3A_57 : i32
      %add3A_59 = arith.constant 0 : i32
      %add3A_60 = arith.addi %mul3A_58, %add3A_59 : i32
      "tpu.region"() ({
        %run_scoped3A = tpu.sem_alloc : memref<!tpu.dma_semaphore, #tpu.memory_space<semaphore_mem>>
        %dma_start3A_65 = arith.constant 0 : i32
        %dma_start3A_66 = arith.constant 0 : i32
        %dma_start3A_67 = tpu.memref_slice %arg8[%dma_start3A_65, %dma_start3A_66] : memref<160x128xf32, #tpu.memory_space<vmem>> -> memref<80x128xf32, #tpu.memory_space<vmem>>
        %dma_start3A_68 = arith.constant 0 : i32
        %dma_start3A_69 = tpu.memref_slice %arg7[%add3A_60, %dma_start3A_68] : memref<126x80xi32, #tpu.memory_space<vmem>> -> memref<1x80xi32, #tpu.memory_space<vmem>>
        %dma_start3A_70 = tpu.memref_squeeze %dma_start3A_69 : memref<1x80xi32, #tpu.memory_space<vmem>> -> memref<80xi32, #tpu.memory_space<vmem>>
        %dma_start3A_71 = arith.constant 0 : i32
        %dma_start3A_72 = arith.constant 0 : i32
        %dma_start3A_73 = tpu.memref_slice %arg9[%dma_start3A_71, %dma_start3A_72] : memref<10112x128xf32, #tpu.memory_space<vmem_shared>> -> memref<10112x128xf32, #tpu.memory_space<vmem_shared>>
        tpu.enqueue_indirect_dma source(%dma_start3A_67 : memref<80x128xf32, #tpu.memory_space<vmem>>) target(%dma_start3A_73 : memref<10112x128xf32, #tpu.memory_space<vmem_shared>>) offsets(%dma_start3A_70 : memref<80xi32, #tpu.memory_space<vmem>>) semaphore(%run_scoped3A : memref<!tpu.dma_semaphore, #tpu.memory_space<semaphore_mem>>) {add = true}
        %dma_wait3A_74 = arith.constant 0 : i32
        %dma_wait3A_75 = arith.constant 0 : i32
        %dma_wait3A_76 = tpu.memref_slice %arg8[%dma_wait3A_74, %dma_wait3A_75] : memref<160x128xf32, #tpu.memory_space<vmem>> -> memref<80x128xf32, #tpu.memory_space<vmem>>
        %dma_wait3A_77 = arith.constant 0 : i32
        %dma_wait3A_78 = tpu.memref_slice %arg7[%add3A_60, %dma_wait3A_77] : memref<126x80xi32, #tpu.memory_space<vmem>> -> memref<1x80xi32, #tpu.memory_space<vmem>>
        %dma_wait3A_79 = tpu.memref_squeeze %dma_wait3A_78 : memref<1x80xi32, #tpu.memory_space<vmem>> -> memref<80xi32, #tpu.memory_space<vmem>>
        %dma_wait3A_80 = arith.constant 0 : i32
        %dma_wait3A_81 = arith.constant 0 : i32
        %dma_wait3A_82 = tpu.memref_slice %arg9[%dma_wait3A_80, %dma_wait3A_81] : memref<10112x128xf32, #tpu.memory_space<vmem_shared>> -> memref<10112x128xf32, #tpu.memory_space<vmem_shared>>
        tpu.wait_indirect_dma semaphore(%run_scoped3A : memref<!tpu.dma_semaphore, #tpu.memory_space<semaphore_mem>>) src(%dma_wait3A_76 : memref<80x128xf32, #tpu.memory_space<vmem>>) dst(%dma_wait3A_82 : memref<10112x128xf32, #tpu.memory_space<vmem_shared>>)
        tpu.yield
      }) : () -> ()
      %mul3A_61 = arith.constant 2 : i32
      %mul3A_62 = arith.muli %add3A_48, %mul3A_61 : i32
      %add3A_63 = arith.constant 1 : i32
      %add3A_64 = arith.addi %mul3A_62, %add3A_63 : i32
      "tpu.region"() ({
        %run_scoped3A = tpu.sem_alloc : memref<!tpu.dma_semaphore, #tpu.memory_space<semaphore_mem>>
        %dma_start3A_65 = arith.constant 80 : i32
        %dma_start3A_66 = arith.constant 0 : i32
        %dma_start3A_67 = tpu.memref_slice %arg8[%dma_start3A_65, %dma_start3A_66] : memref<160x128xf32, #tpu.memory_space<vmem>> -> memref<80x128xf32, #tpu.memory_space<vmem>>
        %dma_start3A_68 = arith.constant 0 : i32
        %dma_start3A_69 = tpu.memref_slice %arg7[%add3A_64, %dma_start3A_68] : memref<126x80xi32, #tpu.memory_space<vmem>> -> memref<1x80xi32, #tpu.memory_space<vmem>>
        %dma_start3A_70 = tpu.memref_squeeze %dma_start3A_69 : memref<1x80xi32, #tpu.memory_space<vmem>> -> memref<80xi32, #tpu.memory_space<vmem>>
        %dma_start3A_71 = arith.constant 0 : i32
        %dma_start3A_72 = arith.constant 0 : i32
        %dma_start3A_73 = tpu.memref_slice %arg9[%dma_start3A_71, %dma_start3A_72] : memref<10112x128xf32, #tpu.memory_space<vmem_shared>> -> memref<10112x128xf32, #tpu.memory_space<vmem_shared>>
        tpu.enqueue_indirect_dma source(%dma_start3A_67 : memref<80x128xf32, #tpu.memory_space<vmem>>) target(%dma_start3A_73 : memref<10112x128xf32, #tpu.memory_space<vmem_shared>>) offsets(%dma_start3A_70 : memref<80xi32, #tpu.memory_space<vmem>>) semaphore(%run_scoped3A : memref<!tpu.dma_semaphore, #tpu.memory_space<semaphore_mem>>) {add = true}
        %dma_wait3A_74 = arith.constant 80 : i32
        %dma_wait3A_75 = arith.constant 0 : i32
        %dma_wait3A_76 = tpu.memref_slice %arg8[%dma_wait3A_74, %dma_wait3A_75] : memref<160x128xf32, #tpu.memory_space<vmem>> -> memref<80x128xf32, #tpu.memory_space<vmem>>
        %dma_wait3A_77 = arith.constant 0 : i32
        %dma_wait3A_78 = tpu.memref_slice %arg7[%add3A_64, %dma_wait3A_77] : memref<126x80xi32, #tpu.memory_space<vmem>> -> memref<1x80xi32, #tpu.memory_space<vmem>>
        %dma_wait3A_79 = tpu.memref_squeeze %dma_wait3A_78 : memref<1x80xi32, #tpu.memory_space<vmem>> -> memref<80xi32, #tpu.memory_space<vmem>>
        %dma_wait3A_80 = arith.constant 0 : i32
        %dma_wait3A_81 = arith.constant 0 : i32
        %dma_wait3A_82 = tpu.memref_slice %arg9[%dma_wait3A_80, %dma_wait3A_81] : memref<10112x128xf32, #tpu.memory_space<vmem_shared>> -> memref<10112x128xf32, #tpu.memory_space<vmem_shared>>
        tpu.wait_indirect_dma semaphore(%run_scoped3A : memref<!tpu.dma_semaphore, #tpu.memory_space<semaphore_mem>>) src(%dma_wait3A_76 : memref<80x128xf32, #tpu.memory_space<vmem>>) dst(%dma_wait3A_82 : memref<10112x128xf32, #tpu.memory_space<vmem_shared>>)
        tpu.yield
      }) : () -> ()
    }
    %scan3A_26 = arith.constant 63 : i32
    %barrier3A_27 = arith.constant 0 : index
    tpu.barrier barrier_id(%barrier3A_27)
    %mul3A_28 = arith.constant 632 : i32
    %mul3A_29 = arith.muli %arg1, %mul3A_28 : i32
    %add3A_30 = arith.constant 0 : i32
    %add3A_31 = arith.addi %mul3A_29, %add3A_30 : i32
    "tpu.region"() ({
      %run_scoped3A = tpu.sem_alloc : memref<!tpu.dma_semaphore, #tpu.memory_space<semaphore_mem>>
      %dma_start3A = arith.constant 0 : i32
      %dma_start3A_44 = tpu.memref_slice %arg5[%arg0, %add3A_31, %dma_start3A] : memref<2x10112x128xf32, #tpu.memory_space<hbm>> -> memref<1x160x128xf32, #tpu.memory_space<hbm>>
      %dma_start3A_45 = tpu.memref_squeeze %dma_start3A_44 : memref<1x160x128xf32, #tpu.memory_space<hbm>> -> memref<160x128xf32, #tpu.memory_space<hbm>>
      %dma_start3A_46 = arith.constant 0 : i32
      %dma_start3A_47 = tpu.memref_slice %arg9[%add3A_31, %dma_start3A_46] : memref<10112x128xf32, #tpu.memory_space<vmem_shared>> -> memref<160x128xf32, #tpu.memory_space<vmem_shared>>
      tpu.enqueue_dma source(%dma_start3A_47 : memref<160x128xf32, #tpu.memory_space<vmem_shared>>) target(%dma_start3A_45 : memref<160x128xf32, #tpu.memory_space<hbm>>) target_semaphore(%run_scoped3A : memref<!tpu.dma_semaphore, #tpu.memory_space<semaphore_mem>>)
      %dma_wait3A = arith.constant 0 : i32
      %dma_wait3A_48 = tpu.memref_slice %arg5[%arg0, %add3A_31, %dma_wait3A] : memref<2x10112x128xf32, #tpu.memory_space<hbm>> -> memref<1x160x128xf32, #tpu.memory_space<hbm>>
      %dma_wait3A_49 = tpu.memref_squeeze %dma_wait3A_48 : memref<1x160x128xf32, #tpu.memory_space<hbm>> -> memref<160x128xf32, #tpu.memory_space<hbm>>
      %dma_wait3A_50 = arith.constant 0 : i32
      %dma_wait3A_51 = tpu.memref_slice %arg9[%add3A_31, %dma_wait3A_50] : memref<10112x128xf32, #tpu.memory_space<vmem_shared>> -> memref<160x128xf32, #tpu.memory_space<vmem_shared>>
      tpu.wait_dma2 semaphore(%run_scoped3A : memref<!tpu.dma_semaphore, #tpu.memory_space<semaphore_mem>>) src(%dma_wait3A_51 : memref<160x128xf32, #tpu.memory_space<vmem_shared>>) dst(%dma_wait3A_49 : memref<160x128xf32, #tpu.memory_space<hbm>>)
      tpu.yield
    }) : () -> ()
    %mul3A_32 = arith.constant 632 : i32
    %mul3A_33 = arith.muli %arg1, %mul3A_32 : i32
    %add3A_34 = arith.constant 160 : i32
    %add3A_35 = arith.addi %mul3A_33, %add3A_34 : i32
    "tpu.region"() ({
      %run_scoped3A = tpu.sem_alloc : memref<!tpu.dma_semaphore, #tpu.memory_space<semaphore_mem>>
      %dma_start3A = arith.constant 0 : i32
      %dma_start3A_44 = tpu.memref_slice %arg5[%arg0, %add3A_35, %dma_start3A] : memref<2x10112x128xf32, #tpu.memory_space<hbm>> -> memref<1x160x128xf32, #tpu.memory_space<hbm>>
      %dma_start3A_45 = tpu.memref_squeeze %dma_start3A_44 : memref<1x160x128xf32, #tpu.memory_space<hbm>> -> memref<160x128xf32, #tpu.memory_space<hbm>>
      %dma_start3A_46 = arith.constant 0 : i32
      %dma_start3A_47 = tpu.memref_slice %arg9[%add3A_35, %dma_start3A_46] : memref<10112x128xf32, #tpu.memory_space<vmem_shared>> -> memref<160x128xf32, #tpu.memory_space<vmem_shared>>
      tpu.enqueue_dma source(%dma_start3A_47 : memref<160x128xf32, #tpu.memory_space<vmem_shared>>) target(%dma_start3A_45 : memref<160x128xf32, #tpu.memory_space<hbm>>) target_semaphore(%run_scoped3A : memref<!tpu.dma_semaphore, #tpu.memory_space<semaphore_mem>>)
      %dma_wait3A = arith.constant 0 : i32
      %dma_wait3A_48 = tpu.memref_slice %arg5[%arg0, %add3A_35, %dma_wait3A] : memref<2x10112x128xf32, #tpu.memory_space<hbm>> -> memref<1x160x128xf32, #tpu.memory_space<hbm>>
      %dma_wait3A_49 = tpu.memref_squeeze %dma_wait3A_48 : memref<1x160x128xf32, #tpu.memory_space<hbm>> -> memref<160x128xf32, #tpu.memory_space<hbm>>
      %dma_wait3A_50 = arith.constant 0 : i32
      %dma_wait3A_51 = tpu.memref_slice %arg9[%add3A_35, %dma_wait3A_50] : memref<10112x128xf32, #tpu.memory_space<vmem_shared>> -> memref<160x128xf32, #tpu.memory_space<vmem_shared>>
      tpu.wait_dma2 semaphore(%run_scoped3A : memref<!tpu.dma_semaphore, #tpu.memory_space<semaphore_mem>>) src(%dma_wait3A_51 : memref<160x128xf32, #tpu.memory_space<vmem_shared>>) dst(%dma_wait3A_49 : memref<160x128xf32, #tpu.memory_space<hbm>>)
      tpu.yield
    }) : () -> ()
    %mul3A_36 = arith.constant 632 : i32
    %mul3A_37 = arith.muli %arg1, %mul3A_36 : i32
    %add3A_38 = arith.constant 320 : i32
    %add3A_39 = arith.addi %mul3A_37, %add3A_38 : i32
    "tpu.region"() ({
      %run_scoped3A = tpu.sem_alloc : memref<!tpu.dma_semaphore, #tpu.memory_space<semaphore_mem>>
      %dma_start3A = arith.constant 0 : i32
      %dma_start3A_44 = tpu.memref_slice %arg5[%arg0, %add3A_39, %dma_start3A] : memref<2x10112x128xf32, #tpu.memory_space<hbm>> -> memref<1x160x128xf32, #tpu.memory_space<hbm>>
      %dma_start3A_45 = tpu.memref_squeeze %dma_start3A_44 : memref<1x160x128xf32, #tpu.memory_space<hbm>> -> memref<160x128xf32, #tpu.memory_space<hbm>>
      %dma_start3A_46 = arith.constant 0 : i32
      %dma_start3A_47 = tpu.memref_slice %arg9[%add3A_39, %dma_start3A_46] : memref<10112x128xf32, #tpu.memory_space<vmem_shared>> -> memref<160x128xf32, #tpu.memory_space<vmem_shared>>
      tpu.enqueue_dma source(%dma_start3A_47 : memref<160x128xf32, #tpu.memory_space<vmem_shared>>) target(%dma_start3A_45 : memref<160x128xf32, #tpu.memory_space<hbm>>) target_semaphore(%run_scoped3A : memref<!tpu.dma_semaphore, #tpu.memory_space<semaphore_mem>>)
      %dma_wait3A = arith.constant 0 : i32
      %dma_wait3A_48 = tpu.memref_slice %arg5[%arg0, %add3A_39, %dma_wait3A] : memref<2x10112x128xf32, #tpu.memory_space<hbm>> -> memref<1x160x128xf32, #tpu.memory_space<hbm>>
      %dma_wait3A_49 = tpu.memref_squeeze %dma_wait3A_48 : memref<1x160x128xf32, #tpu.memory_space<hbm>> -> memref<160x128xf32, #tpu.memory_space<hbm>>
      %dma_wait3A_50 = arith.constant 0 : i32
      %dma_wait3A_51 = tpu.memref_slice %arg9[%add3A_39, %dma_wait3A_50] : memref<10112x128xf32, #tpu.memory_space<vmem_shared>> -> memref<160x128xf32, #tpu.memory_space<vmem_shared>>
      tpu.wait_dma2 semaphore(%run_scoped3A : memref<!tpu.dma_semaphore, #tpu.memory_space<semaphore_mem>>) src(%dma_wait3A_51 : memref<160x128xf32, #tpu.memory_space<vmem_shared>>) dst(%dma_wait3A_49 : memref<160x128xf32, #tpu.memory_space<hbm>>)
      tpu.yield
    }) : () -> ()
    %mul3A_40 = arith.constant 632 : i32
    %mul3A_41 = arith.muli %arg1, %mul3A_40 : i32
    %add3A_42 = arith.constant 480 : i32
    %add3A_43 = arith.addi %mul3A_41, %add3A_42 : i32
    "tpu.region"() ({
      %run_scoped3A = tpu.sem_alloc : memref<!tpu.dma_semaphore, #tpu.memory_space<semaphore_mem>>
      %dma_start3A = arith.constant 0 : i32
      %dma_start3A_44 = tpu.memref_slice %arg5[%arg0, %add3A_43, %dma_start3A] : memref<2x10112x128xf32, #tpu.memory_space<hbm>> -> memref<1x152x128xf32, #tpu.memory_space<hbm>>
      %dma_start3A_45 = tpu.memref_squeeze %dma_start3A_44 : memref<1x152x128xf32, #tpu.memory_space<hbm>> -> memref<152x128xf32, #tpu.memory_space<hbm>>
      %dma_start3A_46 = arith.constant 0 : i32
      %dma_start3A_47 = tpu.memref_slice %arg9[%add3A_43, %dma_start3A_46] : memref<10112x128xf32, #tpu.memory_space<vmem_shared>> -> memref<152x128xf32, #tpu.memory_space<vmem_shared>>
      tpu.enqueue_dma source(%dma_start3A_47 : memref<152x128xf32, #tpu.memory_space<vmem_shared>>) target(%dma_start3A_45 : memref<152x128xf32, #tpu.memory_space<hbm>>) target_semaphore(%run_scoped3A : memref<!tpu.dma_semaphore, #tpu.memory_space<semaphore_mem>>)
      %dma_wait3A = arith.constant 0 : i32
      %dma_wait3A_48 = tpu.memref_slice %arg5[%arg0, %add3A_43, %dma_wait3A] : memref<2x10112x128xf32, #tpu.memory_space<hbm>> -> memref<1x152x128xf32, #tpu.memory_space<hbm>>
      %dma_wait3A_49 = tpu.memref_squeeze %dma_wait3A_48 : memref<1x152x128xf32, #tpu.memory_space<hbm>> -> memref<152x128xf32, #tpu.memory_space<hbm>>
      %dma_wait3A_50 = arith.constant 0 : i32
      %dma_wait3A_51 = tpu.memref_slice %arg9[%add3A_43, %dma_wait3A_50] : memref<10112x128xf32, #tpu.memory_space<vmem_shared>> -> memref<152x128xf32, #tpu.memory_space<vmem_shared>>
      tpu.wait_dma2 semaphore(%run_scoped3A : memref<!tpu.dma_semaphore, #tpu.memory_space<semaphore_mem>>) src(%dma_wait3A_51 : memref<152x128xf32, #tpu.memory_space<vmem_shared>>) dst(%dma_wait3A_49 : memref<152x128xf32, #tpu.memory_space<hbm>>)
      tpu.yield
    }) : () -> ()
    return
  }
}

#map = affine_map<(d0, d1) -> (0, 0)>
#map1 = affine_map<(d0, d1) -> (0, 0, 0)>
module attributes {stable_mosaic.version = 14 : i64} {
  func.func @_sc_edge_scatter(%arg0: i32, %arg1: i32, %arg2: memref<10000x128xf32, #tpu.memory_space<hbm>>, %arg3: memref<32x10080xi32, #tpu.memory_space<hbm>>, %arg4: memref<32x126x80xi32, #tpu.memory_space<hbm>>, %arg5: memref<2x10112x128xf32, #tpu.memory_space<hbm>>, %arg6: memref<10080xi32, #tpu.memory_space<vmem>>, %arg7: memref<126x80xi32, #tpu.memory_space<vmem>>, %arg8: memref<160x128xf32, #tpu.memory_space<vmem>>, %arg9: memref<10112x128xf32, #tpu.memory_space<vmem_shared>>, %arg10: memref<!tpu.dma_semaphore, #tpu.memory_space<semaphore_mem>>) attributes {dimension_semantics = [#tpu.dimension_semantics<core_parallel>, #tpu.dimension_semantics<subcore_parallel>], iteration_bounds = array<i64: 2, 16>, scalar_prefetch = 0 : i64, scratch_operands = 5 : i64, tpu.core_type = #tpu.core_type<sc_vector_subcore>, window_params = [{transform_indices = #map}, {transform_indices = #map}, {transform_indices = #map1}, {transform_indices = #map1}]} {
    %mul3A = arith.constant 16 : i32
    %mul3A_0 = arith.muli %arg0, %mul3A : i32
    %add3A = arith.addi %mul3A_0, %arg1 : i32
    "tpu.region"() ({
      %run_scoped3A = tpu.sem_alloc : memref<!tpu.dma_semaphore, #tpu.memory_space<semaphore_mem>>
      %dma_start3A = arith.constant 0 : i32
      %dma_start3A_44 = tpu.memref_slice %arg3[%add3A, %dma_start3A] : memref<32x10080xi32, #tpu.memory_space<hbm>> -> memref<1x10080xi32, #tpu.memory_space<hbm>>
      %dma_start3A_45 = tpu.memref_squeeze %dma_start3A_44 : memref<1x10080xi32, #tpu.memory_space<hbm>> -> memref<10080xi32, #tpu.memory_space<hbm>>
      %dma_start3A_46 = arith.constant 0 : i32
      %dma_start3A_47 = tpu.memref_slice %arg3[%add3A, %dma_start3A_46] : memref<32x10080xi32, #tpu.memory_space<hbm>> -> memref<1x10080xi32, #tpu.memory_space<hbm>>
      %dma_start3A_48 = tpu.memref_squeeze %dma_start3A_47 : memref<1x10080xi32, #tpu.memory_space<hbm>> -> memref<10080xi32, #tpu.memory_space<hbm>>
      tpu.enqueue_dma source(%dma_start3A_48 : memref<10080xi32, #tpu.memory_space<hbm>>) target(%arg6 : memref<10080xi32, #tpu.memory_space<vmem>>) target_semaphore(%run_scoped3A : memref<!tpu.dma_semaphore, #tpu.memory_space<semaphore_mem>>)
      %dma_wait3A = arith.constant 0 : i32
      %dma_wait3A_49 = tpu.memref_slice %arg3[%add3A, %dma_wait3A] : memref<32x10080xi32, #tpu.memory_space<hbm>> -> memref<1x10080xi32, #tpu.memory_space<hbm>>
      %dma_wait3A_50 = tpu.memref_squeeze %dma_wait3A_49 : memref<1x10080xi32, #tpu.memory_space<hbm>> -> memref<10080xi32, #tpu.memory_space<hbm>>
      %dma_wait3A_51 = arith.constant 0 : i32
      %dma_wait3A_52 = tpu.memref_slice %arg3[%add3A, %dma_wait3A_51] : memref<32x10080xi32, #tpu.memory_space<hbm>> -> memref<1x10080xi32, #tpu.memory_space<hbm>>
      %dma_wait3A_53 = tpu.memref_squeeze %dma_wait3A_52 : memref<1x10080xi32, #tpu.memory_space<hbm>> -> memref<10080xi32, #tpu.memory_space<hbm>>
      tpu.wait_dma2 semaphore(%run_scoped3A : memref<!tpu.dma_semaphore, #tpu.memory_space<semaphore_mem>>) src(%dma_wait3A_53 : memref<10080xi32, #tpu.memory_space<hbm>>) dst(%arg6 : memref<10080xi32, #tpu.memory_space<vmem>>)
      tpu.yield
    }) : () -> ()
    "tpu.region"() ({
      %run_scoped3A = tpu.sem_alloc : memref<!tpu.dma_semaphore, #tpu.memory_space<semaphore_mem>>
      %dma_start3A = arith.constant 0 : i32
      %dma_start3A_44 = arith.constant 0 : i32
      %dma_start3A_45 = tpu.memref_slice %arg4[%add3A, %dma_start3A, %dma_start3A_44] : memref<32x126x80xi32, #tpu.memory_space<hbm>> -> memref<1x126x80xi32, #tpu.memory_space<hbm>>
      %dma_start3A_46 = tpu.memref_squeeze %dma_start3A_45 : memref<1x126x80xi32, #tpu.memory_space<hbm>> -> memref<126x80xi32, #tpu.memory_space<hbm>>
      %dma_start3A_47 = arith.constant 0 : i32
      %dma_start3A_48 = arith.constant 0 : i32
      %dma_start3A_49 = tpu.memref_slice %arg4[%add3A, %dma_start3A_47, %dma_start3A_48] : memref<32x126x80xi32, #tpu.memory_space<hbm>> -> memref<1x126x80xi32, #tpu.memory_space<hbm>>
      %dma_start3A_50 = tpu.memref_squeeze %dma_start3A_49 : memref<1x126x80xi32, #tpu.memory_space<hbm>> -> memref<126x80xi32, #tpu.memory_space<hbm>>
      tpu.enqueue_dma source(%dma_start3A_50 : memref<126x80xi32, #tpu.memory_space<hbm>>) target(%arg7 : memref<126x80xi32, #tpu.memory_space<vmem>>) target_semaphore(%run_scoped3A : memref<!tpu.dma_semaphore, #tpu.memory_space<semaphore_mem>>)
      %dma_wait3A = arith.constant 0 : i32
      %dma_wait3A_51 = arith.constant 0 : i32
      %dma_wait3A_52 = tpu.memref_slice %arg4[%add3A, %dma_wait3A, %dma_wait3A_51] : memref<32x126x80xi32, #tpu.memory_space<hbm>> -> memref<1x126x80xi32, #tpu.memory_space<hbm>>
      %dma_wait3A_53 = tpu.memref_squeeze %dma_wait3A_52 : memref<1x126x80xi32, #tpu.memory_space<hbm>> -> memref<126x80xi32, #tpu.memory_space<hbm>>
      %dma_wait3A_54 = arith.constant 0 : i32
      %dma_wait3A_55 = arith.constant 0 : i32
      %dma_wait3A_56 = tpu.memref_slice %arg4[%add3A, %dma_wait3A_54, %dma_wait3A_55] : memref<32x126x80xi32, #tpu.memory_space<hbm>> -> memref<1x126x80xi32, #tpu.memory_space<hbm>>
      %dma_wait3A_57 = tpu.memref_squeeze %dma_wait3A_56 : memref<1x126x80xi32, #tpu.memory_space<hbm>> -> memref<126x80xi32, #tpu.memory_space<hbm>>
      tpu.wait_dma2 semaphore(%run_scoped3A : memref<!tpu.dma_semaphore, #tpu.memory_space<semaphore_mem>>) src(%dma_wait3A_57 : memref<126x80xi32, #tpu.memory_space<hbm>>) dst(%arg7 : memref<126x80xi32, #tpu.memory_space<vmem>>)
      tpu.yield
    }) : () -> ()
    %broadcast_in_dim3A = arith.constant 0.000000e+00 : f32
    %broadcast_in_dim3A_1 = vector.broadcast %broadcast_in_dim3A : f32 to vector<16xf32>
    %scan3A = arith.constant 0 : i32
    %scan3A_2 = arith.constant 160 : i32
    %scan3A_3 = arith.addi %scan3A, %scan3A_2 : i32
    %scan3A_4 = arith.constant 1 : i32
    scf.for %scan3A_44 = %scan3A to %scan3A_3 step %scan3A_4  : i32 {
      %mul3A_45 = arith.constant 1 : i32
      %mul3A_46 = arith.muli %scan3A_44, %mul3A_45 : i32
      %add3A_47 = arith.constant 0 : i32
      %add3A_48 = arith.addi %add3A_47, %mul3A_46 : i32
      %swap3A = arith.index_cast %add3A_48 : i32 to index
      %swap3A_49 = arith.constant 0 : index
      %swap3A_50 = tpu.vector_load %arg8[%swap3A, %swap3A_49] {strides = array<i32>} : memref<160x128xf32, #tpu.memory_space<vmem>>, vector<1x16xf32>,
      %swap3A_51 = vector.shape_cast %swap3A_50 : vector<1x16xf32> to vector<16xf32>
      %swap3A_52 = vector.shape_cast %broadcast_in_dim3A_1 : vector<16xf32> to vector<1x16xf32>
      tpu.vector_store %arg8[%swap3A, %swap3A_49], %swap3A_52 {strides = array<i32>} : memref<160x128xf32, #tpu.memory_space<vmem>>, vector<1x16xf32>,
      %swap3A_53 = arith.index_cast %add3A_48 : i32 to index
      %swap3A_54 = arith.constant 16 : index
      %swap3A_55 = tpu.vector_load %arg8[%swap3A_53, %swap3A_54] {strides = array<i32>} : memref<160x128xf32, #tpu.memory_space<vmem>>, vector<1x16xf32>,
      %swap3A_56 = vector.shape_cast %swap3A_55 : vector<1x16xf32> to vector<16xf32>
      %swap3A_57 = vector.shape_cast %broadcast_in_dim3A_1 : vector<16xf32> to vector<1x16xf32>
      tpu.vector_store %arg8[%swap3A_53, %swap3A_54], %swap3A_57 {strides = array<i32>} : memref<160x128xf32, #tpu.memory_space<vmem>>, vector<1x16xf32>,
      %swap3A_58 = arith.index_cast %add3A_48 : i32 to index
      %swap3A_59 = arith.constant 32 : index
      %swap3A_60 = tpu.vector_load %arg8[%swap3A_58, %swap3A_59] {strides = array<i32>} : memref<160x128xf32, #tpu.memory_space<vmem>>, vector<1x16xf32>,
      %swap3A_61 = vector.shape_cast %swap3A_60 : vector<1x16xf32> to vector<16xf32>
      %swap3A_62 = vector.shape_cast %broadcast_in_dim3A_1 : vector<16xf32> to vector<1x16xf32>
      tpu.vector_store %arg8[%swap3A_58, %swap3A_59], %swap3A_62 {strides = array<i32>} : memref<160x128xf32, #tpu.memory_space<vmem>>, vector<1x16xf32>,
      %swap3A_63 = arith.index_cast %add3A_48 : i32 to index
      %swap3A_64 = arith.constant 48 : index
      %swap3A_65 = tpu.vector_load %arg8[%swap3A_63, %swap3A_64] {strides = array<i32>} : memref<160x128xf32, #tpu.memory_space<vmem>>, vector<1x16xf32>,
      %swap3A_66 = vector.shape_cast %swap3A_65 : vector<1x16xf32> to vector<16xf32>
      %swap3A_67 = vector.shape_cast %broadcast_in_dim3A_1 : vector<16xf32> to vector<1x16xf32>
      tpu.vector_store %arg8[%swap3A_63, %swap3A_64], %swap3A_67 {strides = array<i32>} : memref<160x128xf32, #tpu.memory_space<vmem>>, vector<1x16xf32>,
      %swap3A_68 = arith.index_cast %add3A_48 : i32 to index
      %swap3A_69 = arith.constant 64 : index
      %swap3A_70 = tpu.vector_load %arg8[%swap3A_68, %swap3A_69] {strides = array<i32>} : memref<160x128xf32, #tpu.memory_space<vmem>>, vector<1x16xf32>,
      %swap3A_71 = vector.shape_cast %swap3A_70 : vector<1x16xf32> to vector<16xf32>
      %swap3A_72 = vector.shape_cast %broadcast_in_dim3A_1 : vector<16xf32> to vector<1x16xf32>
      tpu.vector_store %arg8[%swap3A_68, %swap3A_69], %swap3A_72 {strides = array<i32>} : memref<160x128xf32, #tpu.memory_space<vmem>>, vector<1x16xf32>,
      %swap3A_73 = arith.index_cast %add3A_48 : i32 to index
      %swap3A_74 = arith.constant 80 : index
      %swap3A_75 = tpu.vector_load %arg8[%swap3A_73, %swap3A_74] {strides = array<i32>} : memref<160x128xf32, #tpu.memory_space<vmem>>, vector<1x16xf32>,
      %swap3A_76 = vector.shape_cast %swap3A_75 : vector<1x16xf32> to vector<16xf32>
      %swap3A_77 = vector.shape_cast %broadcast_in_dim3A_1 : vector<16xf32> to vector<1x16xf32>
      tpu.vector_store %arg8[%swap3A_73, %swap3A_74], %swap3A_77 {strides = array<i32>} : memref<160x128xf32, #tpu.memory_space<vmem>>, vector<1x16xf32>,
      %swap3A_78 = arith.index_cast %add3A_48 : i32 to index
      %swap3A_79 = arith.constant 96 : index
      %swap3A_80 = tpu.vector_load %arg8[%swap3A_78, %swap3A_79] {strides = array<i32>} : memref<160x128xf32, #tpu.memory_space<vmem>>, vector<1x16xf32>,
      %swap3A_81 = vector.shape_cast %swap3A_80 : vector<1x16xf32> to vector<16xf32>
      %swap3A_82 = vector.shape_cast %broadcast_in_dim3A_1 : vector<16xf32> to vector<1x16xf32>
      tpu.vector_store %arg8[%swap3A_78, %swap3A_79], %swap3A_82 {strides = array<i32>} : memref<160x128xf32, #tpu.memory_space<vmem>>, vector<1x16xf32>,
      %swap3A_83 = arith.index_cast %add3A_48 : i32 to index
      %swap3A_84 = arith.constant 112 : index
      %swap3A_85 = tpu.vector_load %arg8[%swap3A_83, %swap3A_84] {strides = array<i32>} : memref<160x128xf32, #tpu.memory_space<vmem>>, vector<1x16xf32>,
      %swap3A_86 = vector.shape_cast %swap3A_85 : vector<1x16xf32> to vector<16xf32>
      %swap3A_87 = vector.shape_cast %broadcast_in_dim3A_1 : vector<16xf32> to vector<1x16xf32>
      tpu.vector_store %arg8[%swap3A_83, %swap3A_84], %swap3A_87 {strides = array<i32>} : memref<160x128xf32, #tpu.memory_space<vmem>>, vector<1x16xf32>,
    }
    %scan3A_5 = arith.constant 160 : i32
    %mul3A_6 = arith.constant 632 : i32
    %mul3A_7 = arith.muli %arg1, %mul3A_6 : i32
    %add3A_8 = arith.constant 0 : i32
    %add3A_9 = arith.addi %mul3A_7, %add3A_8 : i32
    "tpu.region"() ({
      %run_scoped3A = tpu.sem_alloc : memref<!tpu.dma_semaphore, #tpu.memory_space<semaphore_mem>>
      %dma_start3A = arith.constant 0 : i32
      %dma_start3A_44 = arith.constant 0 : i32
      %dma_start3A_45 = tpu.memref_slice %arg8[%dma_start3A, %dma_start3A_44] : memref<160x128xf32, #tpu.memory_space<vmem>> -> memref<160x128xf32, #tpu.memory_space<vmem>>
      %dma_start3A_46 = arith.constant 0 : i32
      %dma_start3A_47 = tpu.memref_slice %arg9[%add3A_9, %dma_start3A_46] : memref<10112x128xf32, #tpu.memory_space<vmem_shared>> -> memref<160x128xf32, #tpu.memory_space<vmem_shared>>
      %dma_start3A_48 = arith.constant 0 : i32
      %dma_start3A_49 = tpu.memref_slice %arg9[%add3A_9, %dma_start3A_48] : memref<10112x128xf32, #tpu.memory_space<vmem_shared>> -> memref<160x128xf32, #tpu.memory_space<vmem_shared>>
      %dma_start3A_50 = arith.constant 0 : i32
      %dma_start3A_51 = arith.constant 0 : i32
      %dma_start3A_52 = tpu.memref_slice %arg8[%dma_start3A_50, %dma_start3A_51] : memref<160x128xf32, #tpu.memory_space<vmem>> -> memref<160x128xf32, #tpu.memory_space<vmem>>
      tpu.enqueue_dma source(%dma_start3A_52 : memref<160x128xf32, #tpu.memory_space<vmem>>) target(%dma_start3A_49 : memref<160x128xf32, #tpu.memory_space<vmem_shared>>) target_semaphore(%run_scoped3A : memref<!tpu.dma_semaphore, #tpu.memory_space<semaphore_mem>>)
      %dma_wait3A = arith.constant 0 : i32
      %dma_wait3A_53 = arith.constant 0 : i32
      %dma_wait3A_54 = tpu.memref_slice %arg8[%dma_wait3A, %dma_wait3A_53] : memref<160x128xf32, #tpu.memory_space<vmem>> -> memref<160x128xf32, #tpu.memory_space<vmem>>
      %dma_wait3A_55 = arith.constant 0 : i32
      %dma_wait3A_56 = tpu.memref_slice %arg9[%add3A_9, %dma_wait3A_55] : memref<10112x128xf32, #tpu.memory_space<vmem_shared>> -> memref<160x128xf32, #tpu.memory_space<vmem_shared>>
      %dma_wait3A_57 = arith.constant 0 : i32
      %dma_wait3A_58 = tpu.memref_slice %arg9[%add3A_9, %dma_wait3A_57] : memref<10112x128xf32, #tpu.memory_space<vmem_shared>> -> memref<160x128xf32, #tpu.memory_space<vmem_shared>>
      %dma_wait3A_59 = arith.constant 0 : i32
      %dma_wait3A_60 = arith.constant 0 : i32
      %dma_wait3A_61 = tpu.memref_slice %arg8[%dma_wait3A_59, %dma_wait3A_60] : memref<160x128xf32, #tpu.memory_space<vmem>> -> memref<160x128xf32, #tpu.memory_space<vmem>>
      tpu.wait_dma2 semaphore(%run_scoped3A : memref<!tpu.dma_semaphore, #tpu.memory_space<semaphore_mem>>) src(%dma_wait3A_61 : memref<160x128xf32, #tpu.memory_space<vmem>>) dst(%dma_wait3A_58 : memref<160x128xf32, #tpu.memory_space<vmem_shared>>)
      tpu.yield
    }) : () -> ()
    %mul3A_10 = arith.constant 632 : i32
    %mul3A_11 = arith.muli %arg1, %mul3A_10 : i32
    %add3A_12 = arith.constant 160 : i32
    %add3A_13 = arith.addi %mul3A_11, %add3A_12 : i32
    "tpu.region"() ({
      %run_scoped3A = tpu.sem_alloc : memref<!tpu.dma_semaphore, #tpu.memory_space<semaphore_mem>>
      %dma_start3A = arith.constant 0 : i32
      %dma_start3A_44 = arith.constant 0 : i32
      %dma_start3A_45 = tpu.memref_slice %arg8[%dma_start3A, %dma_start3A_44] : memref<160x128xf32, #tpu.memory_space<vmem>> -> memref<160x128xf32, #tpu.memory_space<vmem>>
      %dma_start3A_46 = arith.constant 0 : i32
      %dma_start3A_47 = tpu.memref_slice %arg9[%add3A_13, %dma_start3A_46] : memref<10112x128xf32, #tpu.memory_space<vmem_shared>> -> memref<160x128xf32, #tpu.memory_space<vmem_shared>>
      %dma_start3A_48 = arith.constant 0 : i32
      %dma_start3A_49 = tpu.memref_slice %arg9[%add3A_13, %dma_start3A_48] : memref<10112x128xf32, #tpu.memory_space<vmem_shared>> -> memref<160x128xf32, #tpu.memory_space<vmem_shared>>
      %dma_start3A_50 = arith.constant 0 : i32
      %dma_start3A_51 = arith.constant 0 : i32
      %dma_start3A_52 = tpu.memref_slice %arg8[%dma_start3A_50, %dma_start3A_51] : memref<160x128xf32, #tpu.memory_space<vmem>> -> memref<160x128xf32, #tpu.memory_space<vmem>>
      tpu.enqueue_dma source(%dma_start3A_52 : memref<160x128xf32, #tpu.memory_space<vmem>>) target(%dma_start3A_49 : memref<160x128xf32, #tpu.memory_space<vmem_shared>>) target_semaphore(%run_scoped3A : memref<!tpu.dma_semaphore, #tpu.memory_space<semaphore_mem>>)
      %dma_wait3A = arith.constant 0 : i32
      %dma_wait3A_53 = arith.constant 0 : i32
      %dma_wait3A_54 = tpu.memref_slice %arg8[%dma_wait3A, %dma_wait3A_53] : memref<160x128xf32, #tpu.memory_space<vmem>> -> memref<160x128xf32, #tpu.memory_space<vmem>>
      %dma_wait3A_55 = arith.constant 0 : i32
      %dma_wait3A_56 = tpu.memref_slice %arg9[%add3A_13, %dma_wait3A_55] : memref<10112x128xf32, #tpu.memory_space<vmem_shared>> -> memref<160x128xf32, #tpu.memory_space<vmem_shared>>
      %dma_wait3A_57 = arith.constant 0 : i32
      %dma_wait3A_58 = tpu.memref_slice %arg9[%add3A_13, %dma_wait3A_57] : memref<10112x128xf32, #tpu.memory_space<vmem_shared>> -> memref<160x128xf32, #tpu.memory_space<vmem_shared>>
      %dma_wait3A_59 = arith.constant 0 : i32
      %dma_wait3A_60 = arith.constant 0 : i32
      %dma_wait3A_61 = tpu.memref_slice %arg8[%dma_wait3A_59, %dma_wait3A_60] : memref<160x128xf32, #tpu.memory_space<vmem>> -> memref<160x128xf32, #tpu.memory_space<vmem>>
      tpu.wait_dma2 semaphore(%run_scoped3A : memref<!tpu.dma_semaphore, #tpu.memory_space<semaphore_mem>>) src(%dma_wait3A_61 : memref<160x128xf32, #tpu.memory_space<vmem>>) dst(%dma_wait3A_58 : memref<160x128xf32, #tpu.memory_space<vmem_shared>>)
      tpu.yield
    }) : () -> ()
    %mul3A_14 = arith.constant 632 : i32
    %mul3A_15 = arith.muli %arg1, %mul3A_14 : i32
    %add3A_16 = arith.constant 320 : i32
    %add3A_17 = arith.addi %mul3A_15, %add3A_16 : i32
    "tpu.region"() ({
      %run_scoped3A = tpu.sem_alloc : memref<!tpu.dma_semaphore, #tpu.memory_space<semaphore_mem>>
      %dma_start3A = arith.constant 0 : i32
      %dma_start3A_44 = arith.constant 0 : i32
      %dma_start3A_45 = tpu.memref_slice %arg8[%dma_start3A, %dma_start3A_44] : memref<160x128xf32, #tpu.memory_space<vmem>> -> memref<160x128xf32, #tpu.memory_space<vmem>>
      %dma_start3A_46 = arith.constant 0 : i32
      %dma_start3A_47 = tpu.memref_slice %arg9[%add3A_17, %dma_start3A_46] : memref<10112x128xf32, #tpu.memory_space<vmem_shared>> -> memref<160x128xf32, #tpu.memory_space<vmem_shared>>
      %dma_start3A_48 = arith.constant 0 : i32
      %dma_start3A_49 = tpu.memref_slice %arg9[%add3A_17, %dma_start3A_48] : memref<10112x128xf32, #tpu.memory_space<vmem_shared>> -> memref<160x128xf32, #tpu.memory_space<vmem_shared>>
      %dma_start3A_50 = arith.constant 0 : i32
      %dma_start3A_51 = arith.constant 0 : i32
      %dma_start3A_52 = tpu.memref_slice %arg8[%dma_start3A_50, %dma_start3A_51] : memref<160x128xf32, #tpu.memory_space<vmem>> -> memref<160x128xf32, #tpu.memory_space<vmem>>
      tpu.enqueue_dma source(%dma_start3A_52 : memref<160x128xf32, #tpu.memory_space<vmem>>) target(%dma_start3A_49 : memref<160x128xf32, #tpu.memory_space<vmem_shared>>) target_semaphore(%run_scoped3A : memref<!tpu.dma_semaphore, #tpu.memory_space<semaphore_mem>>)
      %dma_wait3A = arith.constant 0 : i32
      %dma_wait3A_53 = arith.constant 0 : i32
      %dma_wait3A_54 = tpu.memref_slice %arg8[%dma_wait3A, %dma_wait3A_53] : memref<160x128xf32, #tpu.memory_space<vmem>> -> memref<160x128xf32, #tpu.memory_space<vmem>>
      %dma_wait3A_55 = arith.constant 0 : i32
      %dma_wait3A_56 = tpu.memref_slice %arg9[%add3A_17, %dma_wait3A_55] : memref<10112x128xf32, #tpu.memory_space<vmem_shared>> -> memref<160x128xf32, #tpu.memory_space<vmem_shared>>
      %dma_wait3A_57 = arith.constant 0 : i32
      %dma_wait3A_58 = tpu.memref_slice %arg9[%add3A_17, %dma_wait3A_57] : memref<10112x128xf32, #tpu.memory_space<vmem_shared>> -> memref<160x128xf32, #tpu.memory_space<vmem_shared>>
      %dma_wait3A_59 = arith.constant 0 : i32
      %dma_wait3A_60 = arith.constant 0 : i32
      %dma_wait3A_61 = tpu.memref_slice %arg8[%dma_wait3A_59, %dma_wait3A_60] : memref<160x128xf32, #tpu.memory_space<vmem>> -> memref<160x128xf32, #tpu.memory_space<vmem>>
      tpu.wait_dma2 semaphore(%run_scoped3A : memref<!tpu.dma_semaphore, #tpu.memory_space<semaphore_mem>>) src(%dma_wait3A_61 : memref<160x128xf32, #tpu.memory_space<vmem>>) dst(%dma_wait3A_58 : memref<160x128xf32, #tpu.memory_space<vmem_shared>>)
      tpu.yield
    }) : () -> ()
    %mul3A_18 = arith.constant 632 : i32
    %mul3A_19 = arith.muli %arg1, %mul3A_18 : i32
    %add3A_20 = arith.constant 480 : i32
    %add3A_21 = arith.addi %mul3A_19, %add3A_20 : i32
    "tpu.region"() ({
      %run_scoped3A = tpu.sem_alloc : memref<!tpu.dma_semaphore, #tpu.memory_space<semaphore_mem>>
      %dma_start3A = arith.constant 0 : i32
      %dma_start3A_44 = arith.constant 0 : i32
      %dma_start3A_45 = tpu.memref_slice %arg8[%dma_start3A, %dma_start3A_44] : memref<160x128xf32, #tpu.memory_space<vmem>> -> memref<152x128xf32, #tpu.memory_space<vmem>>
      %dma_start3A_46 = arith.constant 0 : i32
      %dma_start3A_47 = tpu.memref_slice %arg9[%add3A_21, %dma_start3A_46] : memref<10112x128xf32, #tpu.memory_space<vmem_shared>> -> memref<152x128xf32, #tpu.memory_space<vmem_shared>>
      %dma_start3A_48 = arith.constant 0 : i32
      %dma_start3A_49 = tpu.memref_slice %arg9[%add3A_21, %dma_start3A_48] : memref<10112x128xf32, #tpu.memory_space<vmem_shared>> -> memref<152x128xf32, #tpu.memory_space<vmem_shared>>
      %dma_start3A_50 = arith.constant 0 : i32
      %dma_start3A_51 = arith.constant 0 : i32
      %dma_start3A_52 = tpu.memref_slice %arg8[%dma_start3A_50, %dma_start3A_51] : memref<160x128xf32, #tpu.memory_space<vmem>> -> memref<152x128xf32, #tpu.memory_space<vmem>>
      tpu.enqueue_dma source(%dma_start3A_52 : memref<152x128xf32, #tpu.memory_space<vmem>>) target(%dma_start3A_49 : memref<152x128xf32, #tpu.memory_space<vmem_shared>>) target_semaphore(%run_scoped3A : memref<!tpu.dma_semaphore, #tpu.memory_space<semaphore_mem>>)
      %dma_wait3A = arith.constant 0 : i32
      %dma_wait3A_53 = arith.constant 0 : i32
      %dma_wait3A_54 = tpu.memref_slice %arg8[%dma_wait3A, %dma_wait3A_53] : memref<160x128xf32, #tpu.memory_space<vmem>> -> memref<152x128xf32, #tpu.memory_space<vmem>>
      %dma_wait3A_55 = arith.constant 0 : i32
      %dma_wait3A_56 = tpu.memref_slice %arg9[%add3A_21, %dma_wait3A_55] : memref<10112x128xf32, #tpu.memory_space<vmem_shared>> -> memref<152x128xf32, #tpu.memory_space<vmem_shared>>
      %dma_wait3A_57 = arith.constant 0 : i32
      %dma_wait3A_58 = tpu.memref_slice %arg9[%add3A_21, %dma_wait3A_57] : memref<10112x128xf32, #tpu.memory_space<vmem_shared>> -> memref<152x128xf32, #tpu.memory_space<vmem_shared>>
      %dma_wait3A_59 = arith.constant 0 : i32
      %dma_wait3A_60 = arith.constant 0 : i32
      %dma_wait3A_61 = tpu.memref_slice %arg8[%dma_wait3A_59, %dma_wait3A_60] : memref<160x128xf32, #tpu.memory_space<vmem>> -> memref<152x128xf32, #tpu.memory_space<vmem>>
      tpu.wait_dma2 semaphore(%run_scoped3A : memref<!tpu.dma_semaphore, #tpu.memory_space<semaphore_mem>>) src(%dma_wait3A_61 : memref<152x128xf32, #tpu.memory_space<vmem>>) dst(%dma_wait3A_58 : memref<152x128xf32, #tpu.memory_space<vmem_shared>>)
      tpu.yield
    }) : () -> ()
    %barrier3A = arith.constant 0 : index
    tpu.barrier barrier_id(%barrier3A)
    %scan3A_22 = arith.constant 0 : i32
    %scan3A_23 = arith.constant 63 : i32
    %scan3A_24 = arith.addi %scan3A_22, %scan3A_23 : i32
    %scan3A_25 = arith.constant 1 : i32
    scf.for %scan3A_44 = %scan3A_22 to %scan3A_24 step %scan3A_25  : i32 {
      %mul3A_45 = arith.constant 1 : i32
      %mul3A_46 = arith.muli %scan3A_44, %mul3A_45 : i32
      %add3A_47 = arith.constant 0 : i32
      %add3A_48 = arith.addi %add3A_47, %mul3A_46 : i32
      %mul3A_49 = arith.constant 160 : i32
      %mul3A_50 = arith.muli %add3A_48, %mul3A_49 : i32
      %dma_start3A = tpu.memref_slice %arg6[%mul3A_50] : memref<10080xi32, #tpu.memory_space<vmem>> -> memref<160xi32, #tpu.memory_space<vmem>>
      %dma_start3A_51 = arith.constant 0 : i32
      %dma_start3A_52 = arith.constant 0 : i32
      %dma_start3A_53 = tpu.memref_slice %arg2[%dma_start3A_51, %dma_start3A_52] : memref<10000x128xf32, #tpu.memory_space<hbm>> -> memref<10000x128xf32, #tpu.memory_space<hbm>>
      tpu.enqueue_indirect_dma source(%dma_start3A_53 : memref<10000x128xf32, #tpu.memory_space<hbm>>) target(%arg8 : memref<160x128xf32, #tpu.memory_space<vmem>>) offsets(%dma_start3A : memref<160xi32, #tpu.memory_space<vmem>>) semaphore(%arg10 : memref<!tpu.dma_semaphore, #tpu.memory_space<semaphore_mem>>)
      %dma_wait3A = tpu.memref_slice %arg6[%mul3A_50] : memref<10080xi32, #tpu.memory_space<vmem>> -> memref<160xi32, #tpu.memory_space<vmem>>
      %dma_wait3A_54 = arith.constant 0 : i32
      %dma_wait3A_55 = arith.constant 0 : i32
      %dma_wait3A_56 = tpu.memref_slice %arg2[%dma_wait3A_54, %dma_wait3A_55] : memref<10000x128xf32, #tpu.memory_space<hbm>> -> memref<10000x128xf32, #tpu.memory_space<hbm>>
      tpu.wait_indirect_dma semaphore(%arg10 : memref<!tpu.dma_semaphore, #tpu.memory_space<semaphore_mem>>) src(%dma_wait3A_56 : memref<10000x128xf32, #tpu.memory_space<hbm>>) dst(%arg8 : memref<160x128xf32, #tpu.memory_space<vmem>>)
      %mul3A_57 = arith.constant 2 : i32
      %mul3A_58 = arith.muli %add3A_48, %mul3A_57 : i32
      %add3A_59 = arith.constant 0 : i32
      %add3A_60 = arith.addi %mul3A_58, %add3A_59 : i32
      "tpu.region"() ({
        %run_scoped3A = tpu.sem_alloc : memref<!tpu.dma_semaphore, #tpu.memory_space<semaphore_mem>>
        %dma_start3A_65 = arith.constant 0 : i32
        %dma_start3A_66 = arith.constant 0 : i32
        %dma_start3A_67 = tpu.memref_slice %arg8[%dma_start3A_65, %dma_start3A_66] : memref<160x128xf32, #tpu.memory_space<vmem>> -> memref<80x128xf32, #tpu.memory_space<vmem>>
        %dma_start3A_68 = arith.constant 0 : i32
        %dma_start3A_69 = tpu.memref_slice %arg7[%add3A_60, %dma_start3A_68] : memref<126x80xi32, #tpu.memory_space<vmem>> -> memref<1x80xi32, #tpu.memory_space<vmem>>
        %dma_start3A_70 = tpu.memref_squeeze %dma_start3A_69 : memref<1x80xi32, #tpu.memory_space<vmem>> -> memref<80xi32, #tpu.memory_space<vmem>>
        %dma_start3A_71 = arith.constant 0 : i32
        %dma_start3A_72 = arith.constant 0 : i32
        %dma_start3A_73 = tpu.memref_slice %arg9[%dma_start3A_71, %dma_start3A_72] : memref<10112x128xf32, #tpu.memory_space<vmem_shared>> -> memref<10112x128xf32, #tpu.memory_space<vmem_shared>>
        tpu.enqueue_indirect_dma source(%dma_start3A_67 : memref<80x128xf32, #tpu.memory_space<vmem>>) target(%dma_start3A_73 : memref<10112x128xf32, #tpu.memory_space<vmem_shared>>) offsets(%dma_start3A_70 : memref<80xi32, #tpu.memory_space<vmem>>) semaphore(%run_scoped3A : memref<!tpu.dma_semaphore, #tpu.memory_space<semaphore_mem>>) {add = true}
        %dma_wait3A_74 = arith.constant 0 : i32
        %dma_wait3A_75 = arith.constant 0 : i32
        %dma_wait3A_76 = tpu.memref_slice %arg8[%dma_wait3A_74, %dma_wait3A_75] : memref<160x128xf32, #tpu.memory_space<vmem>> -> memref<80x128xf32, #tpu.memory_space<vmem>>
        %dma_wait3A_77 = arith.constant 0 : i32
        %dma_wait3A_78 = tpu.memref_slice %arg7[%add3A_60, %dma_wait3A_77] : memref<126x80xi32, #tpu.memory_space<vmem>> -> memref<1x80xi32, #tpu.memory_space<vmem>>
        %dma_wait3A_79 = tpu.memref_squeeze %dma_wait3A_78 : memref<1x80xi32, #tpu.memory_space<vmem>> -> memref<80xi32, #tpu.memory_space<vmem>>
        %dma_wait3A_80 = arith.constant 0 : i32
        %dma_wait3A_81 = arith.constant 0 : i32
        %dma_wait3A_82 = tpu.memref_slice %arg9[%dma_wait3A_80, %dma_wait3A_81] : memref<10112x128xf32, #tpu.memory_space<vmem_shared>> -> memref<10112x128xf32, #tpu.memory_space<vmem_shared>>
        tpu.wait_indirect_dma semaphore(%run_scoped3A : memref<!tpu.dma_semaphore, #tpu.memory_space<semaphore_mem>>) src(%dma_wait3A_76 : memref<80x128xf32, #tpu.memory_space<vmem>>) dst(%dma_wait3A_82 : memref<10112x128xf32, #tpu.memory_space<vmem_shared>>)
        tpu.yield
      }) : () -> ()
      %mul3A_61 = arith.constant 2 : i32
      %mul3A_62 = arith.muli %add3A_48, %mul3A_61 : i32
      %add3A_63 = arith.constant 1 : i32
      %add3A_64 = arith.addi %mul3A_62, %add3A_63 : i32
      "tpu.region"() ({
        %run_scoped3A = tpu.sem_alloc : memref<!tpu.dma_semaphore, #tpu.memory_space<semaphore_mem>>
        %dma_start3A_65 = arith.constant 80 : i32
        %dma_start3A_66 = arith.constant 0 : i32
        %dma_start3A_67 = tpu.memref_slice %arg8[%dma_start3A_65, %dma_start3A_66] : memref<160x128xf32, #tpu.memory_space<vmem>> -> memref<80x128xf32, #tpu.memory_space<vmem>>
        %dma_start3A_68 = arith.constant 0 : i32
        %dma_start3A_69 = tpu.memref_slice %arg7[%add3A_64, %dma_start3A_68] : memref<126x80xi32, #tpu.memory_space<vmem>> -> memref<1x80xi32, #tpu.memory_space<vmem>>
        %dma_start3A_70 = tpu.memref_squeeze %dma_start3A_69 : memref<1x80xi32, #tpu.memory_space<vmem>> -> memref<80xi32, #tpu.memory_space<vmem>>
        %dma_start3A_71 = arith.constant 0 : i32
        %dma_start3A_72 = arith.constant 0 : i32
        %dma_start3A_73 = tpu.memref_slice %arg9[%dma_start3A_71, %dma_start3A_72] : memref<10112x128xf32, #tpu.memory_space<vmem_shared>> -> memref<10112x128xf32, #tpu.memory_space<vmem_shared>>
        tpu.enqueue_indirect_dma source(%dma_start3A_67 : memref<80x128xf32, #tpu.memory_space<vmem>>) target(%dma_start3A_73 : memref<10112x128xf32, #tpu.memory_space<vmem_shared>>) offsets(%dma_start3A_70 : memref<80xi32, #tpu.memory_space<vmem>>) semaphore(%run_scoped3A : memref<!tpu.dma_semaphore, #tpu.memory_space<semaphore_mem>>) {add = true}
        %dma_wait3A_74 = arith.constant 80 : i32
        %dma_wait3A_75 = arith.constant 0 : i32
        %dma_wait3A_76 = tpu.memref_slice %arg8[%dma_wait3A_74, %dma_wait3A_75] : memref<160x128xf32, #tpu.memory_space<vmem>> -> memref<80x128xf32, #tpu.memory_space<vmem>>
        %dma_wait3A_77 = arith.constant 0 : i32
        %dma_wait3A_78 = tpu.memref_slice %arg7[%add3A_64, %dma_wait3A_77] : memref<126x80xi32, #tpu.memory_space<vmem>> -> memref<1x80xi32, #tpu.memory_space<vmem>>
        %dma_wait3A_79 = tpu.memref_squeeze %dma_wait3A_78 : memref<1x80xi32, #tpu.memory_space<vmem>> -> memref<80xi32, #tpu.memory_space<vmem>>
        %dma_wait3A_80 = arith.constant 0 : i32
        %dma_wait3A_81 = arith.constant 0 : i32
        %dma_wait3A_82 = tpu.memref_slice %arg9[%dma_wait3A_80, %dma_wait3A_81] : memref<10112x128xf32, #tpu.memory_space<vmem_shared>> -> memref<10112x128xf32, #tpu.memory_space<vmem_shared>>
        tpu.wait_indirect_dma semaphore(%run_scoped3A : memref<!tpu.dma_semaphore, #tpu.memory_space<semaphore_mem>>) src(%dma_wait3A_76 : memref<80x128xf32, #tpu.memory_space<vmem>>) dst(%dma_wait3A_82 : memref<10112x128xf32, #tpu.memory_space<vmem_shared>>)
        tpu.yield
      }) : () -> ()
    }
    %scan3A_26 = arith.constant 63 : i32
    %barrier3A_27 = arith.constant 0 : index
    tpu.barrier barrier_id(%barrier3A_27)
    %mul3A_28 = arith.constant 632 : i32
    %mul3A_29 = arith.muli %arg1, %mul3A_28 : i32
    %add3A_30 = arith.constant 0 : i32
    %add3A_31 = arith.addi %mul3A_29, %add3A_30 : i32
    "tpu.region"() ({
      %run_scoped3A = tpu.sem_alloc : memref<!tpu.dma_semaphore, #tpu.memory_space<semaphore_mem>>
      %dma_start3A = arith.constant 0 : i32
      %dma_start3A_44 = tpu.memref_slice %arg5[%arg0, %add3A_31, %dma_start3A] : memref<2x10112x128xf32, #tpu.memory_space<hbm>> -> memref<1x160x128xf32, #tpu.memory_space<hbm>>
      %dma_start3A_45 = tpu.memref_squeeze %dma_start3A_44 : memref<1x160x128xf32, #tpu.memory_space<hbm>> -> memref<160x128xf32, #tpu.memory_space<hbm>>
      %dma_start3A_46 = arith.constant 0 : i32
      %dma_start3A_47 = tpu.memref_slice %arg9[%add3A_31, %dma_start3A_46] : memref<10112x128xf32, #tpu.memory_space<vmem_shared>> -> memref<160x128xf32, #tpu.memory_space<vmem_shared>>
      tpu.enqueue_dma source(%dma_start3A_47 : memref<160x128xf32, #tpu.memory_space<vmem_shared>>) target(%dma_start3A_45 : memref<160x128xf32, #tpu.memory_space<hbm>>) target_semaphore(%run_scoped3A : memref<!tpu.dma_semaphore, #tpu.memory_space<semaphore_mem>>)
      %dma_wait3A = arith.constant 0 : i32
      %dma_wait3A_48 = tpu.memref_slice %arg5[%arg0, %add3A_31, %dma_wait3A] : memref<2x10112x128xf32, #tpu.memory_space<hbm>> -> memref<1x160x128xf32, #tpu.memory_space<hbm>>
      %dma_wait3A_49 = tpu.memref_squeeze %dma_wait3A_48 : memref<1x160x128xf32, #tpu.memory_space<hbm>> -> memref<160x128xf32, #tpu.memory_space<hbm>>
      %dma_wait3A_50 = arith.constant 0 : i32
      %dma_wait3A_51 = tpu.memref_slice %arg9[%add3A_31, %dma_wait3A_50] : memref<10112x128xf32, #tpu.memory_space<vmem_shared>> -> memref<160x128xf32, #tpu.memory_space<vmem_shared>>
      tpu.wait_dma2 semaphore(%run_scoped3A : memref<!tpu.dma_semaphore, #tpu.memory_space<semaphore_mem>>) src(%dma_wait3A_51 : memref<160x128xf32, #tpu.memory_space<vmem_shared>>) dst(%dma_wait3A_49 : memref<160x128xf32, #tpu.memory_space<hbm>>)
      tpu.yield
    }) : () -> ()
    %mul3A_32 = arith.constant 632 : i32
    %mul3A_33 = arith.muli %arg1, %mul3A_32 : i32
    %add3A_34 = arith.constant 160 : i32
    %add3A_35 = arith.addi %mul3A_33, %add3A_34 : i32
    "tpu.region"() ({
      %run_scoped3A = tpu.sem_alloc : memref<!tpu.dma_semaphore, #tpu.memory_space<semaphore_mem>>
      %dma_start3A = arith.constant 0 : i32
      %dma_start3A_44 = tpu.memref_slice %arg5[%arg0, %add3A_35, %dma_start3A] : memref<2x10112x128xf32, #tpu.memory_space<hbm>> -> memref<1x160x128xf32, #tpu.memory_space<hbm>>
      %dma_start3A_45 = tpu.memref_squeeze %dma_start3A_44 : memref<1x160x128xf32, #tpu.memory_space<hbm>> -> memref<160x128xf32, #tpu.memory_space<hbm>>
      %dma_start3A_46 = arith.constant 0 : i32
      %dma_start3A_47 = tpu.memref_slice %arg9[%add3A_35, %dma_start3A_46] : memref<10112x128xf32, #tpu.memory_space<vmem_shared>> -> memref<160x128xf32, #tpu.memory_space<vmem_shared>>
      tpu.enqueue_dma source(%dma_start3A_47 : memref<160x128xf32, #tpu.memory_space<vmem_shared>>) target(%dma_start3A_45 : memref<160x128xf32, #tpu.memory_space<hbm>>) target_semaphore(%run_scoped3A : memref<!tpu.dma_semaphore, #tpu.memory_space<semaphore_mem>>)
      %dma_wait3A = arith.constant 0 : i32
      %dma_wait3A_48 = tpu.memref_slice %arg5[%arg0, %add3A_35, %dma_wait3A] : memref<2x10112x128xf32, #tpu.memory_space<hbm>> -> memref<1x160x128xf32, #tpu.memory_space<hbm>>
      %dma_wait3A_49 = tpu.memref_squeeze %dma_wait3A_48 : memref<1x160x128xf32, #tpu.memory_space<hbm>> -> memref<160x128xf32, #tpu.memory_space<hbm>>
      %dma_wait3A_50 = arith.constant 0 : i32
      %dma_wait3A_51 = tpu.memref_slice %arg9[%add3A_35, %dma_wait3A_50] : memref<10112x128xf32, #tpu.memory_space<vmem_shared>> -> memref<160x128xf32, #tpu.memory_space<vmem_shared>>
      tpu.wait_dma2 semaphore(%run_scoped3A : memref<!tpu.dma_semaphore, #tpu.memory_space<semaphore_mem>>) src(%dma_wait3A_51 : memref<160x128xf32, #tpu.memory_space<vmem_shared>>) dst(%dma_wait3A_49 : memref<160x128xf32, #tpu.memory_space<hbm>>)
      tpu.yield
    }) : () -> ()
    %mul3A_36 = arith.constant 632 : i32
    %mul3A_37 = arith.muli %arg1, %mul3A_36 : i32
    %add3A_38 = arith.constant 320 : i32
    %add3A_39 = arith.addi %mul3A_37, %add3A_38 : i32
    "tpu.region"() ({
      %run_scoped3A = tpu.sem_alloc : memref<!tpu.dma_semaphore, #tpu.memory_space<semaphore_mem>>
      %dma_start3A = arith.constant 0 : i32
      %dma_start3A_44 = tpu.memref_slice %arg5[%arg0, %add3A_39, %dma_start3A] : memref<2x10112x128xf32, #tpu.memory_space<hbm>> -> memref<1x160x128xf32, #tpu.memory_space<hbm>>
      %dma_start3A_45 = tpu.memref_squeeze %dma_start3A_44 : memref<1x160x128xf32, #tpu.memory_space<hbm>> -> memref<160x128xf32, #tpu.memory_space<hbm>>
      %dma_start3A_46 = arith.constant 0 : i32
      %dma_start3A_47 = tpu.memref_slice %arg9[%add3A_39, %dma_start3A_46] : memref<10112x128xf32, #tpu.memory_space<vmem_shared>> -> memref<160x128xf32, #tpu.memory_space<vmem_shared>>
      tpu.enqueue_dma source(%dma_start3A_47 : memref<160x128xf32, #tpu.memory_space<vmem_shared>>) target(%dma_start3A_45 : memref<160x128xf32, #tpu.memory_space<hbm>>) target_semaphore(%run_scoped3A : memref<!tpu.dma_semaphore, #tpu.memory_space<semaphore_mem>>)
      %dma_wait3A = arith.constant 0 : i32
      %dma_wait3A_48 = tpu.memref_slice %arg5[%arg0, %add3A_39, %dma_wait3A] : memref<2x10112x128xf32, #tpu.memory_space<hbm>> -> memref<1x160x128xf32, #tpu.memory_space<hbm>>
      %dma_wait3A_49 = tpu.memref_squeeze %dma_wait3A_48 : memref<1x160x128xf32, #tpu.memory_space<hbm>> -> memref<160x128xf32, #tpu.memory_space<hbm>>
      %dma_wait3A_50 = arith.constant 0 : i32
      %dma_wait3A_51 = tpu.memref_slice %arg9[%add3A_39, %dma_wait3A_50] : memref<10112x128xf32, #tpu.memory_space<vmem_shared>> -> memref<160x128xf32, #tpu.memory_space<vmem_shared>>
      tpu.wait_dma2 semaphore(%run_scoped3A : memref<!tpu.dma_semaphore, #tpu.memory_space<semaphore_mem>>) src(%dma_wait3A_51 : memref<160x128xf32, #tpu.memory_space<vmem_shared>>) dst(%dma_wait3A_49 : memref<160x128xf32, #tpu.memory_space<hbm>>)
      tpu.yield
    }) : () -> ()
    %mul3A_40 = arith.constant 632 : i32
    %mul3A_41 = arith.muli %arg1, %mul3A_40 : i32
    %add3A_42 = arith.constant 480 : i32
    %add3A_43 = arith.addi %mul3A_41, %add3A_42 : i32
    "tpu.region"() ({
      %run_scoped3A = tpu.sem_alloc : memref<!tpu.dma_semaphore, #tpu.memory_space<semaphore_mem>>
      %dma_start3A = arith.constant 0 : i32
      %dma_start3A_44 = tpu.memref_slice %arg5[%arg0, %add3A_43, %dma_start3A] : memref<2x10112x128xf32, #tpu.memory_space<hbm>> -> memref<1x152x128xf32, #tpu.memory_space<hbm>>
      %dma_start3A_45 = tpu.memref_squeeze %dma_start3A_44 : memref<1x152x128xf32, #tpu.memory_space<hbm>> -> memref<152x128xf32, #tpu.memory_space<hbm>>
      %dma_start3A_46 = arith.constant 0 : i32
      %dma_start3A_47 = tpu.memref_slice %arg9[%add3A_43, %dma_start3A_46] : memref<10112x128xf32, #tpu.memory_space<vmem_shared>> -> memref<152x128xf32, #tpu.memory_space<vmem_shared>>
      tpu.enqueue_dma source(%dma_start3A_47 : memref<152x128xf32, #tpu.memory_space<vmem_shared>>) target(%dma_start3A_45 : memref<152x128xf32, #tpu.memory_space<hbm>>) target_semaphore(%run_scoped3A : memref<!tpu.dma_semaphore, #tpu.memory_space<semaphore_mem>>)
      %dma_wait3A = arith.constant 0 : i32
      %dma_wait3A_48 = tpu.memref_slice %arg5[%arg0, %add3A_43, %dma_wait3A] : memref<2x10112x128xf32, #tpu.memory_space<hbm>> -> memref<1x152x128xf32, #tpu.memory_space<hbm>>
      %dma_wait3A_49 = tpu.memref_squeeze %dma_wait3A_48 : memref<1x152x128xf32, #tpu.memory_space<hbm>> -> memref<152x128xf32, #tpu.memory_space<hbm>>
      %dma_wait3A_50 = arith.constant 0 : i32
      %dma_wait3A_51 = tpu.memref_slice %arg9[%add3A_43, %dma_wait3A_50] : memref<10112x128xf32, #tpu.memory_space<vmem_shared>> -> memref<152x128xf32, #tpu.memory_space<vmem_shared>>
      tpu.wait_dma2 semaphore(%run_scoped3A : memref<!tpu.dma_semaphore, #tpu.memory_space<semaphore_mem>>) src(%dma_wait3A_51 : memref<152x128xf32, #tpu.memory_space<vmem_shared>>) dst(%dma_wait3A_49 : memref<152x128xf32, #tpu.memory_space<hbm>>)
      tpu.yield
    }) : () -> ()
    return
  }
}

#map = affine_map<(d0, d1) -> (0, 0)>
#map1 = affine_map<(d0, d1) -> (0, 0, 0)>
module attributes {stable_mosaic.version = 14 : i64} {
  func.func @_sc_edge_scatter(%arg0: i32, %arg1: i32, %arg2: memref<10000x128xf32, #tpu.memory_space<hbm>>, %arg3: memref<32x10080xi32, #tpu.memory_space<hbm>>, %arg4: memref<32x126x80xi32, #tpu.memory_space<hbm>>, %arg5: memref<2x10112x128xf32, #tpu.memory_space<hbm>>, %arg6: memref<10080xi32, #tpu.memory_space<vmem>>, %arg7: memref<126x80xi32, #tpu.memory_space<vmem>>, %arg8: memref<160x128xf32, #tpu.memory_space<vmem>>, %arg9: memref<10112x128xf32, #tpu.memory_space<vmem_shared>>, %arg10: memref<!tpu.dma_semaphore, #tpu.memory_space<semaphore_mem>>) attributes {dimension_semantics = [#tpu.dimension_semantics<core_parallel>, #tpu.dimension_semantics<subcore_parallel>], iteration_bounds = array<i64: 2, 16>, scalar_prefetch = 0 : i64, scratch_operands = 5 : i64, tpu.core_type = #tpu.core_type<sc_vector_subcore>, window_params = [{transform_indices = #map}, {transform_indices = #map}, {transform_indices = #map1}, {transform_indices = #map1}]} {
    %mul3A = arith.constant 16 : i32
    %mul3A_0 = arith.muli %arg0, %mul3A : i32
    %add3A = arith.addi %mul3A_0, %arg1 : i32
    "tpu.region"() ({
      %run_scoped3A = tpu.sem_alloc : memref<!tpu.dma_semaphore, #tpu.memory_space<semaphore_mem>>
      %dma_start3A = arith.constant 0 : i32
      %dma_start3A_44 = tpu.memref_slice %arg3[%add3A, %dma_start3A] : memref<32x10080xi32, #tpu.memory_space<hbm>> -> memref<1x10080xi32, #tpu.memory_space<hbm>>
      %dma_start3A_45 = tpu.memref_squeeze %dma_start3A_44 : memref<1x10080xi32, #tpu.memory_space<hbm>> -> memref<10080xi32, #tpu.memory_space<hbm>>
      %dma_start3A_46 = arith.constant 0 : i32
      %dma_start3A_47 = tpu.memref_slice %arg3[%add3A, %dma_start3A_46] : memref<32x10080xi32, #tpu.memory_space<hbm>> -> memref<1x10080xi32, #tpu.memory_space<hbm>>
      %dma_start3A_48 = tpu.memref_squeeze %dma_start3A_47 : memref<1x10080xi32, #tpu.memory_space<hbm>> -> memref<10080xi32, #tpu.memory_space<hbm>>
      tpu.enqueue_dma source(%dma_start3A_48 : memref<10080xi32, #tpu.memory_space<hbm>>) target(%arg6 : memref<10080xi32, #tpu.memory_space<vmem>>) target_semaphore(%run_scoped3A : memref<!tpu.dma_semaphore, #tpu.memory_space<semaphore_mem>>)
      %dma_wait3A = arith.constant 0 : i32
      %dma_wait3A_49 = tpu.memref_slice %arg3[%add3A, %dma_wait3A] : memref<32x10080xi32, #tpu.memory_space<hbm>> -> memref<1x10080xi32, #tpu.memory_space<hbm>>
      %dma_wait3A_50 = tpu.memref_squeeze %dma_wait3A_49 : memref<1x10080xi32, #tpu.memory_space<hbm>> -> memref<10080xi32, #tpu.memory_space<hbm>>
      %dma_wait3A_51 = arith.constant 0 : i32
      %dma_wait3A_52 = tpu.memref_slice %arg3[%add3A, %dma_wait3A_51] : memref<32x10080xi32, #tpu.memory_space<hbm>> -> memref<1x10080xi32, #tpu.memory_space<hbm>>
      %dma_wait3A_53 = tpu.memref_squeeze %dma_wait3A_52 : memref<1x10080xi32, #tpu.memory_space<hbm>> -> memref<10080xi32, #tpu.memory_space<hbm>>
      tpu.wait_dma2 semaphore(%run_scoped3A : memref<!tpu.dma_semaphore, #tpu.memory_space<semaphore_mem>>) src(%dma_wait3A_53 : memref<10080xi32, #tpu.memory_space<hbm>>) dst(%arg6 : memref<10080xi32, #tpu.memory_space<vmem>>)
      tpu.yield
    }) : () -> ()
    "tpu.region"() ({
      %run_scoped3A = tpu.sem_alloc : memref<!tpu.dma_semaphore, #tpu.memory_space<semaphore_mem>>
      %dma_start3A = arith.constant 0 : i32
      %dma_start3A_44 = arith.constant 0 : i32
      %dma_start3A_45 = tpu.memref_slice %arg4[%add3A, %dma_start3A, %dma_start3A_44] : memref<32x126x80xi32, #tpu.memory_space<hbm>> -> memref<1x126x80xi32, #tpu.memory_space<hbm>>
      %dma_start3A_46 = tpu.memref_squeeze %dma_start3A_45 : memref<1x126x80xi32, #tpu.memory_space<hbm>> -> memref<126x80xi32, #tpu.memory_space<hbm>>
      %dma_start3A_47 = arith.constant 0 : i32
      %dma_start3A_48 = arith.constant 0 : i32
      %dma_start3A_49 = tpu.memref_slice %arg4[%add3A, %dma_start3A_47, %dma_start3A_48] : memref<32x126x80xi32, #tpu.memory_space<hbm>> -> memref<1x126x80xi32, #tpu.memory_space<hbm>>
      %dma_start3A_50 = tpu.memref_squeeze %dma_start3A_49 : memref<1x126x80xi32, #tpu.memory_space<hbm>> -> memref<126x80xi32, #tpu.memory_space<hbm>>
      tpu.enqueue_dma source(%dma_start3A_50 : memref<126x80xi32, #tpu.memory_space<hbm>>) target(%arg7 : memref<126x80xi32, #tpu.memory_space<vmem>>) target_semaphore(%run_scoped3A : memref<!tpu.dma_semaphore, #tpu.memory_space<semaphore_mem>>)
      %dma_wait3A = arith.constant 0 : i32
      %dma_wait3A_51 = arith.constant 0 : i32
      %dma_wait3A_52 = tpu.memref_slice %arg4[%add3A, %dma_wait3A, %dma_wait3A_51] : memref<32x126x80xi32, #tpu.memory_space<hbm>> -> memref<1x126x80xi32, #tpu.memory_space<hbm>>
      %dma_wait3A_53 = tpu.memref_squeeze %dma_wait3A_52 : memref<1x126x80xi32, #tpu.memory_space<hbm>> -> memref<126x80xi32, #tpu.memory_space<hbm>>
      %dma_wait3A_54 = arith.constant 0 : i32
      %dma_wait3A_55 = arith.constant 0 : i32
      %dma_wait3A_56 = tpu.memref_slice %arg4[%add3A, %dma_wait3A_54, %dma_wait3A_55] : memref<32x126x80xi32, #tpu.memory_space<hbm>> -> memref<1x126x80xi32, #tpu.memory_space<hbm>>
      %dma_wait3A_57 = tpu.memref_squeeze %dma_wait3A_56 : memref<1x126x80xi32, #tpu.memory_space<hbm>> -> memref<126x80xi32, #tpu.memory_space<hbm>>
      tpu.wait_dma2 semaphore(%run_scoped3A : memref<!tpu.dma_semaphore, #tpu.memory_space<semaphore_mem>>) src(%dma_wait3A_57 : memref<126x80xi32, #tpu.memory_space<hbm>>) dst(%arg7 : memref<126x80xi32, #tpu.memory_space<vmem>>)
      tpu.yield
    }) : () -> ()
    %broadcast_in_dim3A = arith.constant 0.000000e+00 : f32
    %broadcast_in_dim3A_1 = vector.broadcast %broadcast_in_dim3A : f32 to vector<16xf32>
    %scan3A = arith.constant 0 : i32
    %scan3A_2 = arith.constant 160 : i32
    %scan3A_3 = arith.addi %scan3A, %scan3A_2 : i32
    %scan3A_4 = arith.constant 1 : i32
    scf.for %scan3A_44 = %scan3A to %scan3A_3 step %scan3A_4  : i32 {
      %mul3A_45 = arith.constant 1 : i32
      %mul3A_46 = arith.muli %scan3A_44, %mul3A_45 : i32
      %add3A_47 = arith.constant 0 : i32
      %add3A_48 = arith.addi %add3A_47, %mul3A_46 : i32
      %swap3A = arith.index_cast %add3A_48 : i32 to index
      %swap3A_49 = arith.constant 0 : index
      %swap3A_50 = tpu.vector_load %arg8[%swap3A, %swap3A_49] {strides = array<i32>} : memref<160x128xf32, #tpu.memory_space<vmem>>, vector<1x16xf32>,
      %swap3A_51 = vector.shape_cast %swap3A_50 : vector<1x16xf32> to vector<16xf32>
      %swap3A_52 = vector.shape_cast %broadcast_in_dim3A_1 : vector<16xf32> to vector<1x16xf32>
      tpu.vector_store %arg8[%swap3A, %swap3A_49], %swap3A_52 {strides = array<i32>} : memref<160x128xf32, #tpu.memory_space<vmem>>, vector<1x16xf32>,
      %swap3A_53 = arith.index_cast %add3A_48 : i32 to index
      %swap3A_54 = arith.constant 16 : index
      %swap3A_55 = tpu.vector_load %arg8[%swap3A_53, %swap3A_54] {strides = array<i32>} : memref<160x128xf32, #tpu.memory_space<vmem>>, vector<1x16xf32>,
      %swap3A_56 = vector.shape_cast %swap3A_55 : vector<1x16xf32> to vector<16xf32>
      %swap3A_57 = vector.shape_cast %broadcast_in_dim3A_1 : vector<16xf32> to vector<1x16xf32>
      tpu.vector_store %arg8[%swap3A_53, %swap3A_54], %swap3A_57 {strides = array<i32>} : memref<160x128xf32, #tpu.memory_space<vmem>>, vector<1x16xf32>,
      %swap3A_58 = arith.index_cast %add3A_48 : i32 to index
      %swap3A_59 = arith.constant 32 : index
      %swap3A_60 = tpu.vector_load %arg8[%swap3A_58, %swap3A_59] {strides = array<i32>} : memref<160x128xf32, #tpu.memory_space<vmem>>, vector<1x16xf32>,
      %swap3A_61 = vector.shape_cast %swap3A_60 : vector<1x16xf32> to vector<16xf32>
      %swap3A_62 = vector.shape_cast %broadcast_in_dim3A_1 : vector<16xf32> to vector<1x16xf32>
      tpu.vector_store %arg8[%swap3A_58, %swap3A_59], %swap3A_62 {strides = array<i32>} : memref<160x128xf32, #tpu.memory_space<vmem>>, vector<1x16xf32>,
      %swap3A_63 = arith.index_cast %add3A_48 : i32 to index
      %swap3A_64 = arith.constant 48 : index
      %swap3A_65 = tpu.vector_load %arg8[%swap3A_63, %swap3A_64] {strides = array<i32>} : memref<160x128xf32, #tpu.memory_space<vmem>>, vector<1x16xf32>,
      %swap3A_66 = vector.shape_cast %swap3A_65 : vector<1x16xf32> to vector<16xf32>
      %swap3A_67 = vector.shape_cast %broadcast_in_dim3A_1 : vector<16xf32> to vector<1x16xf32>
      tpu.vector_store %arg8[%swap3A_63, %swap3A_64], %swap3A_67 {strides = array<i32>} : memref<160x128xf32, #tpu.memory_space<vmem>>, vector<1x16xf32>,
      %swap3A_68 = arith.index_cast %add3A_48 : i32 to index
      %swap3A_69 = arith.constant 64 : index
      %swap3A_70 = tpu.vector_load %arg8[%swap3A_68, %swap3A_69] {strides = array<i32>} : memref<160x128xf32, #tpu.memory_space<vmem>>, vector<1x16xf32>,
      %swap3A_71 = vector.shape_cast %swap3A_70 : vector<1x16xf32> to vector<16xf32>
      %swap3A_72 = vector.shape_cast %broadcast_in_dim3A_1 : vector<16xf32> to vector<1x16xf32>
      tpu.vector_store %arg8[%swap3A_68, %swap3A_69], %swap3A_72 {strides = array<i32>} : memref<160x128xf32, #tpu.memory_space<vmem>>, vector<1x16xf32>,
      %swap3A_73 = arith.index_cast %add3A_48 : i32 to index
      %swap3A_74 = arith.constant 80 : index
      %swap3A_75 = tpu.vector_load %arg8[%swap3A_73, %swap3A_74] {strides = array<i32>} : memref<160x128xf32, #tpu.memory_space<vmem>>, vector<1x16xf32>,
      %swap3A_76 = vector.shape_cast %swap3A_75 : vector<1x16xf32> to vector<16xf32>
      %swap3A_77 = vector.shape_cast %broadcast_in_dim3A_1 : vector<16xf32> to vector<1x16xf32>
      tpu.vector_store %arg8[%swap3A_73, %swap3A_74], %swap3A_77 {strides = array<i32>} : memref<160x128xf32, #tpu.memory_space<vmem>>, vector<1x16xf32>,
      %swap3A_78 = arith.index_cast %add3A_48 : i32 to index
      %swap3A_79 = arith.constant 96 : index
      %swap3A_80 = tpu.vector_load %arg8[%swap3A_78, %swap3A_79] {strides = array<i32>} : memref<160x128xf32, #tpu.memory_space<vmem>>, vector<1x16xf32>,
      %swap3A_81 = vector.shape_cast %swap3A_80 : vector<1x16xf32> to vector<16xf32>
      %swap3A_82 = vector.shape_cast %broadcast_in_dim3A_1 : vector<16xf32> to vector<1x16xf32>
      tpu.vector_store %arg8[%swap3A_78, %swap3A_79], %swap3A_82 {strides = array<i32>} : memref<160x128xf32, #tpu.memory_space<vmem>>, vector<1x16xf32>,
      %swap3A_83 = arith.index_cast %add3A_48 : i32 to index
      %swap3A_84 = arith.constant 112 : index
      %swap3A_85 = tpu.vector_load %arg8[%swap3A_83, %swap3A_84] {strides = array<i32>} : memref<160x128xf32, #tpu.memory_space<vmem>>, vector<1x16xf32>,
      %swap3A_86 = vector.shape_cast %swap3A_85 : vector<1x16xf32> to vector<16xf32>
      %swap3A_87 = vector.shape_cast %broadcast_in_dim3A_1 : vector<16xf32> to vector<1x16xf32>
      tpu.vector_store %arg8[%swap3A_83, %swap3A_84], %swap3A_87 {strides = array<i32>} : memref<160x128xf32, #tpu.memory_space<vmem>>, vector<1x16xf32>,
    }
    %scan3A_5 = arith.constant 160 : i32
    %mul3A_6 = arith.constant 632 : i32
    %mul3A_7 = arith.muli %arg1, %mul3A_6 : i32
    %add3A_8 = arith.constant 0 : i32
    %add3A_9 = arith.addi %mul3A_7, %add3A_8 : i32
    "tpu.region"() ({
      %run_scoped3A = tpu.sem_alloc : memref<!tpu.dma_semaphore, #tpu.memory_space<semaphore_mem>>
      %dma_start3A = arith.constant 0 : i32
      %dma_start3A_44 = arith.constant 0 : i32
      %dma_start3A_45 = tpu.memref_slice %arg8[%dma_start3A, %dma_start3A_44] : memref<160x128xf32, #tpu.memory_space<vmem>> -> memref<160x128xf32, #tpu.memory_space<vmem>>
      %dma_start3A_46 = arith.constant 0 : i32
      %dma_start3A_47 = tpu.memref_slice %arg9[%add3A_9, %dma_start3A_46] : memref<10112x128xf32, #tpu.memory_space<vmem_shared>> -> memref<160x128xf32, #tpu.memory_space<vmem_shared>>
      %dma_start3A_48 = arith.constant 0 : i32
      %dma_start3A_49 = tpu.memref_slice %arg9[%add3A_9, %dma_start3A_48] : memref<10112x128xf32, #tpu.memory_space<vmem_shared>> -> memref<160x128xf32, #tpu.memory_space<vmem_shared>>
      %dma_start3A_50 = arith.constant 0 : i32
      %dma_start3A_51 = arith.constant 0 : i32
      %dma_start3A_52 = tpu.memref_slice %arg8[%dma_start3A_50, %dma_start3A_51] : memref<160x128xf32, #tpu.memory_space<vmem>> -> memref<160x128xf32, #tpu.memory_space<vmem>>
      tpu.enqueue_dma source(%dma_start3A_52 : memref<160x128xf32, #tpu.memory_space<vmem>>) target(%dma_start3A_49 : memref<160x128xf32, #tpu.memory_space<vmem_shared>>) target_semaphore(%run_scoped3A : memref<!tpu.dma_semaphore, #tpu.memory_space<semaphore_mem>>)
      %dma_wait3A = arith.constant 0 : i32
      %dma_wait3A_53 = arith.constant 0 : i32
      %dma_wait3A_54 = tpu.memref_slice %arg8[%dma_wait3A, %dma_wait3A_53] : memref<160x128xf32, #tpu.memory_space<vmem>> -> memref<160x128xf32, #tpu.memory_space<vmem>>
      %dma_wait3A_55 = arith.constant 0 : i32
      %dma_wait3A_56 = tpu.memref_slice %arg9[%add3A_9, %dma_wait3A_55] : memref<10112x128xf32, #tpu.memory_space<vmem_shared>> -> memref<160x128xf32, #tpu.memory_space<vmem_shared>>
      %dma_wait3A_57 = arith.constant 0 : i32
      %dma_wait3A_58 = tpu.memref_slice %arg9[%add3A_9, %dma_wait3A_57] : memref<10112x128xf32, #tpu.memory_space<vmem_shared>> -> memref<160x128xf32, #tpu.memory_space<vmem_shared>>
      %dma_wait3A_59 = arith.constant 0 : i32
      %dma_wait3A_60 = arith.constant 0 : i32
      %dma_wait3A_61 = tpu.memref_slice %arg8[%dma_wait3A_59, %dma_wait3A_60] : memref<160x128xf32, #tpu.memory_space<vmem>> -> memref<160x128xf32, #tpu.memory_space<vmem>>
      tpu.wait_dma2 semaphore(%run_scoped3A : memref<!tpu.dma_semaphore, #tpu.memory_space<semaphore_mem>>) src(%dma_wait3A_61 : memref<160x128xf32, #tpu.memory_space<vmem>>) dst(%dma_wait3A_58 : memref<160x128xf32, #tpu.memory_space<vmem_shared>>)
      tpu.yield
    }) : () -> ()
    %mul3A_10 = arith.constant 632 : i32
    %mul3A_11 = arith.muli %arg1, %mul3A_10 : i32
    %add3A_12 = arith.constant 160 : i32
    %add3A_13 = arith.addi %mul3A_11, %add3A_12 : i32
    "tpu.region"() ({
      %run_scoped3A = tpu.sem_alloc : memref<!tpu.dma_semaphore, #tpu.memory_space<semaphore_mem>>
      %dma_start3A = arith.constant 0 : i32
      %dma_start3A_44 = arith.constant 0 : i32
      %dma_start3A_45 = tpu.memref_slice %arg8[%dma_start3A, %dma_start3A_44] : memref<160x128xf32, #tpu.memory_space<vmem>> -> memref<160x128xf32, #tpu.memory_space<vmem>>
      %dma_start3A_46 = arith.constant 0 : i32
      %dma_start3A_47 = tpu.memref_slice %arg9[%add3A_13, %dma_start3A_46] : memref<10112x128xf32, #tpu.memory_space<vmem_shared>> -> memref<160x128xf32, #tpu.memory_space<vmem_shared>>
      %dma_start3A_48 = arith.constant 0 : i32
      %dma_start3A_49 = tpu.memref_slice %arg9[%add3A_13, %dma_start3A_48] : memref<10112x128xf32, #tpu.memory_space<vmem_shared>> -> memref<160x128xf32, #tpu.memory_space<vmem_shared>>
      %dma_start3A_50 = arith.constant 0 : i32
      %dma_start3A_51 = arith.constant 0 : i32
      %dma_start3A_52 = tpu.memref_slice %arg8[%dma_start3A_50, %dma_start3A_51] : memref<160x128xf32, #tpu.memory_space<vmem>> -> memref<160x128xf32, #tpu.memory_space<vmem>>
      tpu.enqueue_dma source(%dma_start3A_52 : memref<160x128xf32, #tpu.memory_space<vmem>>) target(%dma_start3A_49 : memref<160x128xf32, #tpu.memory_space<vmem_shared>>) target_semaphore(%run_scoped3A : memref<!tpu.dma_semaphore, #tpu.memory_space<semaphore_mem>>)
      %dma_wait3A = arith.constant 0 : i32
      %dma_wait3A_53 = arith.constant 0 : i32
      %dma_wait3A_54 = tpu.memref_slice %arg8[%dma_wait3A, %dma_wait3A_53] : memref<160x128xf32, #tpu.memory_space<vmem>> -> memref<160x128xf32, #tpu.memory_space<vmem>>
      %dma_wait3A_55 = arith.constant 0 : i32
      %dma_wait3A_56 = tpu.memref_slice %arg9[%add3A_13, %dma_wait3A_55] : memref<10112x128xf32, #tpu.memory_space<vmem_shared>> -> memref<160x128xf32, #tpu.memory_space<vmem_shared>>
      %dma_wait3A_57 = arith.constant 0 : i32
      %dma_wait3A_58 = tpu.memref_slice %arg9[%add3A_13, %dma_wait3A_57] : memref<10112x128xf32, #tpu.memory_space<vmem_shared>> -> memref<160x128xf32, #tpu.memory_space<vmem_shared>>
      %dma_wait3A_59 = arith.constant 0 : i32
      %dma_wait3A_60 = arith.constant 0 : i32
      %dma_wait3A_61 = tpu.memref_slice %arg8[%dma_wait3A_59, %dma_wait3A_60] : memref<160x128xf32, #tpu.memory_space<vmem>> -> memref<160x128xf32, #tpu.memory_space<vmem>>
      tpu.wait_dma2 semaphore(%run_scoped3A : memref<!tpu.dma_semaphore, #tpu.memory_space<semaphore_mem>>) src(%dma_wait3A_61 : memref<160x128xf32, #tpu.memory_space<vmem>>) dst(%dma_wait3A_58 : memref<160x128xf32, #tpu.memory_space<vmem_shared>>)
      tpu.yield
    }) : () -> ()
    %mul3A_14 = arith.constant 632 : i32
    %mul3A_15 = arith.muli %arg1, %mul3A_14 : i32
    %add3A_16 = arith.constant 320 : i32
    %add3A_17 = arith.addi %mul3A_15, %add3A_16 : i32
    "tpu.region"() ({
      %run_scoped3A = tpu.sem_alloc : memref<!tpu.dma_semaphore, #tpu.memory_space<semaphore_mem>>
      %dma_start3A = arith.constant 0 : i32
      %dma_start3A_44 = arith.constant 0 : i32
      %dma_start3A_45 = tpu.memref_slice %arg8[%dma_start3A, %dma_start3A_44] : memref<160x128xf32, #tpu.memory_space<vmem>> -> memref<160x128xf32, #tpu.memory_space<vmem>>
      %dma_start3A_46 = arith.constant 0 : i32
      %dma_start3A_47 = tpu.memref_slice %arg9[%add3A_17, %dma_start3A_46] : memref<10112x128xf32, #tpu.memory_space<vmem_shared>> -> memref<160x128xf32, #tpu.memory_space<vmem_shared>>
      %dma_start3A_48 = arith.constant 0 : i32
      %dma_start3A_49 = tpu.memref_slice %arg9[%add3A_17, %dma_start3A_48] : memref<10112x128xf32, #tpu.memory_space<vmem_shared>> -> memref<160x128xf32, #tpu.memory_space<vmem_shared>>
      %dma_start3A_50 = arith.constant 0 : i32
      %dma_start3A_51 = arith.constant 0 : i32
      %dma_start3A_52 = tpu.memref_slice %arg8[%dma_start3A_50, %dma_start3A_51] : memref<160x128xf32, #tpu.memory_space<vmem>> -> memref<160x128xf32, #tpu.memory_space<vmem>>
      tpu.enqueue_dma source(%dma_start3A_52 : memref<160x128xf32, #tpu.memory_space<vmem>>) target(%dma_start3A_49 : memref<160x128xf32, #tpu.memory_space<vmem_shared>>) target_semaphore(%run_scoped3A : memref<!tpu.dma_semaphore, #tpu.memory_space<semaphore_mem>>)
      %dma_wait3A = arith.constant 0 : i32
      %dma_wait3A_53 = arith.constant 0 : i32
      %dma_wait3A_54 = tpu.memref_slice %arg8[%dma_wait3A, %dma_wait3A_53] : memref<160x128xf32, #tpu.memory_space<vmem>> -> memref<160x128xf32, #tpu.memory_space<vmem>>
      %dma_wait3A_55 = arith.constant 0 : i32
      %dma_wait3A_56 = tpu.memref_slice %arg9[%add3A_17, %dma_wait3A_55] : memref<10112x128xf32, #tpu.memory_space<vmem_shared>> -> memref<160x128xf32, #tpu.memory_space<vmem_shared>>
      %dma_wait3A_57 = arith.constant 0 : i32
      %dma_wait3A_58 = tpu.memref_slice %arg9[%add3A_17, %dma_wait3A_57] : memref<10112x128xf32, #tpu.memory_space<vmem_shared>> -> memref<160x128xf32, #tpu.memory_space<vmem_shared>>
      %dma_wait3A_59 = arith.constant 0 : i32
      %dma_wait3A_60 = arith.constant 0 : i32
      %dma_wait3A_61 = tpu.memref_slice %arg8[%dma_wait3A_59, %dma_wait3A_60] : memref<160x128xf32, #tpu.memory_space<vmem>> -> memref<160x128xf32, #tpu.memory_space<vmem>>
      tpu.wait_dma2 semaphore(%run_scoped3A : memref<!tpu.dma_semaphore, #tpu.memory_space<semaphore_mem>>) src(%dma_wait3A_61 : memref<160x128xf32, #tpu.memory_space<vmem>>) dst(%dma_wait3A_58 : memref<160x128xf32, #tpu.memory_space<vmem_shared>>)
      tpu.yield
    }) : () -> ()
    %mul3A_18 = arith.constant 632 : i32
    %mul3A_19 = arith.muli %arg1, %mul3A_18 : i32
    %add3A_20 = arith.constant 480 : i32
    %add3A_21 = arith.addi %mul3A_19, %add3A_20 : i32
    "tpu.region"() ({
      %run_scoped3A = tpu.sem_alloc : memref<!tpu.dma_semaphore, #tpu.memory_space<semaphore_mem>>
      %dma_start3A = arith.constant 0 : i32
      %dma_start3A_44 = arith.constant 0 : i32
      %dma_start3A_45 = tpu.memref_slice %arg8[%dma_start3A, %dma_start3A_44] : memref<160x128xf32, #tpu.memory_space<vmem>> -> memref<152x128xf32, #tpu.memory_space<vmem>>
      %dma_start3A_46 = arith.constant 0 : i32
      %dma_start3A_47 = tpu.memref_slice %arg9[%add3A_21, %dma_start3A_46] : memref<10112x128xf32, #tpu.memory_space<vmem_shared>> -> memref<152x128xf32, #tpu.memory_space<vmem_shared>>
      %dma_start3A_48 = arith.constant 0 : i32
      %dma_start3A_49 = tpu.memref_slice %arg9[%add3A_21, %dma_start3A_48] : memref<10112x128xf32, #tpu.memory_space<vmem_shared>> -> memref<152x128xf32, #tpu.memory_space<vmem_shared>>
      %dma_start3A_50 = arith.constant 0 : i32
      %dma_start3A_51 = arith.constant 0 : i32
      %dma_start3A_52 = tpu.memref_slice %arg8[%dma_start3A_50, %dma_start3A_51] : memref<160x128xf32, #tpu.memory_space<vmem>> -> memref<152x128xf32, #tpu.memory_space<vmem>>
      tpu.enqueue_dma source(%dma_start3A_52 : memref<152x128xf32, #tpu.memory_space<vmem>>) target(%dma_start3A_49 : memref<152x128xf32, #tpu.memory_space<vmem_shared>>) target_semaphore(%run_scoped3A : memref<!tpu.dma_semaphore, #tpu.memory_space<semaphore_mem>>)
      %dma_wait3A = arith.constant 0 : i32
      %dma_wait3A_53 = arith.constant 0 : i32
      %dma_wait3A_54 = tpu.memref_slice %arg8[%dma_wait3A, %dma_wait3A_53] : memref<160x128xf32, #tpu.memory_space<vmem>> -> memref<152x128xf32, #tpu.memory_space<vmem>>
      %dma_wait3A_55 = arith.constant 0 : i32
      %dma_wait3A_56 = tpu.memref_slice %arg9[%add3A_21, %dma_wait3A_55] : memref<10112x128xf32, #tpu.memory_space<vmem_shared>> -> memref<152x128xf32, #tpu.memory_space<vmem_shared>>
      %dma_wait3A_57 = arith.constant 0 : i32
      %dma_wait3A_58 = tpu.memref_slice %arg9[%add3A_21, %dma_wait3A_57] : memref<10112x128xf32, #tpu.memory_space<vmem_shared>> -> memref<152x128xf32, #tpu.memory_space<vmem_shared>>
      %dma_wait3A_59 = arith.constant 0 : i32
      %dma_wait3A_60 = arith.constant 0 : i32
      %dma_wait3A_61 = tpu.memref_slice %arg8[%dma_wait3A_59, %dma_wait3A_60] : memref<160x128xf32, #tpu.memory_space<vmem>> -> memref<152x128xf32, #tpu.memory_space<vmem>>
      tpu.wait_dma2 semaphore(%run_scoped3A : memref<!tpu.dma_semaphore, #tpu.memory_space<semaphore_mem>>) src(%dma_wait3A_61 : memref<152x128xf32, #tpu.memory_space<vmem>>) dst(%dma_wait3A_58 : memref<152x128xf32, #tpu.memory_space<vmem_shared>>)
      tpu.yield
    }) : () -> ()
    %barrier3A = arith.constant 0 : index
    tpu.barrier barrier_id(%barrier3A)
    %scan3A_22 = arith.constant 0 : i32
    %scan3A_23 = arith.constant 63 : i32
    %scan3A_24 = arith.addi %scan3A_22, %scan3A_23 : i32
    %scan3A_25 = arith.constant 1 : i32
    scf.for %scan3A_44 = %scan3A_22 to %scan3A_24 step %scan3A_25  : i32 {
      %mul3A_45 = arith.constant 1 : i32
      %mul3A_46 = arith.muli %scan3A_44, %mul3A_45 : i32
      %add3A_47 = arith.constant 0 : i32
      %add3A_48 = arith.addi %add3A_47, %mul3A_46 : i32
      %mul3A_49 = arith.constant 160 : i32
      %mul3A_50 = arith.muli %add3A_48, %mul3A_49 : i32
      %dma_start3A = tpu.memref_slice %arg6[%mul3A_50] : memref<10080xi32, #tpu.memory_space<vmem>> -> memref<160xi32, #tpu.memory_space<vmem>>
      %dma_start3A_51 = arith.constant 0 : i32
      %dma_start3A_52 = arith.constant 0 : i32
      %dma_start3A_53 = tpu.memref_slice %arg2[%dma_start3A_51, %dma_start3A_52] : memref<10000x128xf32, #tpu.memory_space<hbm>> -> memref<10000x128xf32, #tpu.memory_space<hbm>>
      tpu.enqueue_indirect_dma source(%dma_start3A_53 : memref<10000x128xf32, #tpu.memory_space<hbm>>) target(%arg8 : memref<160x128xf32, #tpu.memory_space<vmem>>) offsets(%dma_start3A : memref<160xi32, #tpu.memory_space<vmem>>) semaphore(%arg10 : memref<!tpu.dma_semaphore, #tpu.memory_space<semaphore_mem>>)
      %dma_wait3A = tpu.memref_slice %arg6[%mul3A_50] : memref<10080xi32, #tpu.memory_space<vmem>> -> memref<160xi32, #tpu.memory_space<vmem>>
      %dma_wait3A_54 = arith.constant 0 : i32
      %dma_wait3A_55 = arith.constant 0 : i32
      %dma_wait3A_56 = tpu.memref_slice %arg2[%dma_wait3A_54, %dma_wait3A_55] : memref<10000x128xf32, #tpu.memory_space<hbm>> -> memref<10000x128xf32, #tpu.memory_space<hbm>>
      tpu.wait_indirect_dma semaphore(%arg10 : memref<!tpu.dma_semaphore, #tpu.memory_space<semaphore_mem>>) src(%dma_wait3A_56 : memref<10000x128xf32, #tpu.memory_space<hbm>>) dst(%arg8 : memref<160x128xf32, #tpu.memory_space<vmem>>)
      %mul3A_57 = arith.constant 2 : i32
      %mul3A_58 = arith.muli %add3A_48, %mul3A_57 : i32
      %add3A_59 = arith.constant 0 : i32
      %add3A_60 = arith.addi %mul3A_58, %add3A_59 : i32
      "tpu.region"() ({
        %run_scoped3A = tpu.sem_alloc : memref<!tpu.dma_semaphore, #tpu.memory_space<semaphore_mem>>
        %dma_start3A_65 = arith.constant 0 : i32
        %dma_start3A_66 = arith.constant 0 : i32
        %dma_start3A_67 = tpu.memref_slice %arg8[%dma_start3A_65, %dma_start3A_66] : memref<160x128xf32, #tpu.memory_space<vmem>> -> memref<80x128xf32, #tpu.memory_space<vmem>>
        %dma_start3A_68 = arith.constant 0 : i32
        %dma_start3A_69 = tpu.memref_slice %arg7[%add3A_60, %dma_start3A_68] : memref<126x80xi32, #tpu.memory_space<vmem>> -> memref<1x80xi32, #tpu.memory_space<vmem>>
        %dma_start3A_70 = tpu.memref_squeeze %dma_start3A_69 : memref<1x80xi32, #tpu.memory_space<vmem>> -> memref<80xi32, #tpu.memory_space<vmem>>
        %dma_start3A_71 = arith.constant 0 : i32
        %dma_start3A_72 = arith.constant 0 : i32
        %dma_start3A_73 = tpu.memref_slice %arg9[%dma_start3A_71, %dma_start3A_72] : memref<10112x128xf32, #tpu.memory_space<vmem_shared>> -> memref<10112x128xf32, #tpu.memory_space<vmem_shared>>
        tpu.enqueue_indirect_dma source(%dma_start3A_67 : memref<80x128xf32, #tpu.memory_space<vmem>>) target(%dma_start3A_73 : memref<10112x128xf32, #tpu.memory_space<vmem_shared>>) offsets(%dma_start3A_70 : memref<80xi32, #tpu.memory_space<vmem>>) semaphore(%run_scoped3A : memref<!tpu.dma_semaphore, #tpu.memory_space<semaphore_mem>>) {add = true}
        %dma_wait3A_74 = arith.constant 0 : i32
        %dma_wait3A_75 = arith.constant 0 : i32
        %dma_wait3A_76 = tpu.memref_slice %arg8[%dma_wait3A_74, %dma_wait3A_75] : memref<160x128xf32, #tpu.memory_space<vmem>> -> memref<80x128xf32, #tpu.memory_space<vmem>>
        %dma_wait3A_77 = arith.constant 0 : i32
        %dma_wait3A_78 = tpu.memref_slice %arg7[%add3A_60, %dma_wait3A_77] : memref<126x80xi32, #tpu.memory_space<vmem>> -> memref<1x80xi32, #tpu.memory_space<vmem>>
        %dma_wait3A_79 = tpu.memref_squeeze %dma_wait3A_78 : memref<1x80xi32, #tpu.memory_space<vmem>> -> memref<80xi32, #tpu.memory_space<vmem>>
        %dma_wait3A_80 = arith.constant 0 : i32
        %dma_wait3A_81 = arith.constant 0 : i32
        %dma_wait3A_82 = tpu.memref_slice %arg9[%dma_wait3A_80, %dma_wait3A_81] : memref<10112x128xf32, #tpu.memory_space<vmem_shared>> -> memref<10112x128xf32, #tpu.memory_space<vmem_shared>>
        tpu.wait_indirect_dma semaphore(%run_scoped3A : memref<!tpu.dma_semaphore, #tpu.memory_space<semaphore_mem>>) src(%dma_wait3A_76 : memref<80x128xf32, #tpu.memory_space<vmem>>) dst(%dma_wait3A_82 : memref<10112x128xf32, #tpu.memory_space<vmem_shared>>)
        tpu.yield
      }) : () -> ()
      %mul3A_61 = arith.constant 2 : i32
      %mul3A_62 = arith.muli %add3A_48, %mul3A_61 : i32
      %add3A_63 = arith.constant 1 : i32
      %add3A_64 = arith.addi %mul3A_62, %add3A_63 : i32
      "tpu.region"() ({
        %run_scoped3A = tpu.sem_alloc : memref<!tpu.dma_semaphore, #tpu.memory_space<semaphore_mem>>
        %dma_start3A_65 = arith.constant 80 : i32
        %dma_start3A_66 = arith.constant 0 : i32
        %dma_start3A_67 = tpu.memref_slice %arg8[%dma_start3A_65, %dma_start3A_66] : memref<160x128xf32, #tpu.memory_space<vmem>> -> memref<80x128xf32, #tpu.memory_space<vmem>>
        %dma_start3A_68 = arith.constant 0 : i32
        %dma_start3A_69 = tpu.memref_slice %arg7[%add3A_64, %dma_start3A_68] : memref<126x80xi32, #tpu.memory_space<vmem>> -> memref<1x80xi32, #tpu.memory_space<vmem>>
        %dma_start3A_70 = tpu.memref_squeeze %dma_start3A_69 : memref<1x80xi32, #tpu.memory_space<vmem>> -> memref<80xi32, #tpu.memory_space<vmem>>
        %dma_start3A_71 = arith.constant 0 : i32
        %dma_start3A_72 = arith.constant 0 : i32
        %dma_start3A_73 = tpu.memref_slice %arg9[%dma_start3A_71, %dma_start3A_72] : memref<10112x128xf32, #tpu.memory_space<vmem_shared>> -> memref<10112x128xf32, #tpu.memory_space<vmem_shared>>
        tpu.enqueue_indirect_dma source(%dma_start3A_67 : memref<80x128xf32, #tpu.memory_space<vmem>>) target(%dma_start3A_73 : memref<10112x128xf32, #tpu.memory_space<vmem_shared>>) offsets(%dma_start3A_70 : memref<80xi32, #tpu.memory_space<vmem>>) semaphore(%run_scoped3A : memref<!tpu.dma_semaphore, #tpu.memory_space<semaphore_mem>>) {add = true}
        %dma_wait3A_74 = arith.constant 80 : i32
        %dma_wait3A_75 = arith.constant 0 : i32
        %dma_wait3A_76 = tpu.memref_slice %arg8[%dma_wait3A_74, %dma_wait3A_75] : memref<160x128xf32, #tpu.memory_space<vmem>> -> memref<80x128xf32, #tpu.memory_space<vmem>>
        %dma_wait3A_77 = arith.constant 0 : i32
        %dma_wait3A_78 = tpu.memref_slice %arg7[%add3A_64, %dma_wait3A_77] : memref<126x80xi32, #tpu.memory_space<vmem>> -> memref<1x80xi32, #tpu.memory_space<vmem>>
        %dma_wait3A_79 = tpu.memref_squeeze %dma_wait3A_78 : memref<1x80xi32, #tpu.memory_space<vmem>> -> memref<80xi32, #tpu.memory_space<vmem>>
        %dma_wait3A_80 = arith.constant 0 : i32
        %dma_wait3A_81 = arith.constant 0 : i32
        %dma_wait3A_82 = tpu.memref_slice %arg9[%dma_wait3A_80, %dma_wait3A_81] : memref<10112x128xf32, #tpu.memory_space<vmem_shared>> -> memref<10112x128xf32, #tpu.memory_space<vmem_shared>>
        tpu.wait_indirect_dma semaphore(%run_scoped3A : memref<!tpu.dma_semaphore, #tpu.memory_space<semaphore_mem>>) src(%dma_wait3A_76 : memref<80x128xf32, #tpu.memory_space<vmem>>) dst(%dma_wait3A_82 : memref<10112x128xf32, #tpu.memory_space<vmem_shared>>)
        tpu.yield
      }) : () -> ()
    }
    %scan3A_26 = arith.constant 63 : i32
    %barrier3A_27 = arith.constant 0 : index
    tpu.barrier barrier_id(%barrier3A_27)
    %mul3A_28 = arith.constant 632 : i32
    %mul3A_29 = arith.muli %arg1, %mul3A_28 : i32
    %add3A_30 = arith.constant 0 : i32
    %add3A_31 = arith.addi %mul3A_29, %add3A_30 : i32
    "tpu.region"() ({
      %run_scoped3A = tpu.sem_alloc : memref<!tpu.dma_semaphore, #tpu.memory_space<semaphore_mem>>
      %dma_start3A = arith.constant 0 : i32
      %dma_start3A_44 = tpu.memref_slice %arg5[%arg0, %add3A_31, %dma_start3A] : memref<2x10112x128xf32, #tpu.memory_space<hbm>> -> memref<1x160x128xf32, #tpu.memory_space<hbm>>
      %dma_start3A_45 = tpu.memref_squeeze %dma_start3A_44 : memref<1x160x128xf32, #tpu.memory_space<hbm>> -> memref<160x128xf32, #tpu.memory_space<hbm>>
      %dma_start3A_46 = arith.constant 0 : i32
      %dma_start3A_47 = tpu.memref_slice %arg9[%add3A_31, %dma_start3A_46] : memref<10112x128xf32, #tpu.memory_space<vmem_shared>> -> memref<160x128xf32, #tpu.memory_space<vmem_shared>>
      tpu.enqueue_dma source(%dma_start3A_47 : memref<160x128xf32, #tpu.memory_space<vmem_shared>>) target(%dma_start3A_45 : memref<160x128xf32, #tpu.memory_space<hbm>>) target_semaphore(%run_scoped3A : memref<!tpu.dma_semaphore, #tpu.memory_space<semaphore_mem>>)
      %dma_wait3A = arith.constant 0 : i32
      %dma_wait3A_48 = tpu.memref_slice %arg5[%arg0, %add3A_31, %dma_wait3A] : memref<2x10112x128xf32, #tpu.memory_space<hbm>> -> memref<1x160x128xf32, #tpu.memory_space<hbm>>
      %dma_wait3A_49 = tpu.memref_squeeze %dma_wait3A_48 : memref<1x160x128xf32, #tpu.memory_space<hbm>> -> memref<160x128xf32, #tpu.memory_space<hbm>>
      %dma_wait3A_50 = arith.constant 0 : i32
      %dma_wait3A_51 = tpu.memref_slice %arg9[%add3A_31, %dma_wait3A_50] : memref<10112x128xf32, #tpu.memory_space<vmem_shared>> -> memref<160x128xf32, #tpu.memory_space<vmem_shared>>
      tpu.wait_dma2 semaphore(%run_scoped3A : memref<!tpu.dma_semaphore, #tpu.memory_space<semaphore_mem>>) src(%dma_wait3A_51 : memref<160x128xf32, #tpu.memory_space<vmem_shared>>) dst(%dma_wait3A_49 : memref<160x128xf32, #tpu.memory_space<hbm>>)
      tpu.yield
    }) : () -> ()
    %mul3A_32 = arith.constant 632 : i32
    %mul3A_33 = arith.muli %arg1, %mul3A_32 : i32
    %add3A_34 = arith.constant 160 : i32
    %add3A_35 = arith.addi %mul3A_33, %add3A_34 : i32
    "tpu.region"() ({
      %run_scoped3A = tpu.sem_alloc : memref<!tpu.dma_semaphore, #tpu.memory_space<semaphore_mem>>
      %dma_start3A = arith.constant 0 : i32
      %dma_start3A_44 = tpu.memref_slice %arg5[%arg0, %add3A_35, %dma_start3A] : memref<2x10112x128xf32, #tpu.memory_space<hbm>> -> memref<1x160x128xf32, #tpu.memory_space<hbm>>
      %dma_start3A_45 = tpu.memref_squeeze %dma_start3A_44 : memref<1x160x128xf32, #tpu.memory_space<hbm>> -> memref<160x128xf32, #tpu.memory_space<hbm>>
      %dma_start3A_46 = arith.constant 0 : i32
      %dma_start3A_47 = tpu.memref_slice %arg9[%add3A_35, %dma_start3A_46] : memref<10112x128xf32, #tpu.memory_space<vmem_shared>> -> memref<160x128xf32, #tpu.memory_space<vmem_shared>>
      tpu.enqueue_dma source(%dma_start3A_47 : memref<160x128xf32, #tpu.memory_space<vmem_shared>>) target(%dma_start3A_45 : memref<160x128xf32, #tpu.memory_space<hbm>>) target_semaphore(%run_scoped3A : memref<!tpu.dma_semaphore, #tpu.memory_space<semaphore_mem>>)
      %dma_wait3A = arith.constant 0 : i32
      %dma_wait3A_48 = tpu.memref_slice %arg5[%arg0, %add3A_35, %dma_wait3A] : memref<2x10112x128xf32, #tpu.memory_space<hbm>> -> memref<1x160x128xf32, #tpu.memory_space<hbm>>
      %dma_wait3A_49 = tpu.memref_squeeze %dma_wait3A_48 : memref<1x160x128xf32, #tpu.memory_space<hbm>> -> memref<160x128xf32, #tpu.memory_space<hbm>>
      %dma_wait3A_50 = arith.constant 0 : i32
      %dma_wait3A_51 = tpu.memref_slice %arg9[%add3A_35, %dma_wait3A_50] : memref<10112x128xf32, #tpu.memory_space<vmem_shared>> -> memref<160x128xf32, #tpu.memory_space<vmem_shared>>
      tpu.wait_dma2 semaphore(%run_scoped3A : memref<!tpu.dma_semaphore, #tpu.memory_space<semaphore_mem>>) src(%dma_wait3A_51 : memref<160x128xf32, #tpu.memory_space<vmem_shared>>) dst(%dma_wait3A_49 : memref<160x128xf32, #tpu.memory_space<hbm>>)
      tpu.yield
    }) : () -> ()
    %mul3A_36 = arith.constant 632 : i32
    %mul3A_37 = arith.muli %arg1, %mul3A_36 : i32
    %add3A_38 = arith.constant 320 : i32
    %add3A_39 = arith.addi %mul3A_37, %add3A_38 : i32
    "tpu.region"() ({
      %run_scoped3A = tpu.sem_alloc : memref<!tpu.dma_semaphore, #tpu.memory_space<semaphore_mem>>
      %dma_start3A = arith.constant 0 : i32
      %dma_start3A_44 = tpu.memref_slice %arg5[%arg0, %add3A_39, %dma_start3A] : memref<2x10112x128xf32, #tpu.memory_space<hbm>> -> memref<1x160x128xf32, #tpu.memory_space<hbm>>
      %dma_start3A_45 = tpu.memref_squeeze %dma_start3A_44 : memref<1x160x128xf32, #tpu.memory_space<hbm>> -> memref<160x128xf32, #tpu.memory_space<hbm>>
      %dma_start3A_46 = arith.constant 0 : i32
      %dma_start3A_47 = tpu.memref_slice %arg9[%add3A_39, %dma_start3A_46] : memref<10112x128xf32, #tpu.memory_space<vmem_shared>> -> memref<160x128xf32, #tpu.memory_space<vmem_shared>>
      tpu.enqueue_dma source(%dma_start3A_47 : memref<160x128xf32, #tpu.memory_space<vmem_shared>>) target(%dma_start3A_45 : memref<160x128xf32, #tpu.memory_space<hbm>>) target_semaphore(%run_scoped3A : memref<!tpu.dma_semaphore, #tpu.memory_space<semaphore_mem>>)
      %dma_wait3A = arith.constant 0 : i32
      %dma_wait3A_48 = tpu.memref_slice %arg5[%arg0, %add3A_39, %dma_wait3A] : memref<2x10112x128xf32, #tpu.memory_space<hbm>> -> memref<1x160x128xf32, #tpu.memory_space<hbm>>
      %dma_wait3A_49 = tpu.memref_squeeze %dma_wait3A_48 : memref<1x160x128xf32, #tpu.memory_space<hbm>> -> memref<160x128xf32, #tpu.memory_space<hbm>>
      %dma_wait3A_50 = arith.constant 0 : i32
      %dma_wait3A_51 = tpu.memref_slice %arg9[%add3A_39, %dma_wait3A_50] : memref<10112x128xf32, #tpu.memory_space<vmem_shared>> -> memref<160x128xf32, #tpu.memory_space<vmem_shared>>
      tpu.wait_dma2 semaphore(%run_scoped3A : memref<!tpu.dma_semaphore, #tpu.memory_space<semaphore_mem>>) src(%dma_wait3A_51 : memref<160x128xf32, #tpu.memory_space<vmem_shared>>) dst(%dma_wait3A_49 : memref<160x128xf32, #tpu.memory_space<hbm>>)
      tpu.yield
    }) : () -> ()
    %mul3A_40 = arith.constant 632 : i32
    %mul3A_41 = arith.muli %arg1, %mul3A_40 : i32
    %add3A_42 = arith.constant 480 : i32
    %add3A_43 = arith.addi %mul3A_41, %add3A_42 : i32
    "tpu.region"() ({
      %run_scoped3A = tpu.sem_alloc : memref<!tpu.dma_semaphore, #tpu.memory_space<semaphore_mem>>
      %dma_start3A = arith.constant 0 : i32
      %dma_start3A_44 = tpu.memref_slice %arg5[%arg0, %add3A_43, %dma_start3A] : memref<2x10112x128xf32, #tpu.memory_space<hbm>> -> memref<1x152x128xf32, #tpu.memory_space<hbm>>
      %dma_start3A_45 = tpu.memref_squeeze %dma_start3A_44 : memref<1x152x128xf32, #tpu.memory_space<hbm>> -> memref<152x128xf32, #tpu.memory_space<hbm>>
      %dma_start3A_46 = arith.constant 0 : i32
      %dma_start3A_47 = tpu.memref_slice %arg9[%add3A_43, %dma_start3A_46] : memref<10112x128xf32, #tpu.memory_space<vmem_shared>> -> memref<152x128xf32, #tpu.memory_space<vmem_shared>>
      tpu.enqueue_dma source(%dma_start3A_47 : memref<152x128xf32, #tpu.memory_space<vmem_shared>>) target(%dma_start3A_45 : memref<152x128xf32, #tpu.memory_space<hbm>>) target_semaphore(%run_scoped3A : memref<!tpu.dma_semaphore, #tpu.memory_space<semaphore_mem>>)
      %dma_wait3A = arith.constant 0 : i32
      %dma_wait3A_48 = tpu.memref_slice %arg5[%arg0, %add3A_43, %dma_wait3A] : memref<2x10112x128xf32, #tpu.memory_space<hbm>> -> memref<1x152x128xf32, #tpu.memory_space<hbm>>
      %dma_wait3A_49 = tpu.memref_squeeze %dma_wait3A_48 : memref<1x152x128xf32, #tpu.memory_space<hbm>> -> memref<152x128xf32, #tpu.memory_space<hbm>>
      %dma_wait3A_50 = arith.constant 0 : i32
      %dma_wait3A_51 = tpu.memref_slice %arg9[%add3A_43, %dma_wait3A_50] : memref<10112x128xf32, #tpu.memory_space<vmem_shared>> -> memref<152x128xf32, #tpu.memory_space<vmem_shared>>
      tpu.wait_dma2 semaphore(%run_scoped3A : memref<!tpu.dma_semaphore, #tpu.memory_space<semaphore_mem>>) src(%dma_wait3A_51 : memref<152x128xf32, #tpu.memory_space<vmem_shared>>) dst(%dma_wait3A_49 : memref<152x128xf32, #tpu.memory_space<hbm>>)
      tpu.yield
    }) : () -> ()
    return
  }
}

module attributes {stable_mosaic.version = 14 : i64} {
  func.func @_tc_k0_body(%arg0: memref<10000x128xf32, #tpu.memory_space<vmem>>, %arg1: memref<128x128xf32, #tpu.memory_space<vmem>>, %arg2: memref<2x10112x128xf32, #tpu.memory_space<vmem>>, %arg3: memref<10000x128xf32, #tpu.memory_space<vmem>>, %arg4: memref<10000x128xf32, #tpu.memory_space<vmem>>) attributes {dimension_semantics = [], scalar_prefetch = 0 : i64, scratch_operands = 0 : i64, tpu.core_type = #tpu.core_type<tc>} {
    %get3A = arith.constant 0 : index
    %get3A_0 = arith.constant 0 : index
    %get3A_1 = vector.load %arg0[%get3A, %get3A_0] : memref<10000x128xf32, #tpu.memory_space<vmem>>, vector<10000x128xf32>
    %get3A_2 = arith.constant 0 : index
    %get3A_3 = arith.constant 0 : index
    %get3A_4 = vector.load %arg1[%get3A_2, %get3A_3] : memref<128x128xf32, #tpu.memory_space<vmem>>, vector<128x128xf32>
    %dot_general3A = arith.constant dense<0.000000e+00> : vector<10000x128xf32>
    %dot_general3A_5 = tpu.matmul %get3A_1, %get3A_4, %dot_general3A {dimension_numbers = #tpu.dot_dimension_numbers<[1], [0], [0], [1], [0, 0, 1, 1], [], []>, transpose_lhs_hint = false} : vector<10000x128xf32>, vector<128x128xf32>, vector<10000x128xf32> -> vector<10000x128xf32>
    %swap3A = arith.constant 0 : index
    %swap3A_6 = arith.constant 0 : index
    %swap3A_7 = vector.load %arg3[%swap3A, %swap3A_6] : memref<10000x128xf32, #tpu.memory_space<vmem>>, vector<10000x128xf32>
    tpu.vector_store %arg3[%swap3A, %swap3A_6], %dot_general3A_5 {strides = array<i32>} : memref<10000x128xf32, #tpu.memory_space<vmem>>, vector<10000x128xf32>,
    %get3A_8 = arith.constant 0 : index
    %get3A_9 = arith.constant 0 : index
    %get3A_10 = arith.constant 0 : index
    %get3A_11 = vector.load %arg2[%get3A_8, %get3A_9, %get3A_10] : memref<2x10112x128xf32, #tpu.memory_space<vmem>>, vector<1x10000x128xf32>
    %get3A_12 = vector.shape_cast %get3A_11 : vector<1x10000x128xf32> to vector<10000x128xf32>
    %get3A_13 = arith.constant 1 : index
    %get3A_14 = arith.constant 0 : index
    %get3A_15 = arith.constant 0 : index
    %get3A_16 = vector.load %arg2[%get3A_13, %get3A_14, %get3A_15] : memref<2x10112x128xf32, #tpu.memory_space<vmem>>, vector<1x10000x128xf32>
    %get3A_17 = vector.shape_cast %get3A_16 : vector<1x10000x128xf32> to vector<10000x128xf32>
    %add3A = arith.addf %get3A_12, %get3A_17 : vector<10000x128xf32>
    %max3A = arith.constant 1.000000e+00 : f32
    %max3A_18 = vector.broadcast %max3A : f32 to vector<10000x128xf32>
    %max3A_19 = arith.maximumf %add3A, %max3A_18 : vector<10000x128xf32>
    %div3A = arith.constant 1.000000e+00 : f32
    %div3A_20 = vector.broadcast %div3A : f32 to vector<10000x128xf32>
    %div3A_21 = arith.divf %div3A_20, %max3A_19 : vector<10000x128xf32>
    %swap3A_22 = arith.constant 0 : index
    %swap3A_23 = arith.constant 0 : index
    %swap3A_24 = vector.load %arg4[%swap3A_22, %swap3A_23] : memref<10000x128xf32, #tpu.memory_space<vmem>>, vector<10000x128xf32>
    tpu.vector_store %arg4[%swap3A_22, %swap3A_23], %div3A_21 {strides = array<i32>} : memref<10000x128xf32, #tpu.memory_space<vmem>>, vector<10000x128xf32>,
    return
  }
}

module attributes {stable_mosaic.version = 14 : i64} {
  func.func @_tc_combine_body(%arg0: memref<10000x128xf32, #tpu.memory_space<vmem>>, %arg1: memref<128x128xf32, #tpu.memory_space<vmem>>, %arg2: memref<1x128xf32, #tpu.memory_space<vmem>>, %arg3: memref<1x128xf32, #tpu.memory_space<vmem>>, %arg4: memref<128x128xf32, #tpu.memory_space<vmem>>, %arg5: memref<2x10112x128xf32, #tpu.memory_space<vmem>>, %arg6: memref<10000x128xf32, #tpu.memory_space<vmem>>, %arg7: memref<10000x128xf32, #tpu.memory_space<vmem>>, %arg8: memref<10000x128xf32, #tpu.memory_space<vmem>>) attributes {dimension_semantics = [], scalar_prefetch = 0 : i64, scratch_operands = 0 : i64, tpu.core_type = #tpu.core_type<tc>} {
    %get3A = arith.constant 0 : index
    %get3A_0 = arith.constant 0 : index
    %get3A_1 = arith.constant 0 : index
    %get3A_2 = vector.load %arg5[%get3A, %get3A_0, %get3A_1] : memref<2x10112x128xf32, #tpu.memory_space<vmem>>, vector<1x10000x128xf32>
    %get3A_3 = vector.shape_cast %get3A_2 : vector<1x10000x128xf32> to vector<10000x128xf32>
    %get3A_4 = arith.constant 1 : index
    %get3A_5 = arith.constant 0 : index
    %get3A_6 = arith.constant 0 : index
    %get3A_7 = vector.load %arg5[%get3A_4, %get3A_5, %get3A_6] : memref<2x10112x128xf32, #tpu.memory_space<vmem>>, vector<1x10000x128xf32>
    %get3A_8 = vector.shape_cast %get3A_7 : vector<1x10000x128xf32> to vector<10000x128xf32>
    %add3A = arith.addf %get3A_3, %get3A_8 : vector<10000x128xf32>
    %get3A_9 = arith.constant 0 : index
    %get3A_10 = arith.constant 0 : index
    %get3A_11 = vector.load %arg0[%get3A_9, %get3A_10] : memref<10000x128xf32, #tpu.memory_space<vmem>>, vector<10000x128xf32>
    %get3A_12 = arith.constant 0 : index
    %get3A_13 = arith.constant 0 : index
    %get3A_14 = vector.load %arg1[%get3A_12, %get3A_13] : memref<128x128xf32, #tpu.memory_space<vmem>>, vector<128x128xf32>
    %dot_general3A = arith.constant dense<0.000000e+00> : vector<10000x128xf32>
    %dot_general3A_15 = tpu.matmul %get3A_11, %get3A_14, %dot_general3A {dimension_numbers = #tpu.dot_dimension_numbers<[1], [0], [0], [1], [0, 0, 1, 1], [], []>, transpose_lhs_hint = false} : vector<10000x128xf32>, vector<128x128xf32>, vector<10000x128xf32> -> vector<10000x128xf32>
    %get3A_16 = arith.constant 0 : index
    %get3A_17 = arith.constant 0 : index
    %get3A_18 = vector.load %arg2[%get3A_16, %get3A_17] : memref<1x128xf32, #tpu.memory_space<vmem>>, vector<1x128xf32>
    %add3A_19 = vector.broadcast %get3A_18 : vector<1x128xf32> to vector<10000x128xf32>
    %add3A_20 = arith.addf %dot_general3A_15, %add3A_19 : vector<10000x128xf32>
    %get3A_21 = arith.constant 0 : index
    %get3A_22 = arith.constant 0 : index
    %get3A_23 = vector.load %arg6[%get3A_21, %get3A_22] : memref<10000x128xf32, #tpu.memory_space<vmem>>, vector<10000x128xf32>
    %mul3A = arith.mulf %add3A, %get3A_23 : vector<10000x128xf32>
    %add3A_24 = arith.addf %add3A_20, %mul3A : vector<10000x128xf32>
    %get3A_25 = arith.constant 0 : index
    %get3A_26 = arith.constant 0 : index
    %get3A_27 = vector.load %arg3[%get3A_25, %get3A_26] : memref<1x128xf32, #tpu.memory_space<vmem>>, vector<1x128xf32>
    %add3A_28 = vector.broadcast %get3A_27 : vector<1x128xf32> to vector<10000x128xf32>
    %add3A_29 = arith.addf %add3A_24, %add3A_28 : vector<10000x128xf32>
    %max3A = arith.constant 0.000000e+00 : f32
    %max3A_30 = vector.broadcast %max3A : f32 to vector<10000x128xf32>
    %max3A_31 = arith.maximumf %add3A_29, %max3A_30 : vector<10000x128xf32>
    %swap3A = arith.constant 0 : index
    %swap3A_32 = arith.constant 0 : index
    %swap3A_33 = vector.load %arg7[%swap3A, %swap3A_32] : memref<10000x128xf32, #tpu.memory_space<vmem>>, vector<10000x128xf32>
    tpu.vector_store %arg7[%swap3A, %swap3A_32], %max3A_31 {strides = array<i32>} : memref<10000x128xf32, #tpu.memory_space<vmem>>, vector<10000x128xf32>,
    %get3A_34 = arith.constant 0 : index
    %get3A_35 = arith.constant 0 : index
    %get3A_36 = vector.load %arg4[%get3A_34, %get3A_35] : memref<128x128xf32, #tpu.memory_space<vmem>>, vector<128x128xf32>
    %dot_general3A_37 = arith.constant dense<0.000000e+00> : vector<10000x128xf32>
    %dot_general3A_38 = tpu.matmul %max3A_31, %get3A_36, %dot_general3A_37 {dimension_numbers = #tpu.dot_dimension_numbers<[1], [0], [0], [1], [0, 0, 1, 1], [], []>, transpose_lhs_hint = false} : vector<10000x128xf32>, vector<128x128xf32>, vector<10000x128xf32> -> vector<10000x128xf32>
    %swap3A_39 = arith.constant 0 : index
    %swap3A_40 = arith.constant 0 : index
    %swap3A_41 = vector.load %arg8[%swap3A_39, %swap3A_40] : memref<10000x128xf32, #tpu.memory_space<vmem>>, vector<10000x128xf32>
    tpu.vector_store %arg8[%swap3A_39, %swap3A_40], %dot_general3A_38 {strides = array<i32>} : memref<10000x128xf32, #tpu.memory_space<vmem>>, vector<10000x128xf32>,
    return
  }
}

module attributes {stable_mosaic.version = 14 : i64} {
  func.func @_tc_final_body(%arg0: memref<10000x128xf32, #tpu.memory_space<vmem>>, %arg1: memref<128x128xf32, #tpu.memory_space<vmem>>, %arg2: memref<1x128xf32, #tpu.memory_space<vmem>>, %arg3: memref<1x128xf32, #tpu.memory_space<vmem>>, %arg4: memref<2x10112x128xf32, #tpu.memory_space<vmem>>, %arg5: memref<10000x128xf32, #tpu.memory_space<vmem>>, %arg6: memref<10000x1xi32, #tpu.memory_space<vmem>>, %arg7: memref<64x128xf32, #tpu.memory_space<vmem>>) attributes {dimension_semantics = [], scalar_prefetch = 0 : i64, scratch_operands = 0 : i64, tpu.core_type = #tpu.core_type<tc>} {
    %get3A = arith.constant 0 : index
    %get3A_0 = arith.constant 0 : index
    %get3A_1 = arith.constant 0 : index
    %get3A_2 = vector.load %arg4[%get3A, %get3A_0, %get3A_1] : memref<2x10112x128xf32, #tpu.memory_space<vmem>>, vector<1x10000x128xf32>
    %get3A_3 = vector.shape_cast %get3A_2 : vector<1x10000x128xf32> to vector<10000x128xf32>
    %get3A_4 = arith.constant 1 : index
    %get3A_5 = arith.constant 0 : index
    %get3A_6 = arith.constant 0 : index
    %get3A_7 = vector.load %arg4[%get3A_4, %get3A_5, %get3A_6] : memref<2x10112x128xf32, #tpu.memory_space<vmem>>, vector<1x10000x128xf32>
    %get3A_8 = vector.shape_cast %get3A_7 : vector<1x10000x128xf32> to vector<10000x128xf32>
    %add3A = arith.addf %get3A_3, %get3A_8 : vector<10000x128xf32>
    %get3A_9 = arith.constant 0 : index
    %get3A_10 = arith.constant 0 : index
    %get3A_11 = vector.load %arg0[%get3A_9, %get3A_10] : memref<10000x128xf32, #tpu.memory_space<vmem>>, vector<10000x128xf32>
    %get3A_12 = arith.constant 0 : index
    %get3A_13 = arith.constant 0 : index
    %get3A_14 = vector.load %arg1[%get3A_12, %get3A_13] : memref<128x128xf32, #tpu.memory_space<vmem>>, vector<128x128xf32>
    %dot_general3A = arith.constant dense<0.000000e+00> : vector<10000x128xf32>
    %dot_general3A_15 = tpu.matmul %get3A_11, %get3A_14, %dot_general3A {dimension_numbers = #tpu.dot_dimension_numbers<[1], [0], [0], [1], [0, 0, 1, 1], [], []>, transpose_lhs_hint = false} : vector<10000x128xf32>, vector<128x128xf32>, vector<10000x128xf32> -> vector<10000x128xf32>
    %get3A_16 = arith.constant 0 : index
    %get3A_17 = arith.constant 0 : index
    %get3A_18 = vector.load %arg2[%get3A_16, %get3A_17] : memref<1x128xf32, #tpu.memory_space<vmem>>, vector<1x128xf32>
    %add3A_19 = vector.broadcast %get3A_18 : vector<1x128xf32> to vector<10000x128xf32>
    %add3A_20 = arith.addf %dot_general3A_15, %add3A_19 : vector<10000x128xf32>
    %get3A_21 = arith.constant 0 : index
    %get3A_22 = arith.constant 0 : index
    %get3A_23 = vector.load %arg5[%get3A_21, %get3A_22] : memref<10000x128xf32, #tpu.memory_space<vmem>>, vector<10000x128xf32>
    %mul3A = arith.mulf %add3A, %get3A_23 : vector<10000x128xf32>
    %add3A_24 = arith.addf %add3A_20, %mul3A : vector<10000x128xf32>
    %get3A_25 = arith.constant 0 : index
    %get3A_26 = arith.constant 0 : index
    %get3A_27 = vector.load %arg3[%get3A_25, %get3A_26] : memref<1x128xf32, #tpu.memory_space<vmem>>, vector<1x128xf32>
    %add3A_28 = vector.broadcast %get3A_27 : vector<1x128xf32> to vector<10000x128xf32>
    %add3A_29 = arith.addf %add3A_24, %add3A_28 : vector<10000x128xf32>
    %max3A = arith.constant 0.000000e+00 : f32
    %max3A_30 = vector.broadcast %max3A : f32 to vector<10000x128xf32>
    %max3A_31 = arith.maximumf %add3A_29, %max3A_30 : vector<10000x128xf32>
    %iota3A = tpu.iota {dimensions = array<i32: 1>} : vector<1x64xi32>
    %get3A_32 = arith.constant 0 : index
    %get3A_33 = arith.constant 0 : index
    %get3A_34 = vector.load %arg6[%get3A_32, %get3A_33] : memref<10000x1xi32, #tpu.memory_space<vmem>>, vector<10000x1xi32>
    %eq3A = vector.broadcast %get3A_34 : vector<10000x1xi32> to vector<10000x64xi32>
    %eq3A_35 = vector.broadcast %iota3A : vector<1x64xi32> to vector<10000x64xi32>
    %eq3A_36 = arith.cmpi eq, %eq3A, %eq3A_35 : vector<10000x64xi32>
    %convert_element_type3A = arith.extui %eq3A_36 : vector<10000x64xi1> to vector<10000x64xi32>
    %convert_element_type3A_37 = arith.sitofp %convert_element_type3A : vector<10000x64xi32> to vector<10000x64xf32>
    %dot_general3A_38 = arith.constant dense<0.000000e+00> : vector<64x128xf32>
    %dot_general3A_39 = tpu.matmul %convert_element_type3A_37, %max3A_31, %dot_general3A_38 {dimension_numbers = #tpu.dot_dimension_numbers<[0], [0], [1], [1], [0, 1, 1, 1], [], []>, transpose_lhs_hint = false} : vector<10000x64xf32>, vector<10000x128xf32>, vector<64x128xf32> -> vector<64x128xf32>
    %broadcast_in_dim3A = arith.constant 1.000000e+00 : f32
    %broadcast_in_dim3A_40 = vector.broadcast %broadcast_in_dim3A : f32 to vector<10000x1xf32>
    %dot_general3A_41 = arith.constant dense<0.000000e+00> : vector<64x1xf32>
    %dot_general3A_42 = tpu.matmul %convert_element_type3A_37, %broadcast_in_dim3A_40, %dot_general3A_41 {dimension_numbers = #tpu.dot_dimension_numbers<[0], [0], [1], [1], [0, 1, 1, 1], [], []>, transpose_lhs_hint = false} : vector<10000x64xf32>, vector<10000x1xf32>, vector<64x1xf32> -> vector<64x1xf32>
    %max3A_43 = arith.constant 1.000000e+00 : f32
    %max3A_44 = vector.broadcast %max3A_43 : f32 to vector<64x1xf32>
    %max3A_45 = arith.maximumf %dot_general3A_42, %max3A_44 : vector<64x1xf32>
    %div3A = vector.broadcast %max3A_45 : vector<64x1xf32> to vector<64x128xf32>
    %div3A_46 = arith.divf %dot_general3A_39, %div3A : vector<64x128xf32>
    %swap3A = arith.constant 0 : index
    %swap3A_47 = arith.constant 0 : index
    %swap3A_48 = vector.load %arg7[%swap3A, %swap3A_47] : memref<64x128xf32, #tpu.memory_space<vmem>>, vector<64x128xf32>
    tpu.vector_store %arg7[%swap3A, %swap3A_47], %div3A_46 {strides = array<i32>} : memref<64x128xf32, #tpu.memory_space<vmem>>, vector<64x128xf32>,
    return
  }
}

</mosaic_0001>

<sc_bundles>
// kernel: kernel.10.cloned.1.call-start
scs
__scs_entry_jumppad:
0x0: {  	(pc) =	sbr.rel $0x88, $3  }
0x1: {  	(tag) =	ssettag $0x0;
	lr =	simm.s32 $0x1  }
0x2: {  	[smem:$0x3F92] =	sst lr;
	_ =	strace $0xD0000000  }
0x3: {  	_ = 	snop  }
0x4: {  	_ = 	snop  }
0x5: {  	_ = 	snop  }
0x6: {  	_ = 	snop  }
0x7: {  	_ = 	snop  }
__scs_overlays_trampoline_lowered:
0x8: {  	[smem:$0x3FA1] =	sst s0  }
0x9: {  	[smem:$0x3FA2] =	sst s1  }
0xa: {  	[smem:$0x3FA3] =	sst s2  }
0xb: {  	[smem:$0x3FA4] =	sst s3  }
0xc: {  	[smem:$0x3FA5] =	sst s4  }
0xd: {  	[smem:$0x3FA6] =	sst s5  }
0xe: {  	[smem:$0x3FA7] =	sst s6  }
0xf: {  	[smem:$0x3FA8] =	sst s7  }
0x10: {  	[smem:$0x3FA9] =	sst s8  }
0x11: {  	[smem:$0x3FAA] =	sst s9;
	s0 =	simm.s32 @!p0 $0x0  }
0x12: {  	s1 =	sld [smem:$0x3F90];
	s0 =	simm.s32 @p0 $0x1  }
0x13: {  	[smem:$0x3FAB] =	sst s0;
	s0 =	simm.s32 @!p1 $0x0  }
0x14: {  	s2 =	sld [smem:$0x3F8F];
	s0 =	simm.s32 @p1 $0x1  }
0x15: {  	[smem:$0x3FAC] =	sst s0;
	s0 =	simm.s32 @!p2 $0x0  }
0x16: {  	s3 =	sld [smem:$0x3FDB];
	s0 =	simm.s32 @p2 $0x1  }
0x17: {  	s4 =	simm.s32 $0x1BF5;
	[smem:$0x3FAE] =	sst s0  }
0x18: {  	s0 =	sld [smem:$0x3F91];
	_ =	swait.ge [sflag:s4], $0x0  }
0x19: {  	s7 =	sld [smem:$0x3F92]  }
0x1a: {  	s8 =	sadd.s32 $0xFFFFE003, lr  }
0x1b: {  	s9 =	sadd.s32 $0xFFFFFEF7, lr;
	s5 =	simm.s32 $0xFFFFFFFF;
	p2 =	slt.u32 s8, $0xFFFFF086  }
0x1c: {  	p1 =	slt.u32 s9, $0xF7A;
	s5 =	simm.s32 @!p2 $0x0  }
0x1d: {  	s5 =	simm.s32 @p1 $0x1;
	p0 =	seq.s32 s7, s2  }
0x1e: {  	s7 =	smul.u32 @!p0 $0xF7A, s2;
	p2 =	seq.s32 @!p0 s5, $0x0  }
0x1f: {  	s9 =	smul.u32 $0xF7A, s1;
	s8 =	simm.s32 @!p0 $0x1BF5;
	p2 =	por !p2, p0  }
0x20: {  	[sflag:s8] =	ssyncset.s32 @!p0 $0xFFFFF086;
	s6 =	sadd.s32 @!p0 s3, s7;
	s7 =	simm.s32 @!p0 $0x108  }
0x21: {  	s3 =	sadd.s32 s3, s9;
	s6 =	sadd.s32 @!p0 $0x88, s6;
	s7 =	simm.s32 @p2 $0x1082  }
0x22: {  	[simem:s7], [sflag:s8] =	dma.local @!p0 [hbm:s6], $0xF7A  }
0x23: {  	s9 =	sor.u32 $0xD0000000, s2;
	s6 =	simm.s32 $0x108;
	_ =	swait.ge @!p0 [sflag:s8], $0x0  }
0x24: {  	s3 =	sadd.s32 $0x88, s3;
	s6 =	simm.s32 @!p1 $0x1082;
	[sflag:s4] =	ssyncset.s32 $0xFFFFF086  }
0x25: {  	[simem:s6], [sflag:s4] =	dma.local [hbm:s3], $0xF7A  }
0x26: {  	[smem:$0x3F92] =	sst s1;
	(tag) =	ssettag s2;
	_ =	strace s9  }
0x27: {  	s1 =	sld [smem:$0x3FA2]  }
0x28: {  	s2 =	sld [smem:$0x3FA3]  }
0x29: {  	s4 =	sld [smem:$0x3FA5]  }
0x2a: {  	p0 =	seq.s32 s5, $0x0;
	s5 =	sld [smem:$0x3FA6]  }
0x2b: {  	s6 =	sld [smem:$0x3FA7]  }
0x2c: {  	s7 =	sld [smem:$0x3FA8]  }
0x2d: {  	s3 =	simm.s32 $0x108;
	s8 =	sld [smem:$0x3FA9]  }
0x2e: {  	s3 =	simm.s32 @!p0 $0x1082;
	s9 =	sld [smem:$0x3FAA]  }
0x2f: {  	lr =	sadd.s32 s0, s3;
	s0 =	sld [smem:$0x3FA1]  }
0x30: {  	s3 =	sld [smem:$0x3FA4]  }
0x31: {  	[smem:$0x3FAD] =	sst s10  }
0x32: {  	s10 =	sld [smem:$0x3FAB];
	_ =	sdelay $0x3  }
0x33: {  	p0 =	seq.s32 s10, $0x1;
	s10 =	sld [smem:$0x3FAD];
	_ =	sdelay $0x3  }
0x34: {  	[smem:$0x3FAD] =	sst s10  }
0x35: {  	s10 =	sld [smem:$0x3FAC];
	_ =	sdelay $0x3  }
0x36: {  	p1 =	seq.s32 s10, $0x1;
	s10 =	sld [smem:$0x3FAD];
	_ =	sdelay $0x3  }
0x37: {  	[smem:$0x3FAD] =	sst s10  }
0x38: {  	s10 =	sld [smem:$0x3FAE]  }
0x39: {  	_ = 	snop;
	(pc) =	sbr.ind lr, $3  }
0x3a: {  	_ = 	snop  }
0x3b: {  	_ = 	snop  }
0x3c: {  	p2 =	seq.s32 s10, $0x1;
	s10 =	sld [smem:$0x3FAD]  }
0x3d: {  	_ =	shalt  }
0x3e: {  	_ =	shalt  }
0x3f: {  	_ =	shalt  }
0x40: {  	_ =	shalt  }
0x41: {  	_ =	shalt  }
0x42: {  	_ =	shalt  }
0x43: {  	_ =	shalt  }
0x44: {  	_ =	shalt  }
0x45: {  	_ =	shalt  }
0x46: {  	_ =	shalt  }
0x47: {  	_ =	shalt  }
0x48: {  	_ =	shalt  }
0x49: {  	_ =	shalt  }
0x4a: {  	_ =	shalt  }
0x4b: {  	_ =	shalt  }
0x4c: {  	_ =	shalt  }
0x4d: {  	_ =	shalt  }
0x4e: {  	_ =	shalt  }
0x4f: {  	_ =	shalt  }
0x50: {  	_ =	shalt  }
0x51: {  	_ =	shalt  }
0x52: {  	_ =	shalt  }
0x53: {  	_ =	shalt  }
0x54: {  	_ =	shalt  }
0x55: {  	_ =	shalt  }
0x56: {  	_ =	shalt  }
0x57: {  	_ =	shalt  }
0x58: {  	_ =	shalt  }
0x59: {  	_ =	shalt  }
0x5a: {  	_ =	shalt  }
0x5b: {  	_ =	shalt  }
0x5c: {  	_ =	shalt  }
0x5d: {  	_ =	shalt  }
0x5e: {  	_ =	shalt  }
0x5f: {  	_ =	shalt  }
0x60: {  	_ =	shalt  }
0x61: {  	_ =	shalt  }
0x62: {  	_ =	shalt  }
0x63: {  	_ =	shalt  }
0x64: {  	_ =	shalt  }
0x65: {  	_ =	shalt  }
0x66: {  	_ =	shalt  }
0x67: {  	_ =	shalt  }
0x68: {  	_ =	shalt  }
0x69: {  	_ =	shalt  }
0x6a: {  	_ =	shalt  }
0x6b: {  	_ =	shalt  }
0x6c: {  	_ =	shalt  }
0x6d: {  	_ =	shalt  }
0x6e: {  	_ =	shalt  }
0x6f: {  	_ =	shalt  }
0x70: {  	_ =	shalt  }
0x71: {  	_ =	shalt  }
0x72: {  	_ =	shalt  }
0x73: {  	_ =	shalt  }
0x74: {  	_ =	shalt  }
0x75: {  	_ =	shalt  }
0x76: {  	_ =	shalt  }
0x77: {  	_ =	shalt  }
0x78: {  	_ =	shalt  }
0x79: {  	_ =	shalt  }
0x7a: {  	_ =	shalt  }
0x7b: {  	_ =	shalt  }
0x7c: {  	_ =	shalt  }
0x7d: {  	_ =	shalt  }
0x7e: {  	_ =	shalt  }
0x7f: {  	_ =	shalt  }
0x80: {  	_ =	shalt  }
0x81: {  	_ =	shalt  }
0x82: {  	_ =	shalt  }
0x83: {  	_ =	shalt  }
0x84: {  	_ =	shalt  }
0x85: {  	_ =	shalt  }
0x86: {  	_ =	shalt  }
0x87: {  	_ =	shalt  }
.Lfunc_end0:
.L_simem_size_0:
called_computation_lowered:
.L_overlay_start_0:
0x88: {  	s2 =	sld [smem:$0x3FD9]  }
0x89: {  	s3 =	sld [smem:$0x3FFE];
	_ =	sdelay $0x1  }
0x8a: {  	s1 =	srdreg.scid  }
0x8b: {  	s0 =	sand.u32 $0x1, s1  }
0x8c: {  	s16 =	sshll.u32 s0, $0xA;
	s2 =	sadd.s32 s3, s2  }
0x8d: {  	s2 =	sadd.s32 s2, s16  }
0x8e: {  	[smem:$0x3FB9] =	sst s2  }
0x8f: {  	_ = 	snop  }
0x90: {  	(tm) =	ssettm $0x1  }
0x91: {  	s17 =	sld [smem:$0x3FFB];
	_ =	sdelay $0x3  }
0x92: {  	_ =	strace s17  }
0x93: {  	s2 =	sld [smem:$0x3FFC];
	_ =	sdelay $0x3  }
0x94: {  	_ =	strace s2  }
0x95: {  	s2 =	sld [smem:$0x3FFD];
	_ =	sdelay $0x3  }
0x96: {  	_ =	strace s2  }
0x97: {  	_ =	strace $0x8FFFFFFF  }
0x98: {  	s18 =	sld [smem:$0x3FDB];
	_ =	sdelay $0x1  }
0x99: {  	s19 =	simm.s32 $_scs_section_size  }
0x9a: {  	s4 =	simm.s32 $_size__tile_overlayer_lowered;
	s5 =	simm.s32 $_tile_overlayer_lowered  }
0x9b: {  	s22 =	simm.s32 $0x1BFF;
	s21 =	sshll.u32 s5, $0x1;
	s2 =	sadd.s32 s19, s18  }
0x9c: {  	s6 =	simm.s32 $0x0;
	s20 =	sshll.u32 s4, $0x1;
	s4 =	sadd.s32 s21, s2  }
0x9d: {  	[timem:s6], [sflag:s22] =	dma.local [hbm:s4], s20  }
0x9e: {  	_ =	swait.ge [sflag:s22], s20  }
0x9f: {  	s3 =	ssub.s32 $0x0, s20;
	[sflag:s22] =	ssyncset.done $0x0  }
0xa0: {  	[sflag:s22] =	ssyncadd.s32 s3;
	_ =	sdelay $0x1  }
0xa1: {  	s23 =	simm.s32 $0x1B8B  }
0xa2: {  	_ =	swait.ge [sflag:s23], $0x1  }
0xa3: {  	[sflag:s23] =	ssyncset.done $0x0  }
0xa4: {  	s25 =	simm.s32 $0x1B8E;
	s24 =	sld [smem:$0x3FFE];
	[sflag:s23] =	ssyncadd.s32 $0xFFFFFFFF  }
0xa5: {  	s26 =	simm.s32 $execute0_lowered;
	[smem:$0x3FD2] =	sst s25  }
0xa6: {  	s4 =	sshll.u32 s26, $0x1;
	_ =	strace $0x80000046;
	[dreg:$0x1] =	wrdreg $0xFFFFFFFF  }
0xa7: {  	s28 =	simm.s32 $_size_execute0_lowered;
	s2 =	sadd.s32 s2, s4;
	[dreg:$0x0] =	wrdreg $0x0  }
0xa8: {  	s4 =	sshll.u32 s28, $0x1;
	[dreg:$0x2] =	wrdreg s2  }
0xa9: {  	[dreg:$0x3] =	wrdreg s4  }
0xaa: {  	[dreg:$0x4] =	wrdreg $0xC0  }
0xab: {  	_ =	task [dreg:s6], $0x5FFFF  }
0xac: {  	[dreg:$0x1] =	wrdreg $0xFFFFFFFF  }
0xad: {  	[dreg:$0x0] =	wrdreg $0x60  }
0xae: {  	[dreg:$0x2] =	wrdreg s24  }
0xaf: {  	[dreg:$0x3] =	wrdreg $0x68000  }
0xb0: {  	[dreg:$0x4] =	wrdreg $0x9  }
0xb1: {  	_ =	task.clear_ibuf [dreg:s6], $0x5FFFF;
	_ =	strace $0x90000046  }
0xb2: {  	s29 =	simm.s32 $0x9;
	_ =	strace $0x80000048  }
0xb3: {  	_ =	swait.ge [sflag:s29], $0x1  }
0xb4: {  	[sflag:s29] =	ssyncadd.s32 $0xFFFFFFFF  }
0xb5: {  	_ =	strace $0x90000048  }
0xb6: {  	_ =	sfence  }
0xb7: {  	s30 =	sld [smem:$0x0];
	_ =	sdelay $0x2  }
0xb8: {  	s31 =	sshll.u32 s1, $0xD;
	s1 =	sshrl.u32 s1, $0x2  }
0xb9: {  	s3 =	sand.u32 $0x4000, s31;
	s1 =	sadd.s32 s1, s30  }
0xba: {  	s0 =	sor.u32 s3, s0;
	s1 =	sshll.u32 s1, $0x11  }
0xbb: {  	s0 =	sor.u32 s1, s0  }
0xbc: {  	s0 =	sadd.s32 $0x8F2B, s0  }
0xbd: {  	[sflag:s0] =	ssyncadd.remote.s32 $0x1  }
0xbe: {  	_ =	sfence.sel $0xFFFF  }
0xbf: {  	[dreg:$0x0] =	wrdreg $0xFFFFFFFF;
	(pc) =	sbr.abs _section_cstart, $3  }
0xc0: {  	[dreg:$0x1] =	wrdreg $0xFFFFFFFF  }
0xc1: {  	_ =	task.clear_ibuf [dreg:s6], $0x2FFFF;
	_ =	strace $0x9FFFFFFF  }
0xc2: {  	(tm) =	ssettm $0x7FFFFFFF  }
0xc3: {  	_ =	shalt  }
tec
execute0_lowered:
.L_overlay_start_1:
0x0: {  	(tag) =	ssettag $0x1  }
0x1: {  	s4 =	rddreg [dreg:$0x0]  }
0x2: {  	s2 =	rddreg [dreg:$0x1]  }
0x3: {  	s0 =	rddreg [dreg:$0x2]  }
0x4: {  	s3 =	simm.s32 $0x0;
	s1 =	stileid.u32;
	s6 =	srdreg.scid  }
0x5: {  	s25 =	simm.s32 $0x0;
	[smem:$0x7FF] =	sst s3;
	s5 =	sshll.u32 s1, $0xB  }
0x6: {  	s20 =	sadd.s32 $0x13000, s4;
	s9 =	sand.u32 $0x1, s6;
	s7 =	smul.u32 $0x4F000, s1  }
0x7: {  	s12 =	smul.u32 $0x13C00, s1;
	_ =	strace $0x80000047;
	s5 =	sadd.s32 s5, s4  }
0x8: {  	s28 =	ssub.s32 $0x2, s9;
	s6 =	sshll.u32 s9, $0xF;
	s18 =	smul.u32 $0x13C000, s9  }
0x9: {  	s8 =	sshrl.u32 s28, $0x1;
	s5 =	sadd.s32 s6, s5;
	s29 =	sshrl.u32 s7, $0x2  }
0xa: {  	s13 =	sadd.s32 $0x2800, s12;
	s15 =	sadd.s32 $0x5000, s12;
	s16 =	sadd.s32 $0x7800, s12  }
0xb: {  	s17 =	sadd.s32 $0xA000, s12;
	s19 =	sadd.s32 $0xC800, s12;
	s22 =	sadd.s32 $0xF000, s12  }
0xc: {  	s23 =	sadd.s32 $0x11800, s12;
	s21 =	ssub.s32 s28, s8;
	s4 =	sadd.s32 $0x3000, s5  }
0xd: {  	s5 =	sadd.s32 s29, s2;
	s6 =	sadd.s32 s13, s2;
	s7 =	sadd.s32 s15, s2  }
0xe: {  	s8 =	sadd.s32 s16, s2;
	s9 =	sadd.s32 s17, s2;
	s10 =	sadd.s32 s19, s2  }
0xf: {  	s11 =	sadd.s32 s22, s2;
	s14 =	sadd.s32 s12, s18;
	s24 =	sadd.s32 s18, s13  }
0x10: {  	s12 =	sadd.s32 s23, s2;
	s15 =	sadd.s32 s18, s15;
	s16 =	sadd.s32 s18, s16  }
0x11: {  	s17 =	sadd.s32 s18, s17;
	s19 =	sadd.s32 s18, s19;
	s22 =	sadd.s32 s18, s22  }
0x12: {  	s23 =	sadd.s32 s18, s23;
	s14 =	sshrl.u32 s14, $0x3;
	s30 =	sshrl.u32 s24, $0x3  }
0x13: {  	s15 =	sshrl.u32 s15, $0x3;
	s16 =	sshrl.u32 s16, $0x3;
	s17 =	sshrl.u32 s17, $0x3  }
0x14: {  	s19 =	sshrl.u32 s19, $0x3;
	s22 =	sshrl.u32 s22, $0x3;
	s31 =	sshrl.u32 s23, $0x3  }
0x15: {  	s21 =	smax.u32 s21, $0x1;
	s23 =	simm.s32 $0x4000;
	s24 =	simm.s32 $0x50  }
0x16: {  	s13 =	sadd.s32 s20, s14;
	s14 =	sadd.s32 s20, s30;
	s15 =	sadd.s32 s20, s15  }
0x17: {  	s16 =	sadd.s32 s20, s16;
	s17 =	sadd.s32 s20, s17;
	s18 =	sadd.s32 s20, s19  }
0x18: {  	v0 =	vimm.f32 $0.0e+00;
	v1 =	vimm.f32 $1.000000000e+00;
	s19 =	sadd.s32 s20, s22;
	s20 =	sadd.s32 s20, s31;
	s22 =	simm.s32 $0x1  }
.LBB2_1:
0x19: {  	[tilespmem:s3], [sflag:$0x1] =	stream.linear.gather [hbm4b:s4+s3], $0x3F00, $0x38;
	[tilespmem:$0x1A400] =	vst v63  }
0x1a: {  	_ =	swait.ge [sflag:s22], $0x3F00  }
0x1b: {  	[sflag:s22] =	ssyncset.done $0x0  }
0x1c: {  	s26 =	simm.s32 $0x0;
	s28 =	simm.s32 $0x200;
	[sflag:s22] =	ssyncadd.s32 $0xFFFFC100  }
.LBB2_2:
0x1d: {  	p0 =	sne.s32 s28, $0x9E00;
	[tilespmem:s26+$0x4070] =	vst v0  }
0x1e: {  	[tilespmem:s26+$0x4000] =	vst v0  }
0x1f: {  	[tilespmem:s26+$0x4010] =	vst v0  }
.Ltmp0:
0x20: {  	[tilespmem:s26+$0x4020] =	vst v0;
	(pc) =	sbr.rel @p0 .LBB2_2-.Ltmp0, $4  }
0x21: {  	[tilespmem:s26+$0x4030] =	vst v0  }
0x22: {  	[tilespmem:s26+$0x4040] =	vst v0  }
0x23: {  	[tilespmem:s26+$0x4050] =	vst v0  }
0x24: {  	[tilespmem:s26+$0x4060] =	vst v0;
	s26 =	sshra.s32 s28, $0x2;
	s28 =	sadd.s32 $0x200, s28  }
0x25: {  	[tilespmem:s26+$0x4070] =	vst v0  }
0x26: {  	[tilespmem:s26+$0x4000] =	vst v0  }
0x27: {  	[tilespmem:s26+$0x4010] =	vst v0  }
0x28: {  	[tilespmem:s26+$0x4020] =	vst v0  }
0x29: {  	[tilespmem:s26+$0x4030] =	vst v0  }
0x2a: {  	[tilespmem:s26+$0x4040] =	vst v0  }
0x2b: {  	[tilespmem:s26+$0x4050] =	vst v0  }
0x2c: {  	[tilespmem:s26+$0x4060] =	vst v0  }
0x2d: {  	[spmem:s5] =	stream.linear.scatter [tilespmem:s23], [sflag:$0x1], $0x2800, $0x38;
	[tilespmem:$0x1A400] =	vst v63  }
0x2e: {  	_ =	swait.ge [sflag:s22], $0x2800  }
0x2f: {  	[sflag:s22] =	ssyncset.done $0x0  }
0x30: {  	[sflag:s22] =	ssyncadd.s32 $0xFFFFD800  }
0x31: {  	[spmem:s6] =	stream.linear.scatter [tilespmem:s23], [sflag:$0x1], $0x2800, $0x38;
	[tilespmem:$0x1A400] =	vst v63  }
0x32: {  	_ =	swait.ge [sflag:s22], $0x2800  }
0x33: {  	[sflag:s22] =	ssyncset.done $0x0  }
0x34: {  	[sflag:s22] =	ssyncadd.s32 $0xFFFFD800  }
0x35: {  	[spmem:s7] =	stream.linear.scatter [tilespmem:s23], [sflag:$0x1], $0x2800, $0x38;
	[tilespmem:$0x1A400] =	vst v63  }
0x36: {  	_ =	swait.ge [sflag:s22], $0x2800  }
0x37: {  	[sflag:s22] =	ssyncset.done $0x0  }
0x38: {  	[sflag:s22] =	ssyncadd.s32 $0xFFFFD800  }
0x39: {  	[spmem:s8] =	stream.linear.scatter [tilespmem:s23], [sflag:$0x1], $0x2800, $0x38;
	[tilespmem:$0x1A400] =	vst v63  }
0x3a: {  	_ =	swait.ge [sflag:s22], $0x2800  }
0x3b: {  	[sflag:s22] =	ssyncset.done $0x0  }
0x3c: {  	[sflag:s22] =	ssyncadd.s32 $0xFFFFD800  }
0x3d: {  	[spmem:s9] =	stream.linear.scatter [tilespmem:s23], [sflag:$0x1], $0x2800, $0x38;
	[tilespmem:$0x1A400] =	vst v63  }
0x3e: {  	_ =	swait.ge [sflag:s22], $0x2800  }
0x3f: {  	[sflag:s22] =	ssyncset.done $0x0  }
0x40: {  	[sflag:s22] =	ssyncadd.s32 $0xFFFFD800  }
0x41: {  	[spmem:s10] =	stream.linear.scatter [tilespmem:s23], [sflag:$0x1], $0x2800, $0x38;
	[tilespmem:$0x1A400] =	vst v63  }
0x42: {  	_ =	swait.ge [sflag:s22], $0x2800  }
0x43: {  	[sflag:s22] =	ssyncset.done $0x0  }
0x44: {  	[sflag:s22] =	ssyncadd.s32 $0xFFFFD800  }
0x45: {  	[spmem:s11] =	stream.linear.scatter [tilespmem:s23], [sflag:$0x1], $0x2800, $0x38;
	[tilespmem:$0x1A400] =	vst v63  }
0x46: {  	_ =	swait.ge [sflag:s22], $0x2800  }
0x47: {  	[sflag:s22] =	ssyncset.done $0x0  }
0x48: {  	[sflag:s22] =	ssyncadd.s32 $0xFFFFD800  }
0x49: {  	[spmem:s12] =	stream.linear.scatter [tilespmem:s23], [sflag:$0x1], $0x2400, $0x38;
	[tilespmem:$0x1A400] =	vst v63  }
0x4a: {  	_ =	swait.ge [sflag:s22], $0x2400  }
0x4b: {  	[sflag:s22] =	ssyncset.done $0x0  }
0x4c: {  	[sflag:s22] =	ssyncadd.s32 $0xFFFFDC00  }
0x4d: {  	s26 =	simm.s32 $0x0;
	s28 =	simm.s32 $0x200;
	[bflag:$0x0] =	sbarrier.arrive $0xFFFF  }
.LBB2_4:
0x4e: {  	p0 =	sne.s32 s28, $0x9E00;
	[tilespmem:s26+$0x4070] =	vst v1  }
0x4f: {  	[tilespmem:s26+$0x4000] =	vst v1  }
0x50: {  	[tilespmem:s26+$0x4010] =	vst v1  }
.Ltmp1:
0x51: {  	[tilespmem:s26+$0x4020] =	vst v1;
	(pc) =	sbr.rel @p0 .LBB2_4-.Ltmp1, $4  }
0x52: {  	[tilespmem:s26+$0x4030] =	vst v1  }
0x53: {  	[tilespmem:s26+$0x4040] =	vst v1  }
0x54: {  	[tilespmem:s26+$0x4050] =	vst v1  }
0x55: {  	[tilespmem:s26+$0x4060] =	vst v1;
	s26 =	sshra.s32 s28, $0x2;
	s28 =	sadd.s32 $0x200, s28  }
0x56: {  	[tilespmem:s26+$0x4070] =	vst v1  }
0x57: {  	[tilespmem:s26+$0x4000] =	vst v1  }
0x58: {  	[tilespmem:s26+$0x4010] =	vst v1  }
0x59: {  	[tilespmem:s26+$0x4020] =	vst v1  }
0x5a: {  	[tilespmem:s26+$0x4030] =	vst v1  }
0x5b: {  	[tilespmem:s26+$0x4040] =	vst v1  }
0x5c: {  	[tilespmem:s26+$0x4050] =	vst v1  }
0x5d: {  	[tilespmem:s26+$0x4060] =	vst v1;
	s31 =	simm.s32 $0x0  }
0x5e: {  	[spmem:s2] =	stream.indirect.scatter.add.f32 [tilespmem:s23], [sflag:$0x1], $0x80, s31, s24, $0xb8;
	[tilespmem:$0x1A400] =	vst v63  }
0x5f: {  	_ =	swait.ge [sflag:s22], $0x2800  }
0x60: {  	s26 =	simm.s32 $0x200;
	[sflag:s22] =	ssyncset.done $0x0  }
.LBB2_6:
0x61: {  	s28 =	sshra.s32 s26, $0x2;
	[sflag:s22] =	ssyncadd.s32 $0xFFFFD800;
	p0 =	sne.s32 s26, $0xFA00  }
0x62: {  	[spmem:s2] =	stream.indirect.scatter.add.f32 [tilespmem:s23], [sflag:$0x1], $0x80, s28, s24, $0xb8;
	[tilespmem:$0x1A400] =	vst v63  }
.Ltmp2:
0x63: {  	_ = 	snop;
	(pc) =	sbr.rel @p0 .LBB2_6-.Ltmp2, $4  }
0x64: {  	_ = 	snop  }
0x65: {  	s26 =	sadd.s32 $0x200, s26  }
0x66: {  	_ =	swait.ge [sflag:s22], $0x2800  }
0x67: {  	[sflag:s22] =	ssyncset.done $0x0  }
0x68: {  	[sflag:s22] =	ssyncadd.s32 $0xFFFFD800;
	s26 =	sshll.u32 s1, $0x6  }
0x69: {  	s28 =	sshrl.u32 s5, $0x3;
	[bflag:$0x0] =	sbarrier.arrive $0xFFFF;
	s26 =	sor.u32 $0x1C01, s26  }
0x6a: {  	[hbm:s13], [sflag:s26] =	dma.local [spmem:s28], $0x500  }
0x6b: {  	_ =	swait.ge [sflag:s22], $0x500  }
0x6c: {  	[sflag:s22] =	ssyncset.done $0x0  }
0x6d: {  	s31 =	sshrl.u32 s6, $0x3;
	[sflag:s22] =	ssyncadd.s32 $0xFFFFFB00  }
0x6e: {  	[hbm:s14], [sflag:s26] =	dma.local [spmem:s31], $0x500  }
0x6f: {  	_ =	swait.ge [sflag:s22], $0x500  }
0x70: {  	[sflag:s22] =	ssyncset.done $0x0  }
0x71: {  	s29 =	sshrl.u32 s7, $0x3;
	[sflag:s22] =	ssyncadd.s32 $0xFFFFFB00  }
0x72: {  	[hbm:s15], [sflag:s26] =	dma.local [spmem:s29], $0x500  }
0x73: {  	_ =	swait.ge [sflag:s22], $0x500  }
0x74: {  	[sflag:s22] =	ssyncset.done $0x0  }
0x75: {  	s30 =	sshrl.u32 s8, $0x3;
	[sflag:s22] =	ssyncadd.s32 $0xFFFFFB00  }
0x76: {  	[hbm:s16], [sflag:s26] =	dma.local [spmem:s30], $0x500  }
0x77: {  	_ =	swait.ge [sflag:s22], $0x500  }
0x78: {  	[sflag:s22] =	ssyncset.done $0x0  }
0x79: {  	s31 =	sshrl.u32 s9, $0x3;
	[sflag:s22] =	ssyncadd.s32 $0xFFFFFB00  }
0x7a: {  	[hbm:s17], [sflag:s26] =	dma.local [spmem:s31], $0x500  }
0x7b: {  	_ =	swait.ge [sflag:s22], $0x500  }
0x7c: {  	[sflag:s22] =	ssyncset.done $0x0  }
0x7d: {  	s29 =	sshrl.u32 s10, $0x3;
	[sflag:s22] =	ssyncadd.s32 $0xFFFFFB00  }
0x7e: {  	[hbm:s18], [sflag:s26] =	dma.local [spmem:s29], $0x500  }
0x7f: {  	_ =	swait.ge [sflag:s22], $0x500  }
0x80: {  	[sflag:s22] =	ssyncset.done $0x0  }
0x81: {  	s30 =	sshrl.u32 s11, $0x3;
	[sflag:s22] =	ssyncadd.s32 $0xFFFFFB00  }
0x82: {  	[hbm:s19], [sflag:s26] =	dma.local [spmem:s30], $0x500  }
0x83: {  	s25 =	sadd.s32 $0x1, s25;
	_ =	swait.ge [sflag:s22], $0x500  }
0x84: {  	p0 =	sne.s32 s25, s21;
	[sflag:s22] =	ssyncset.done $0x0  }
.Ltmp3:
0x85: {  	s31 =	sshrl.u32 s12, $0x3;
	[sflag:s22] =	ssyncadd.s32 $0xFFFFFB00;
	(pc) =	sbr.rel @p0 .LBB2_1-.Ltmp3, $4  }
0x86: {  	[hbm:s20], [sflag:s26] =	dma.local [spmem:s31], $0x480  }
0x87: {  	_ =	swait.ge [sflag:s22], $0x480  }
0x88: {  	[sflag:s22] =	ssyncset.done $0x0  }
0x89: {  	[sflag:s22] =	ssyncadd.s32 $0xFFFFFB80  }
0x8a: {  	_ =	sfence.sel $0x180000  }
0x8b: {  	[bflag:$0x0] =	sbarrier.arrive $0xFFFF  }
0x8c: {  	p0 =	sne.s32 s1, $0x0;
	_ =	strace $0x90000047  }
0x8d: {  	s0 =	sadd.s32 @!p0 $0x100000, s0;
	[bflag:$0x2] =	sbarrier.arrive $0xFFFF  }
0x8e: {  	[sflag:s0] =	ssyncadd.tile.s32 @!p0 $0x1;
	_ =	shalt  }
.Lfunc_end2:
_tile_overlayer_lowered:
.L_overlay_start_2:
0x8f: {  	(tag) =	ssettag $0x2  }
0x90: {  	s0 =	rddreg [dreg:$0x0];
	s2 =	stileid.u32  }
0x91: {  	s1 =	rddreg [dreg:$0x1];
	p0 =	sne.s32 s2, $0x0  }
0x92: {  	s3 =	rddreg [dreg:$0x2];
	[bflag:$0x3] =	sbarrier.arrive $0xFFFF;
	s2 =	simm.s32 @!p0 $0x1C01  }
0x93: {  	[timem:s3], [sflag:s2] =	dma.local @!p0 [hbm:s0], s1  }
0x94: {  	s0 =	simm.s32 @!p0 $0x1  }
0x95: {  	_ =	swait.ge @!p0 [sflag:s0], s1  }
0x96: {  	s1 =	ssub.s32 @!p0 $0x0, s1;
	[sflag:s0] =	ssyncset.done @!p0 $0x0  }
0x97: {  	[sflag:s0] =	ssyncadd.s32 @!p0 s1  }
0x98: {  	[bflag:$0x3] =	sbarrier.arrive $0xFFFF  }
0x99: {  	_ =	shalt  }

// kernel: kernel.13.cloned.1.call-start
scs
__scs_entry_jumppad:
0x0: {  	(pc) =	sbr.rel $0x88, $3  }
0x1: {  	(tag) =	ssettag $0x0;
	lr =	simm.s32 $0x1  }
0x2: {  	[smem:$0x3F92] =	sst lr;
	_ =	strace $0xD0000000  }
0x3: {  	_ = 	snop  }
0x4: {  	_ = 	snop  }
0x5: {  	_ = 	snop  }
0x6: {  	_ = 	snop  }
0x7: {  	_ = 	snop  }
__scs_overlays_trampoline_lowered:
0x8: {  	[smem:$0x3FA1] =	sst s0  }
0x9: {  	[smem:$0x3FA2] =	sst s1  }
0xa: {  	[smem:$0x3FA3] =	sst s2  }
0xb: {  	[smem:$0x3FA4] =	sst s3  }
0xc: {  	[smem:$0x3FA5] =	sst s4  }
0xd: {  	[smem:$0x3FA6] =	sst s5  }
0xe: {  	[smem:$0x3FA7] =	sst s6  }
0xf: {  	[smem:$0x3FA8] =	sst s7  }
0x10: {  	[smem:$0x3FA9] =	sst s8  }
0x11: {  	[smem:$0x3FAA] =	sst s9;
	s0 =	simm.s32 @!p0 $0x0  }
0x12: {  	s1 =	sld [smem:$0x3F90];
	s0 =	simm.s32 @p0 $0x1  }
0x13: {  	[smem:$0x3FAB] =	sst s0;
	s0 =	simm.s32 @!p1 $0x0  }
0x14: {  	s2 =	sld [smem:$0x3F8F];
	s0 =	simm.s32 @p1 $0x1  }
0x15: {  	[smem:$0x3FAC] =	sst s0;
	s0 =	simm.s32 @!p2 $0x0  }
0x16: {  	s3 =	sld [smem:$0x3FDB];
	s0 =	simm.s32 @p2 $0x1  }
0x17: {  	s4 =	simm.s32 $0x1BF5;
	[smem:$0x3FAE] =	sst s0  }
0x18: {  	s0 =	sld [smem:$0x3F91];
	_ =	swait.ge [sflag:s4], $0x0  }
0x19: {  	s7 =	sld [smem:$0x3F92]  }
0x1a: {  	s8 =	sadd.s32 $0xFFFFE003, lr  }
0x1b: {  	s9 =	sadd.s32 $0xFFFFFEF7, lr;
	s5 =	simm.s32 $0xFFFFFFFF;
	p2 =	slt.u32 s8, $0xFFFFF086  }
0x1c: {  	p1 =	slt.u32 s9, $0xF7A;
	s5 =	simm.s32 @!p2 $0x0  }
0x1d: {  	s5 =	simm.s32 @p1 $0x1;
	p0 =	seq.s32 s7, s2  }
0x1e: {  	s7 =	smul.u32 @!p0 $0xF7A, s2;
	p2 =	seq.s32 @!p0 s5, $0x0  }
0x1f: {  	s9 =	smul.u32 $0xF7A, s1;
	s8 =	simm.s32 @!p0 $0x1BF5;
	p2 =	por !p2, p0  }
0x20: {  	[sflag:s8] =	ssyncset.s32 @!p0 $0xFFFFF086;
	s6 =	sadd.s32 @!p0 s3, s7;
	s7 =	simm.s32 @!p0 $0x108  }
0x21: {  	s3 =	sadd.s32 s3, s9;
	s6 =	sadd.s32 @!p0 $0x88, s6;
	s7 =	simm.s32 @p2 $0x1082  }
0x22: {  	[simem:s7], [sflag:s8] =	dma.local @!p0 [hbm:s6], $0xF7A  }
0x23: {  	s9 =	sor.u32 $0xD0000000, s2;
	s6 =	simm.s32 $0x108;
	_ =	swait.ge @!p0 [sflag:s8], $0x0  }
0x24: {  	s3 =	sadd.s32 $0x88, s3;
	s6 =	simm.s32 @!p1 $0x1082;
	[sflag:s4] =	ssyncset.s32 $0xFFFFF086  }
0x25: {  	[simem:s6], [sflag:s4] =	dma.local [hbm:s3], $0xF7A  }
0x26: {  	[smem:$0x3F92] =	sst s1;
	(tag) =	ssettag s2;
	_ =	strace s9  }
0x27: {  	s1 =	sld [smem:$0x3FA2]  }
0x28: {  	s2 =	sld [smem:$0x3FA3]  }
0x29: {  	s4 =	sld [smem:$0x3FA5]  }
0x2a: {  	p0 =	seq.s32 s5, $0x0;
	s5 =	sld [smem:$0x3FA6]  }
0x2b: {  	s6 =	sld [smem:$0x3FA7]  }
0x2c: {  	s7 =	sld [smem:$0x3FA8]  }
0x2d: {  	s3 =	simm.s32 $0x108;
	s8 =	sld [smem:$0x3FA9]  }
0x2e: {  	s3 =	simm.s32 @!p0 $0x1082;
	s9 =	sld [smem:$0x3FAA]  }
0x2f: {  	lr =	sadd.s32 s0, s3;
	s0 =	sld [smem:$0x3FA1]  }
0x30: {  	s3 =	sld [smem:$0x3FA4]  }
0x31: {  	[smem:$0x3FAD] =	sst s10  }
0x32: {  	s10 =	sld [smem:$0x3FAB];
	_ =	sdelay $0x3  }
0x33: {  	p0 =	seq.s32 s10, $0x1;
	s10 =	sld [smem:$0x3FAD];
	_ =	sdelay $0x3  }
0x34: {  	[smem:$0x3FAD] =	sst s10  }
0x35: {  	s10 =	sld [smem:$0x3FAC];
	_ =	sdelay $0x3  }
0x36: {  	p1 =	seq.s32 s10, $0x1;
	s10 =	sld [smem:$0x3FAD];
	_ =	sdelay $0x3  }
0x37: {  	[smem:$0x3FAD] =	sst s10  }
0x38: {  	s10 =	sld [smem:$0x3FAE]  }
0x39: {  	_ = 	snop;
	(pc) =	sbr.ind lr, $3  }
0x3a: {  	_ = 	snop  }
0x3b: {  	_ = 	snop  }
0x3c: {  	p2 =	seq.s32 s10, $0x1;
	s10 =	sld [smem:$0x3FAD]  }
0x3d: {  	_ =	shalt  }
0x3e: {  	_ =	shalt  }
0x3f: {  	_ =	shalt  }
0x40: {  	_ =	shalt  }
0x41: {  	_ =	shalt  }
0x42: {  	_ =	shalt  }
0x43: {  	_ =	shalt  }
0x44: {  	_ =	shalt  }
0x45: {  	_ =	shalt  }
0x46: {  	_ =	shalt  }
0x47: {  	_ =	shalt  }
0x48: {  	_ =	shalt  }
0x49: {  	_ =	shalt  }
0x4a: {  	_ =	shalt  }
0x4b: {  	_ =	shalt  }
0x4c: {  	_ =	shalt  }
0x4d: {  	_ =	shalt  }
0x4e: {  	_ =	shalt  }
0x4f: {  	_ =	shalt  }
0x50: {  	_ =	shalt  }
0x51: {  	_ =	shalt  }
0x52: {  	_ =	shalt  }
0x53: {  	_ =	shalt  }
0x54: {  	_ =	shalt  }
0x55: {  	_ =	shalt  }
0x56: {  	_ =	shalt  }
0x57: {  	_ =	shalt  }
0x58: {  	_ =	shalt  }
0x59: {  	_ =	shalt  }
0x5a: {  	_ =	shalt  }
0x5b: {  	_ =	shalt  }
0x5c: {  	_ =	shalt  }
0x5d: {  	_ =	shalt  }
0x5e: {  	_ =	shalt  }
0x5f: {  	_ =	shalt  }
0x60: {  	_ =	shalt  }
0x61: {  	_ =	shalt  }
0x62: {  	_ =	shalt  }
0x63: {  	_ =	shalt  }
0x64: {  	_ =	shalt  }
0x65: {  	_ =	shalt  }
0x66: {  	_ =	shalt  }
0x67: {  	_ =	shalt  }
0x68: {  	_ =	shalt  }
0x69: {  	_ =	shalt  }
0x6a: {  	_ =	shalt  }
0x6b: {  	_ =	shalt  }
0x6c: {  	_ =	shalt  }
0x6d: {  	_ =	shalt  }
0x6e: {  	_ =	shalt  }
0x6f: {  	_ =	shalt  }
0x70: {  	_ =	shalt  }
0x71: {  	_ =	shalt  }
0x72: {  	_ =	shalt  }
0x73: {  	_ =	shalt  }
0x74: {  	_ =	shalt  }
0x75: {  	_ =	shalt  }
0x76: {  	_ =	shalt  }
0x77: {  	_ =	shalt  }
0x78: {  	_ =	shalt  }
0x79: {  	_ =	shalt  }
0x7a: {  	_ =	shalt  }
0x7b: {  	_ =	shalt  }
0x7c: {  	_ =	shalt  }
0x7d: {  	_ =	shalt  }
0x7e: {  	_ =	shalt  }
0x7f: {  	_ =	shalt  }
0x80: {  	_ =	shalt  }
0x81: {  	_ =	shalt  }
0x82: {  	_ =	shalt  }
0x83: {  	_ =	shalt  }
0x84: {  	_ =	shalt  }
0x85: {  	_ =	shalt  }
0x86: {  	_ =	shalt  }
0x87: {  	_ =	shalt  }
.Lfunc_end0:
.L_simem_size_0:
called_computation.1_lowered:
.L_overlay_start_0:
0x88: {  	s2 =	sld [smem:$0x3FD9]  }
0x89: {  	s3 =	sld [smem:$0x3FFE];
	_ =	sdelay $0x1  }
0x8a: {  	s1 =	srdreg.scid  }
0x8b: {  	s0 =	sand.u32 $0x1, s1  }
0x8c: {  	s16 =	sshll.u32 s0, $0xA;
	s2 =	sadd.s32 s3, s2  }
0x8d: {  	s2 =	sadd.s32 s2, s16  }
0x8e: {  	[smem:$0x3FB9] =	sst s2  }
0x8f: {  	_ = 	snop  }
0x90: {  	(tm) =	ssettm $0x1  }
0x91: {  	s17 =	sld [smem:$0x3FFB];
	_ =	sdelay $0x3  }
0x92: {  	_ =	strace s17  }
0x93: {  	s2 =	sld [smem:$0x3FFC];
	_ =	sdelay $0x3  }
0x94: {  	_ =	strace s2  }
0x95: {  	s2 =	sld [smem:$0x3FFD];
	_ =	sdelay $0x3  }
0x96: {  	_ =	strace s2  }
0x97: {  	_ =	strace $0x8FFFFFFF  }
0x98: {  	s18 =	sld [smem:$0x3FDB];
	_ =	sdelay $0x1  }
0x99: {  	s19 =	simm.s32 $_scs_section_size  }
0x9a: {  	s4 =	simm.s32 $_size__tile_overlayer_lowered;
	s5 =	simm.s32 $_tile_overlayer_lowered  }
0x9b: {  	s22 =	simm.s32 $0x1BFF;
	s21 =	sshll.u32 s5, $0x1;
	s2 =	sadd.s32 s19, s18  }
0x9c: {  	s6 =	simm.s32 $0x0;
	s20 =	sshll.u32 s4, $0x1;
	s4 =	sadd.s32 s21, s2  }
0x9d: {  	[timem:s6], [sflag:s22] =	dma.local [hbm:s4], s20  }
0x9e: {  	_ =	swait.ge [sflag:s22], s20  }
0x9f: {  	s3 =	ssub.s32 $0x0, s20;
	[sflag:s22] =	ssyncset.done $0x0  }
0xa0: {  	[sflag:s22] =	ssyncadd.s32 s3;
	_ =	sdelay $0x1  }
0xa1: {  	s23 =	simm.s32 $0x1B8B  }
0xa2: {  	_ =	swait.ge [sflag:s23], $0x1  }
0xa3: {  	[sflag:s23] =	ssyncset.done $0x0  }
0xa4: {  	s25 =	simm.s32 $0x1B8E;
	s24 =	sld [smem:$0x3FFE];
	[sflag:s23] =	ssyncadd.s32 $0xFFFFFFFF  }
0xa5: {  	s26 =	simm.s32 $execute0_lowered;
	[smem:$0x3FD2] =	sst s25  }
0xa6: {  	s4 =	sshll.u32 s26, $0x1;
	_ =	strace $0x80000049;
	[dreg:$0x1] =	wrdreg $0xFFFFFFFF  }
0xa7: {  	s28 =	simm.s32 $_size_execute0_lowered;
	s2 =	sadd.s32 s2, s4;
	[dreg:$0x0] =	wrdreg $0x0  }
0xa8: {  	s4 =	sshll.u32 s28, $0x1;
	[dreg:$0x2] =	wrdreg s2  }
0xa9: {  	[dreg:$0x3] =	wrdreg s4  }
0xaa: {  	[dreg:$0x4] =	wrdreg $0xC0  }
0xab: {  	_ =	task [dreg:s6], $0x5FFFF  }
0xac: {  	[dreg:$0x1] =	wrdreg $0xFFFFFFFF  }
0xad: {  	[dreg:$0x0] =	wrdreg $0x60  }
0xae: {  	[dreg:$0x2] =	wrdreg s24  }
0xaf: {  	[dreg:$0x3] =	wrdreg $0xB7800  }
0xb0: {  	[dreg:$0x4] =	wrdreg $0x9  }
0xb1: {  	_ =	task.clear_ibuf [dreg:s6], $0x5FFFF;
	_ =	strace $0x90000049  }
0xb2: {  	s29 =	simm.s32 $0x9;
	_ =	strace $0x8000004B  }
0xb3: {  	_ =	swait.ge [sflag:s29], $0x1  }
0xb4: {  	[sflag:s29] =	ssyncadd.s32 $0xFFFFFFFF  }
0xb5: {  	_ =	strace $0x9000004B  }
0xb6: {  	_ =	sfence  }
0xb7: {  	s30 =	sld [smem:$0x0];
	_ =	sdelay $0x2  }
0xb8: {  	s31 =	sshll.u32 s1, $0xD;
	s1 =	sshrl.u32 s1, $0x2  }
0xb9: {  	s3 =	sand.u32 $0x4000, s31;
	s1 =	sadd.s32 s1, s30  }
0xba: {  	s0 =	sor.u32 s3, s0;
	s1 =	sshll.u32 s1, $0x11  }
0xbb: {  	s0 =	sor.u32 s1, s0  }
0xbc: {  	s0 =	sadd.s32 $0x8F2B, s0  }
0xbd: {  	[sflag:s0] =	ssyncadd.remote.s32 $0x1  }
0xbe: {  	_ =	sfence.sel $0xFFFF  }
0xbf: {  	[dreg:$0x0] =	wrdreg $0xFFFFFFFF;
	(pc) =	sbr.abs _section_cstart, $3  }
0xc0: {  	[dreg:$0x1] =	wrdreg $0xFFFFFFFF  }
0xc1: {  	_ =	task.clear_ibuf [dreg:s6], $0x2FFFF;
	_ =	strace $0x9FFFFFFF  }
0xc2: {  	(tm) =	ssettm $0x7FFFFFFF  }
0xc3: {  	_ =	shalt  }
tec
execute0_lowered:
.L_overlay_start_1:
0x0: {  	(tag) =	ssettag $0x1  }
0x1: {  	s7 =	rddreg [dreg:$0x0]  }
0x2: {  	s0 =	srdreg.scid;
	s2 =	rddreg [dreg:$0x1];
	s3 =	simm.s32 $0x0  }
0x3: {  	s19 =	simm.s32 $0x2780;
	s20 =	simm.s32 $0x6780;
	s21 =	simm.s32 $0xA0  }
0x4: {  	s22 =	simm.s32 $0x1;
	s23 =	simm.s32 $0x50;
	s24 =	simm.s32 $0x8F80  }
0x5: {  	s6 =	sand.u32 $0x1, s0;
	s0 =	stileid.u32;
	[smem:$0x7FF] =	sst s3  }
0x6: {  	s14 =	sadd.s32 $0x6BE00, s7;
	s1 =	sshll.u32 s6, $0x4;
	s10 =	smul.u32 $0x4F000, s0  }
0x7: {  	s25 =	sshll.u32 s0, $0x7;
	s9 =	ssub.s32 $0x2, s6;
	s12 =	smul.u32 $0x13C00, s0  }
0x8: {  	s16 =	smul.u32 $0x13C000, s6;
	s5 =	sor.u32 s0, s1;
	s8 =	sand.u32 $0x380, s25  }
0x9: {  	s26 =	sshrl.u32 s9, $0x1;
	s25 =	simm.s32 $0x0;
	s1 =	sshrl.u32 s5, $0x3  }
0xa: {  	s5 =	sshll.u32 s5, $0xB;
	s15 =	ssub.s32 s9, s26;
	s28 =	sshrl.u32 s10, $0x2  }
0xb: {  	s13 =	sadd.s32 $0x5000, s12;
	s17 =	sadd.s32 $0xA000, s12;
	s18 =	sadd.s32 $0xF000, s12  }
0xc: {  	s29 =	sadd.s32 s12, s16;
	s4 =	smul.u32 $0x13C00, s1;
	s1 =	rddreg [dreg:$0x2]  }
0xd: {  	_ =	strace $0x8000004A;
	s11 =	sadd.s32 s5, s7;
	s9 =	sadd.s32 s17, s2  }
0xe: {  	s10 =	sadd.s32 s18, s2;
	s30 =	sadd.s32 s16, s13;
	s31 =	sadd.s32 s16, s17  }
0xf: {  	s16 =	sadd.s32 s16, s18;
	s15 =	smax.u32 s15, $0x1;
	s17 =	simm.s32 $0x400  }
0x10: {  	s18 =	simm.s32 $0x2;
	s6 =	sadd.s32 $0x3000, s11;
	s11 =	sshrl.u32 s29, $0x3  }
0x11: {  	s12 =	sshrl.u32 s30, $0x3;
	s16 =	sshrl.u32 s16, $0x3;
	s4 =	sor.u32 s8, s4  }
0x12: {  	s11 =	sadd.s32 s14, s11;
	s12 =	sadd.s32 s14, s12;
	s8 =	sshrl.u32 s4, $0x3  }
0x13: {  	s4 =	sadd.s32 $0x13000, s7;
	s8 =	sadd.s32 s8, s7;
	s7 =	sadd.s32 s28, s2  }
0x14: {  	s5 =	sadd.s32 $0x62000, s8;
	s8 =	sadd.s32 s13, s2;
	s13 =	sshrl.u32 s31, $0x3  }
0x15: {  	v0 =	vimm.f32 $0.0e+00;
	s13 =	sadd.s32 s14, s13;
	s14 =	sadd.s32 s14, s16;
	s16 =	simm.s32 $0x80  }
.LBB2_1:
0x16: {  	[tilespmem:s3], [sflag:$0x2] =	stream.strided.gather [hbm4b:s5+s16], $0x2780, s17, s16, $0x38;
	[tilespmem:$0x1F380] =	vst v63  }
0x17: {  	_ =	swait.ge [sflag:s18], $0x2780  }
0x18: {  	[sflag:s18] =	ssyncset.done $0x0  }
0x19: {  	[sflag:s18] =	ssyncadd.s32 $0xFFFFD880  }
0x1a: {  	[tilespmem:s19], [sflag:$0x2] =	stream.linear.gather [hbm4b:s6+s3], $0x3F00, $0x38;
	[tilespmem:$0x1F380] =	vst v63  }
0x1b: {  	_ =	swait.ge [sflag:s18], $0x3F00  }
0x1c: {  	[sflag:s18] =	ssyncset.done $0x0  }
0x1d: {  	s26 =	simm.s32 $0x0;
	s28 =	simm.s32 $0x200;
	[sflag:s18] =	ssyncadd.s32 $0xFFFFC100  }
.LBB2_2:
0x1e: {  	p0 =	sne.s32 s28, $0x13E00;
	[tilespmem:s26+$0x67F0] =	vst v0  }
0x1f: {  	[tilespmem:s26+$0x6780] =	vst v0  }
0x20: {  	[tilespmem:s26+$0x6790] =	vst v0  }
.Ltmp0:
0x21: {  	[tilespmem:s26+$0x67A0] =	vst v0;
	(pc) =	sbr.rel @p0 .LBB2_2-.Ltmp0, $4  }
0x22: {  	[tilespmem:s26+$0x67B0] =	vst v0  }
0x23: {  	[tilespmem:s26+$0x67C0] =	vst v0  }
0x24: {  	[tilespmem:s26+$0x67D0] =	vst v0  }
0x25: {  	[tilespmem:s26+$0x67E0] =	vst v0;
	s26 =	sshra.s32 s28, $0x2;
	s28 =	sadd.s32 $0x200, s28  }
0x26: {  	[tilespmem:s26+$0x67F0] =	vst v0  }
0x27: {  	[tilespmem:s26+$0x6780] =	vst v0  }
0x28: {  	[tilespmem:s26+$0x6790] =	vst v0  }
0x29: {  	[tilespmem:s26+$0x67A0] =	vst v0  }
0x2a: {  	[tilespmem:s26+$0x67B0] =	vst v0  }
0x2b: {  	[tilespmem:s26+$0x67C0] =	vst v0  }
0x2c: {  	[tilespmem:s26+$0x67D0] =	vst v0  }
0x2d: {  	[tilespmem:s26+$0x67E0] =	vst v0  }
0x2e: {  	[spmem:s7] =	stream.linear.scatter [tilespmem:s20], [sflag:$0x2], $0x5000, $0x38;
	[tilespmem:$0x1F380] =	vst v63  }
0x2f: {  	_ =	swait.ge [sflag:s18], $0x5000  }
0x30: {  	[sflag:s18] =	ssyncset.done $0x0  }
0x31: {  	[sflag:s18] =	ssyncadd.s32 $0xFFFFB000  }
0x32: {  	[spmem:s8] =	stream.linear.scatter [tilespmem:s20], [sflag:$0x2], $0x5000, $0x38;
	[tilespmem:$0x1F380] =	vst v63  }
0x33: {  	_ =	swait.ge [sflag:s18], $0x5000  }
0x34: {  	[sflag:s18] =	ssyncset.done $0x0  }
0x35: {  	[sflag:s18] =	ssyncadd.s32 $0xFFFFB000  }
0x36: {  	[spmem:s9] =	stream.linear.scatter [tilespmem:s20], [sflag:$0x2], $0x5000, $0x38;
	[tilespmem:$0x1F380] =	vst v63  }
0x37: {  	_ =	swait.ge [sflag:s18], $0x5000  }
0x38: {  	[sflag:s18] =	ssyncset.done $0x0  }
0x39: {  	[sflag:s18] =	ssyncadd.s32 $0xFFFFB000  }
0x3a: {  	[spmem:s10] =	stream.linear.scatter [tilespmem:s20], [sflag:$0x2], $0x4C00, $0x38;
	[tilespmem:$0x1F380] =	vst v63  }
0x3b: {  	_ =	swait.ge [sflag:s18], $0x4C00  }
0x3c: {  	[sflag:s18] =	ssyncset.done $0x0  }
0x3d: {  	[sflag:s18] =	ssyncadd.s32 $0xFFFFB400  }
0x3e: {  	s31 =	simm.s32 $0x0;
	[bflag:$0x0] =	sbarrier.arrive $0xFFFF  }
0x3f: {  	[tilespmem:s20], [sflag:$0x1] =	stream.indirect.gather [hbm4b:s4+s21], $0x80, s31, s21, $0xb8;
	[tilespmem:$0x1F380] =	vst v63  }
0x40: {  	_ =	swait.ge [sflag:s22], $0x5000  }
0x41: {  	[sflag:s22] =	ssyncset.done $0x0  }
0x42: {  	s30 =	simm.s32 $0x2780;
	[sflag:s22] =	ssyncadd.s32 $0xFFFFB000  }
0x43: {  	[spmem:s2] =	stream.indirect.scatter.add.f32 [tilespmem:s20], [sflag:$0x2], $0x80, s30, s23, $0xb8;
	[tilespmem:$0x1F380] =	vst v63  }
0x44: {  	_ =	swait.ge [sflag:s18], $0x2800  }
0x45: {  	[sflag:s18] =	ssyncset.done $0x0  }
0x46: {  	s31 =	simm.s32 $0x2800;
	[sflag:s18] =	ssyncadd.s32 $0xFFFFD800  }
0x47: {  	[spmem:s2] =	stream.indirect.scatter.add.f32 [tilespmem:s24], [sflag:$0x2], $0x80, s31, s23, $0xb8;
	[tilespmem:$0x1F380] =	vst v63  }
0x48: {  	s28 =	simm.s32 $0x280;
	_ =	swait.ge [sflag:s18], $0x2800  }
0x49: {  	s29 =	simm.s32 $0x500;
	s26 =	simm.s32 $0x2900;
	[sflag:s18] =	ssyncset.done $0x0  }
.LBB2_4:
0x4a: {  	s30 =	sshra.s32 s28, $0x2  }
0x4b: {  	[sflag:s18] =	ssyncadd.s32 $0xFFFFD800;
	s28 =	smov.u32 s29;
	s31 =	sadd.s32 $0x280, s29  }
0x4c: {  	[tilespmem:s20], [sflag:$0x1] =	stream.indirect.gather [hbm4b:s4+s21], $0x80, s30, s21, $0xb8;
	[tilespmem:$0x1F380] =	vst v63  }
0x4d: {  	p0 =	sne.s32 s29, $0x9B00;
	_ =	swait.ge [sflag:s22], $0x5000  }
0x4e: {  	[sflag:s22] =	ssyncset.done $0x0  }
0x4f: {  	s29 =	sadd.s32 $0xFFFFFF80, s26;
	[sflag:s22] =	ssyncadd.s32 $0xFFFFB000  }
0x50: {  	[spmem:s2] =	stream.indirect.scatter.add.f32 [tilespmem:s20], [sflag:$0x2], $0x80, s29, s23, $0xb8;
	[tilespmem:$0x1F380] =	vst v63  }
0x51: {  	_ =	swait.ge [sflag:s18], $0x2800  }
.Ltmp1:
0x52: {  	[sflag:s18] =	ssyncset.done $0x0;
	(pc) =	sbr.rel @p0 .LBB2_4-.Ltmp1, $4  }
0x53: {  	[sflag:s18] =	ssyncadd.s32 $0xFFFFD800  }
0x54: {  	[spmem:s2] =	stream.indirect.scatter.add.f32 [tilespmem:s24], [sflag:$0x2], $0x80, s26, s23, $0xb8;
	[tilespmem:$0x1F380] =	vst v63  }
0x55: {  	_ =	swait.ge [sflag:s18], $0x2800  }
0x56: {  	s29 =	smov.u32 s31;
	s26 =	sadd.s32 $0x100, s26;
	[sflag:s18] =	ssyncset.done $0x0  }
0x57: {  	s28 =	sshra.s32 s28, $0x2;
	[sflag:s18] =	ssyncadd.s32 $0xFFFFD800  }
0x58: {  	[tilespmem:s20], [sflag:$0x1] =	stream.indirect.gather [hbm4b:s4+s21], $0x80, s28, s21, $0xb8;
	[tilespmem:$0x1F380] =	vst v63  }
0x59: {  	_ =	swait.ge [sflag:s22], $0x5000  }
0x5a: {  	[sflag:s22] =	ssyncset.done $0x0  }
0x5b: {  	s29 =	sadd.s32 $0xFFFFFF80, s26;
	[sflag:s22] =	ssyncadd.s32 $0xFFFFB000  }
0x5c: {  	[spmem:s2] =	stream.indirect.scatter.add.f32 [tilespmem:s20], [sflag:$0x2], $0x80, s29, s23, $0xb8;
	[tilespmem:$0x1F380] =	vst v63  }
0x5d: {  	_ =	swait.ge [sflag:s18], $0x2800  }
0x5e: {  	[sflag:s18] =	ssyncset.done $0x0  }
0x5f: {  	[sflag:s18] =	ssyncadd.s32 $0xFFFFD800  }
0x60: {  	[spmem:s2] =	stream.indirect.scatter.add.f32 [tilespmem:s24], [sflag:$0x2], $0x80, s26, s23, $0xb8;
	[tilespmem:$0x1F380] =	vst v63  }
0x61: {  	_ =	swait.ge [sflag:s18], $0x2800  }
0x62: {  	[sflag:s18] =	ssyncset.done $0x0  }
0x63: {  	s30 =	sshll.u32 s0, $0x6;
	[sflag:s18] =	ssyncadd.s32 $0xFFFFD800  }
0x64: {  	s31 =	sshrl.u32 s7, $0x3;
	s26 =	sor.u32 $0x1C02, s30;
	[bflag:$0x0] =	sbarrier.arrive $0xFFFF  }
0x65: {  	[hbm:s11], [sflag:s26] =	dma.local [spmem:s31], $0xA00  }
0x66: {  	_ =	swait.ge [sflag:s18], $0xA00  }
0x67: {  	[sflag:s18] =	ssyncset.done $0x0  }
0x68: {  	s29 =	sshrl.u32 s8, $0x3;
	[sflag:s18] =	ssyncadd.s32 $0xFFFFF600  }
0x69: {  	[hbm:s12], [sflag:s26] =	dma.local [spmem:s29], $0xA00  }
0x6a: {  	_ =	swait.ge [sflag:s18], $0xA00  }
0x6b: {  	[sflag:s18] =	ssyncset.done $0x0  }
0x6c: {  	s30 =	sshrl.u32 s9, $0x3;
	[sflag:s18] =	ssyncadd.s32 $0xFFFFF600  }
0x6d: {  	[hbm:s13], [sflag:s26] =	dma.local [spmem:s30], $0xA00  }
0x6e: {  	s25 =	sadd.s32 $0x1, s25;
	_ =	swait.ge [sflag:s18], $0xA00  }
0x6f: {  	p0 =	sne.s32 s25, s15;
	[sflag:s18] =	ssyncset.done $0x0  }
.Ltmp2:
0x70: {  	s31 =	sshrl.u32 s10, $0x3;
	[sflag:s18] =	ssyncadd.s32 $0xFFFFF600;
	(pc) =	sbr.rel @p0 .LBB2_1-.Ltmp2, $4  }
0x71: {  	[hbm:s14], [sflag:s26] =	dma.local [spmem:s31], $0x980  }
0x72: {  	_ =	swait.ge [sflag:s18], $0x980  }
0x73: {  	[sflag:s18] =	ssyncset.done $0x0  }
0x74: {  	[sflag:s18] =	ssyncadd.s32 $0xFFFFF680  }
0x75: {  	_ =	sfence.sel $0x180000  }
0x76: {  	[bflag:$0x0] =	sbarrier.arrive $0xFFFF  }
0x77: {  	p0 =	sne.s32 s0, $0x0;
	_ =	strace $0x9000004A  }
0x78: {  	s0 =	sadd.s32 @!p0 $0x100000, s1;
	[bflag:$0x2] =	sbarrier.arrive $0xFFFF  }
0x79: {  	[sflag:s0] =	ssyncadd.tile.s32 @!p0 $0x1;
	_ =	shalt  }
.Lfunc_end2:
_tile_overlayer_lowered:
.L_overlay_start_2:
0x7a: {  	(tag) =	ssettag $0x2  }
0x7b: {  	s0 =	rddreg [dreg:$0x0];
	s2 =	stileid.u32  }
0x7c: {  	s1 =	rddreg [dreg:$0x1];
	p0 =	sne.s32 s2, $0x0  }
0x7d: {  	s3 =	rddreg [dreg:$0x2];
	[bflag:$0x3] =	sbarrier.arrive $0xFFFF;
	s2 =	simm.s32 @!p0 $0x1C02  }
0x7e: {  	[timem:s3], [sflag:s2] =	dma.local @!p0 [hbm:s0], s1  }
0x7f: {  	s0 =	simm.s32 @!p0 $0x2  }
0x80: {  	_ =	swait.ge @!p0 [sflag:s0], s1  }
0x81: {  	s1 =	ssub.s32 @!p0 $0x0, s1;
	[sflag:s0] =	ssyncset.done @!p0 $0x0  }
0x82: {  	[sflag:s0] =	ssyncadd.s32 @!p0 s1  }
0x83: {  	[bflag:$0x3] =	sbarrier.arrive $0xFFFF  }
0x84: {  	_ =	shalt  }

// kernel: kernel.16.cloned.1.call-start
scs
__scs_entry_jumppad:
0x0: {  	(pc) =	sbr.rel $0x88, $3  }
0x1: {  	(tag) =	ssettag $0x0;
	lr =	simm.s32 $0x1  }
0x2: {  	[smem:$0x3F92] =	sst lr;
	_ =	strace $0xD0000000  }
0x3: {  	_ = 	snop  }
0x4: {  	_ = 	snop  }
0x5: {  	_ = 	snop  }
0x6: {  	_ = 	snop  }
0x7: {  	_ = 	snop  }
__scs_overlays_trampoline_lowered:
0x8: {  	[smem:$0x3FA1] =	sst s0  }
0x9: {  	[smem:$0x3FA2] =	sst s1  }
0xa: {  	[smem:$0x3FA3] =	sst s2  }
0xb: {  	[smem:$0x3FA4] =	sst s3  }
0xc: {  	[smem:$0x3FA5] =	sst s4  }
0xd: {  	[smem:$0x3FA6] =	sst s5  }
0xe: {  	[smem:$0x3FA7] =	sst s6  }
0xf: {  	[smem:$0x3FA8] =	sst s7  }
0x10: {  	[smem:$0x3FA9] =	sst s8  }
0x11: {  	[smem:$0x3FAA] =	sst s9;
	s0 =	simm.s32 @!p0 $0x0  }
0x12: {  	s1 =	sld [smem:$0x3F90];
	s0 =	simm.s32 @p0 $0x1  }
0x13: {  	[smem:$0x3FAB] =	sst s0;
	s0 =	simm.s32 @!p1 $0x0  }
0x14: {  	s2 =	sld [smem:$0x3F8F];
	s0 =	simm.s32 @p1 $0x1  }
0x15: {  	[smem:$0x3FAC] =	sst s0;
	s0 =	simm.s32 @!p2 $0x0  }
0x16: {  	s3 =	sld [smem:$0x3FDB];
	s0 =	simm.s32 @p2 $0x1  }
0x17: {  	s4 =	simm.s32 $0x1BF5;
	[smem:$0x3FAE] =	sst s0  }
0x18: {  	s0 =	sld [smem:$0x3F91];
	_ =	swait.ge [sflag:s4], $0x0  }
0x19: {  	s7 =	sld [smem:$0x3F92]  }
0x1a: {  	s8 =	sadd.s32 $0xFFFFE003, lr  }
0x1b: {  	s9 =	sadd.s32 $0xFFFFFEF7, lr;
	s5 =	simm.s32 $0xFFFFFFFF;
	p2 =	slt.u32 s8, $0xFFFFF086  }
0x1c: {  	p1 =	slt.u32 s9, $0xF7A;
	s5 =	simm.s32 @!p2 $0x0  }
0x1d: {  	s5 =	simm.s32 @p1 $0x1;
	p0 =	seq.s32 s7, s2  }
0x1e: {  	s7 =	smul.u32 @!p0 $0xF7A, s2;
	p2 =	seq.s32 @!p0 s5, $0x0  }
0x1f: {  	s9 =	smul.u32 $0xF7A, s1;
	s8 =	simm.s32 @!p0 $0x1BF5;
	p2 =	por !p2, p0  }
0x20: {  	[sflag:s8] =	ssyncset.s32 @!p0 $0xFFFFF086;
	s6 =	sadd.s32 @!p0 s3, s7;
	s7 =	simm.s32 @!p0 $0x108  }
0x21: {  	s3 =	sadd.s32 s3, s9;
	s6 =	sadd.s32 @!p0 $0x88, s6;
	s7 =	simm.s32 @p2 $0x1082  }
0x22: {  	[simem:s7], [sflag:s8] =	dma.local @!p0 [hbm:s6], $0xF7A  }
0x23: {  	s9 =	sor.u32 $0xD0000000, s2;
	s6 =	simm.s32 $0x108;
	_ =	swait.ge @!p0 [sflag:s8], $0x0  }
0x24: {  	s3 =	sadd.s32 $0x88, s3;
	s6 =	simm.s32 @!p1 $0x1082;
	[sflag:s4] =	ssyncset.s32 $0xFFFFF086  }
0x25: {  	[simem:s6], [sflag:s4] =	dma.local [hbm:s3], $0xF7A  }
0x26: {  	[smem:$0x3F92] =	sst s1;
	(tag) =	ssettag s2;
	_ =	strace s9  }
0x27: {  	s1 =	sld [smem:$0x3FA2]  }
0x28: {  	s2 =	sld [smem:$0x3FA3]  }
0x29: {  	s4 =	sld [smem:$0x3FA5]  }
0x2a: {  	p0 =	seq.s32 s5, $0x0;
	s5 =	sld [smem:$0x3FA6]  }
0x2b: {  	s6 =	sld [smem:$0x3FA7]  }
0x2c: {  	s7 =	sld [smem:$0x3FA8]  }
0x2d: {  	s3 =	simm.s32 $0x108;
	s8 =	sld [smem:$0x3FA9]  }
0x2e: {  	s3 =	simm.s32 @!p0 $0x1082;
	s9 =	sld [smem:$0x3FAA]  }
0x2f: {  	lr =	sadd.s32 s0, s3;
	s0 =	sld [smem:$0x3FA1]  }
0x30: {  	s3 =	sld [smem:$0x3FA4]  }
0x31: {  	[smem:$0x3FAD] =	sst s10  }
0x32: {  	s10 =	sld [smem:$0x3FAB];
	_ =	sdelay $0x3  }
0x33: {  	p0 =	seq.s32 s10, $0x1;
	s10 =	sld [smem:$0x3FAD];
	_ =	sdelay $0x3  }
0x34: {  	[smem:$0x3FAD] =	sst s10  }
0x35: {  	s10 =	sld [smem:$0x3FAC];
	_ =	sdelay $0x3  }
0x36: {  	p1 =	seq.s32 s10, $0x1;
	s10 =	sld [smem:$0x3FAD];
	_ =	sdelay $0x3  }
0x37: {  	[smem:$0x3FAD] =	sst s10  }
0x38: {  	s10 =	sld [smem:$0x3FAE]  }
0x39: {  	_ = 	snop;
	(pc) =	sbr.ind lr, $3  }
0x3a: {  	_ = 	snop  }
0x3b: {  	_ = 	snop  }
0x3c: {  	p2 =	seq.s32 s10, $0x1;
	s10 =	sld [smem:$0x3FAD]  }
0x3d: {  	_ =	shalt  }
0x3e: {  	_ =	shalt  }
0x3f: {  	_ =	shalt  }
0x40: {  	_ =	shalt  }
0x41: {  	_ =	shalt  }
0x42: {  	_ =	shalt  }
0x43: {  	_ =	shalt  }
0x44: {  	_ =	shalt  }
0x45: {  	_ =	shalt  }
0x46: {  	_ =	shalt  }
0x47: {  	_ =	shalt  }
0x48: {  	_ =	shalt  }
0x49: {  	_ =	shalt  }
0x4a: {  	_ =	shalt  }
0x4b: {  	_ =	shalt  }
0x4c: {  	_ =	shalt  }
0x4d: {  	_ =	shalt  }
0x4e: {  	_ =	shalt  }
0x4f: {  	_ =	shalt  }
0x50: {  	_ =	shalt  }
0x51: {  	_ =	shalt  }
0x52: {  	_ =	shalt  }
0x53: {  	_ =	shalt  }
0x54: {  	_ =	shalt  }
0x55: {  	_ =	shalt  }
0x56: {  	_ =	shalt  }
0x57: {  	_ =	shalt  }
0x58: {  	_ =	shalt  }
0x59: {  	_ =	shalt  }
0x5a: {  	_ =	shalt  }
0x5b: {  	_ =	shalt  }
0x5c: {  	_ =	shalt  }
0x5d: {  	_ =	shalt  }
0x5e: {  	_ =	shalt  }
0x5f: {  	_ =	shalt  }
0x60: {  	_ =	shalt  }
0x61: {  	_ =	shalt  }
0x62: {  	_ =	shalt  }
0x63: {  	_ =	shalt  }
0x64: {  	_ =	shalt  }
0x65: {  	_ =	shalt  }
0x66: {  	_ =	shalt  }
0x67: {  	_ =	shalt  }
0x68: {  	_ =	shalt  }
0x69: {  	_ =	shalt  }
0x6a: {  	_ =	shalt  }
0x6b: {  	_ =	shalt  }
0x6c: {  	_ =	shalt  }
0x6d: {  	_ =	shalt  }
0x6e: {  	_ =	shalt  }
0x6f: {  	_ =	shalt  }
0x70: {  	_ =	shalt  }
0x71: {  	_ =	shalt  }
0x72: {  	_ =	shalt  }
0x73: {  	_ =	shalt  }
0x74: {  	_ =	shalt  }
0x75: {  	_ =	shalt  }
0x76: {  	_ =	shalt  }
0x77: {  	_ =	shalt  }
0x78: {  	_ =	shalt  }
0x79: {  	_ =	shalt  }
0x7a: {  	_ =	shalt  }
0x7b: {  	_ =	shalt  }
0x7c: {  	_ =	shalt  }
0x7d: {  	_ =	shalt  }
0x7e: {  	_ =	shalt  }
0x7f: {  	_ =	shalt  }
0x80: {  	_ =	shalt  }
0x81: {  	_ =	shalt  }
0x82: {  	_ =	shalt  }
0x83: {  	_ =	shalt  }
0x84: {  	_ =	shalt  }
0x85: {  	_ =	shalt  }
0x86: {  	_ =	shalt  }
0x87: {  	_ =	shalt  }
.Lfunc_end0:
.L_simem_size_0:
called_computation.2_lowered:
.L_overlay_start_0:
0x88: {  	s2 =	sld [smem:$0x3FD9]  }
0x89: {  	s3 =	sld [smem:$0x3FFE];
	_ =	sdelay $0x1  }
0x8a: {  	s1 =	srdreg.scid  }
0x8b: {  	s0 =	sand.u32 $0x1, s1  }
0x8c: {  	s16 =	sshll.u32 s0, $0xA;
	s2 =	sadd.s32 s3, s2  }
0x8d: {  	s2 =	sadd.s32 s2, s16  }
0x8e: {  	[smem:$0x3FB9] =	sst s2  }
0x8f: {  	_ = 	snop  }
0x90: {  	(tm) =	ssettm $0x1  }
0x91: {  	s17 =	sld [smem:$0x3FFB];
	_ =	sdelay $0x3  }
0x92: {  	_ =	strace s17  }
0x93: {  	s2 =	sld [smem:$0x3FFC];
	_ =	sdelay $0x3  }
0x94: {  	_ =	strace s2  }
0x95: {  	s2 =	sld [smem:$0x3FFD];
	_ =	sdelay $0x3  }
0x96: {  	_ =	strace s2  }
0x97: {  	_ =	strace $0x8FFFFFFF  }
0x98: {  	s18 =	sld [smem:$0x3FDB];
	_ =	sdelay $0x1  }
0x99: {  	s19 =	simm.s32 $_scs_section_size  }
0x9a: {  	s4 =	simm.s32 $_size__tile_overlayer_lowered;
	s5 =	simm.s32 $_tile_overlayer_lowered  }
0x9b: {  	s22 =	simm.s32 $0x1BFF;
	s21 =	sshll.u32 s5, $0x1;
	s2 =	sadd.s32 s19, s18  }
0x9c: {  	s6 =	simm.s32 $0x0;
	s20 =	sshll.u32 s4, $0x1;
	s4 =	sadd.s32 s21, s2  }
0x9d: {  	[timem:s6], [sflag:s22] =	dma.local [hbm:s4], s20  }
0x9e: {  	_ =	swait.ge [sflag:s22], s20  }
0x9f: {  	s3 =	ssub.s32 $0x0, s20;
	[sflag:s22] =	ssyncset.done $0x0  }
0xa0: {  	[sflag:s22] =	ssyncadd.s32 s3;
	_ =	sdelay $0x1  }
0xa1: {  	s23 =	simm.s32 $0x1B8B  }
0xa2: {  	_ =	swait.ge [sflag:s23], $0x1  }
0xa3: {  	[sflag:s23] =	ssyncset.done $0x0  }
0xa4: {  	s25 =	simm.s32 $0x1B8E;
	s24 =	sld [smem:$0x3FFE];
	[sflag:s23] =	ssyncadd.s32 $0xFFFFFFFF  }
0xa5: {  	s26 =	simm.s32 $execute0_lowered;
	[smem:$0x3FD2] =	sst s25  }
0xa6: {  	s4 =	sshll.u32 s26, $0x1;
	_ =	strace $0x8000004C;
	[dreg:$0x1] =	wrdreg $0xFFFFFFFF  }
0xa7: {  	s28 =	simm.s32 $_size_execute0_lowered;
	s2 =	sadd.s32 s2, s4;
	[dreg:$0x0] =	wrdreg $0x0  }
0xa8: {  	s4 =	sshll.u32 s28, $0x1;
	[dreg:$0x2] =	wrdreg s2  }
0xa9: {  	[dreg:$0x3] =	wrdreg s4  }
0xaa: {  	[dreg:$0x4] =	wrdreg $0xC0  }
0xab: {  	_ =	task [dreg:s6], $0x5FFFF  }
0xac: {  	[dreg:$0x1] =	wrdreg $0xFFFFFFFF  }
0xad: {  	[dreg:$0x0] =	wrdreg $0x60  }
0xae: {  	[dreg:$0x2] =	wrdreg s24  }
0xaf: {  	[dreg:$0x3] =	wrdreg $0xB7800  }
0xb0: {  	[dreg:$0x4] =	wrdreg $0x9  }
0xb1: {  	_ =	task.clear_ibuf [dreg:s6], $0x5FFFF;
	_ =	strace $0x9000004C  }
0xb2: {  	s29 =	simm.s32 $0x9;
	_ =	strace $0x8000004E  }
0xb3: {  	_ =	swait.ge [sflag:s29], $0x1  }
0xb4: {  	[sflag:s29] =	ssyncadd.s32 $0xFFFFFFFF  }
0xb5: {  	_ =	strace $0x9000004E  }
0xb6: {  	_ =	sfence  }
0xb7: {  	s30 =	sld [smem:$0x0];
	_ =	sdelay $0x2  }
0xb8: {  	s31 =	sshll.u32 s1, $0xD;
	s1 =	sshrl.u32 s1, $0x2  }
0xb9: {  	s3 =	sand.u32 $0x4000, s31;
	s1 =	sadd.s32 s1, s30  }
0xba: {  	s0 =	sor.u32 s3, s0;
	s1 =	sshll.u32 s1, $0x11  }
0xbb: {  	s0 =	sor.u32 s1, s0  }
0xbc: {  	s0 =	sadd.s32 $0x8F2B, s0  }
0xbd: {  	[sflag:s0] =	ssyncadd.remote.s32 $0x1  }
0xbe: {  	_ =	sfence.sel $0xFFFF  }
0xbf: {  	[dreg:$0x0] =	wrdreg $0xFFFFFFFF;
	(pc) =	sbr.abs _section_cstart, $3  }
0xc0: {  	[dreg:$0x1] =	wrdreg $0xFFFFFFFF  }
0xc1: {  	_ =	task.clear_ibuf [dreg:s6], $0x2FFFF;
	_ =	strace $0x9FFFFFFF  }
0xc2: {  	(tm) =	ssettm $0x7FFFFFFF  }
0xc3: {  	_ =	shalt  }
tec
execute0_lowered:
.L_overlay_start_1:
0x0: {  	(tag) =	ssettag $0x1  }
0x1: {  	s7 =	rddreg [dreg:$0x0]  }
0x2: {  	s0 =	srdreg.scid;
	s2 =	rddreg [dreg:$0x1];
	s3 =	simm.s32 $0x0  }
0x3: {  	s19 =	simm.s32 $0x2780;
	s20 =	simm.s32 $0x6780;
	s21 =	simm.s32 $0xA0  }
0x4: {  	s22 =	simm.s32 $0x1;
	s23 =	simm.s32 $0x50;
	s24 =	simm.s32 $0x8F80  }
0x5: {  	s6 =	sand.u32 $0x1, s0;
	s0 =	stileid.u32;
	[smem:$0x7FF] =	sst s3  }
0x6: {  	s14 =	sadd.s32 $0x6BE00, s7;
	s1 =	sshll.u32 s6, $0x4;
	s10 =	smul.u32 $0x4F000, s0  }
0x7: {  	s25 =	sshll.u32 s0, $0x7;
	s9 =	ssub.s32 $0x2, s6;
	s12 =	smul.u32 $0x13C00, s0  }
0x8: {  	s16 =	smul.u32 $0x13C000, s6;
	s5 =	sor.u32 s0, s1;
	s8 =	sand.u32 $0x380, s25  }
0x9: {  	s26 =	sshrl.u32 s9, $0x1;
	s25 =	simm.s32 $0x0;
	s1 =	sshrl.u32 s5, $0x3  }
0xa: {  	s5 =	sshll.u32 s5, $0xB;
	s15 =	ssub.s32 s9, s26;
	s28 =	sshrl.u32 s10, $0x2  }
0xb: {  	s13 =	sadd.s32 $0x5000, s12;
	s17 =	sadd.s32 $0xA000, s12;
	s18 =	sadd.s32 $0xF000, s12  }
0xc: {  	s29 =	sadd.s32 s12, s16;
	s4 =	smul.u32 $0x13C00, s1;
	s1 =	rddreg [dreg:$0x2]  }
0xd: {  	_ =	strace $0x8000004D;
	s11 =	sadd.s32 s5, s7;
	s9 =	sadd.s32 s17, s2  }
0xe: {  	s10 =	sadd.s32 s18, s2;
	s30 =	sadd.s32 s16, s13;
	s31 =	sadd.s32 s16, s17  }
0xf: {  	s16 =	sadd.s32 s16, s18;
	s15 =	smax.u32 s15, $0x1;
	s17 =	simm.s32 $0x400  }
0x10: {  	s18 =	simm.s32 $0x2;
	s6 =	sadd.s32 $0x3000, s11;
	s11 =	sshrl.u32 s29, $0x3  }
0x11: {  	s12 =	sshrl.u32 s30, $0x3;
	s16 =	sshrl.u32 s16, $0x3;
	s4 =	sor.u32 s8, s4  }
0x12: {  	s11 =	sadd.s32 s14, s11;
	s12 =	sadd.s32 s14, s12;
	s8 =	sshrl.u32 s4, $0x3  }
0x13: {  	s4 =	sadd.s32 $0x13000, s7;
	s8 =	sadd.s32 s8, s7;
	s7 =	sadd.s32 s28, s2  }
0x14: {  	s5 =	sadd.s32 $0x62000, s8;
	s8 =	sadd.s32 s13, s2;
	s13 =	sshrl.u32 s31, $0x3  }
0x15: {  	v0 =	vimm.f32 $0.0e+00;
	s13 =	sadd.s32 s14, s13;
	s14 =	sadd.s32 s14, s16;
	s16 =	simm.s32 $0x80  }
.LBB2_1:
0x16: {  	[tilespmem:s3], [sflag:$0x2] =	stream.strided.gather [hbm4b:s5+s16], $0x2780, s17, s16, $0x38;
	[tilespmem:$0x1F380] =	vst v63  }
0x17: {  	_ =	swait.ge [sflag:s18], $0x2780  }
0x18: {  	[sflag:s18] =	ssyncset.done $0x0  }
0x19: {  	[sflag:s18] =	ssyncadd.s32 $0xFFFFD880  }
0x1a: {  	[tilespmem:s19], [sflag:$0x2] =	stream.linear.gather [hbm4b:s6+s3], $0x3F00, $0x38;
	[tilespmem:$0x1F380] =	vst v63  }
0x1b: {  	_ =	swait.ge [sflag:s18], $0x3F00  }
0x1c: {  	[sflag:s18] =	ssyncset.done $0x0  }
0x1d: {  	s26 =	simm.s32 $0x0;
	s28 =	simm.s32 $0x200;
	[sflag:s18] =	ssyncadd.s32 $0xFFFFC100  }
.LBB2_2:
0x1e: {  	p0 =	sne.s32 s28, $0x13E00;
	[tilespmem:s26+$0x67F0] =	vst v0  }
0x1f: {  	[tilespmem:s26+$0x6780] =	vst v0  }
0x20: {  	[tilespmem:s26+$0x6790] =	vst v0  }
.Ltmp0:
0x21: {  	[tilespmem:s26+$0x67A0] =	vst v0;
	(pc) =	sbr.rel @p0 .LBB2_2-.Ltmp0, $4  }
0x22: {  	[tilespmem:s26+$0x67B0] =	vst v0  }
0x23: {  	[tilespmem:s26+$0x67C0] =	vst v0  }
0x24: {  	[tilespmem:s26+$0x67D0] =	vst v0  }
0x25: {  	[tilespmem:s26+$0x67E0] =	vst v0;
	s26 =	sshra.s32 s28, $0x2;
	s28 =	sadd.s32 $0x200, s28  }
0x26: {  	[tilespmem:s26+$0x67F0] =	vst v0  }
0x27: {  	[tilespmem:s26+$0x6780] =	vst v0  }
0x28: {  	[tilespmem:s26+$0x6790] =	vst v0  }
0x29: {  	[tilespmem:s26+$0x67A0] =	vst v0  }
0x2a: {  	[tilespmem:s26+$0x67B0] =	vst v0  }
0x2b: {  	[tilespmem:s26+$0x67C0] =	vst v0  }
0x2c: {  	[tilespmem:s26+$0x67D0] =	vst v0  }
0x2d: {  	[tilespmem:s26+$0x67E0] =	vst v0  }
0x2e: {  	[spmem:s7] =	stream.linear.scatter [tilespmem:s20], [sflag:$0x2], $0x5000, $0x38;
	[tilespmem:$0x1F380] =	vst v63  }
0x2f: {  	_ =	swait.ge [sflag:s18], $0x5000  }
0x30: {  	[sflag:s18] =	ssyncset.done $0x0  }
0x31: {  	[sflag:s18] =	ssyncadd.s32 $0xFFFFB000  }
0x32: {  	[spmem:s8] =	stream.linear.scatter [tilespmem:s20], [sflag:$0x2], $0x5000, $0x38;
	[tilespmem:$0x1F380] =	vst v63  }
0x33: {  	_ =	swait.ge [sflag:s18], $0x5000  }
0x34: {  	[sflag:s18] =	ssyncset.done $0x0  }
0x35: {  	[sflag:s18] =	ssyncadd.s32 $0xFFFFB000  }
0x36: {  	[spmem:s9] =	stream.linear.scatter [tilespmem:s20], [sflag:$0x2], $0x5000, $0x38;
	[tilespmem:$0x1F380] =	vst v63  }
0x37: {  	_ =	swait.ge [sflag:s18], $0x5000  }
0x38: {  	[sflag:s18] =	ssyncset.done $0x0  }
0x39: {  	[sflag:s18] =	ssyncadd.s32 $0xFFFFB000  }
0x3a: {  	[spmem:s10] =	stream.linear.scatter [tilespmem:s20], [sflag:$0x2], $0x4C00, $0x38;
	[tilespmem:$0x1F380] =	vst v63  }
0x3b: {  	_ =	swait.ge [sflag:s18], $0x4C00  }
0x3c: {  	[sflag:s18] =	ssyncset.done $0x0  }
0x3d: {  	[sflag:s18] =	ssyncadd.s32 $0xFFFFB400  }
0x3e: {  	s31 =	simm.s32 $0x0;
	[bflag:$0x0] =	sbarrier.arrive $0xFFFF  }
0x3f: {  	[tilespmem:s20], [sflag:$0x1] =	stream.indirect.gather [hbm4b:s4+s21], $0x80, s31, s21, $0xb8;
	[tilespmem:$0x1F380] =	vst v63  }
0x40: {  	_ =	swait.ge [sflag:s22], $0x5000  }
0x41: {  	[sflag:s22] =	ssyncset.done $0x0  }
0x42: {  	s30 =	simm.s32 $0x2780;
	[sflag:s22] =	ssyncadd.s32 $0xFFFFB000  }
0x43: {  	[spmem:s2] =	stream.indirect.scatter.add.f32 [tilespmem:s20], [sflag:$0x2], $0x80, s30, s23, $0xb8;
	[tilespmem:$0x1F380] =	vst v63  }
0x44: {  	_ =	swait.ge [sflag:s18], $0x2800  }
0x45: {  	[sflag:s18] =	ssyncset.done $0x0  }
0x46: {  	s31 =	simm.s32 $0x2800;
	[sflag:s18] =	ssyncadd.s32 $0xFFFFD800  }
0x47: {  	[spmem:s2] =	stream.indirect.scatter.add.f32 [tilespmem:s24], [sflag:$0x2], $0x80, s31, s23, $0xb8;
	[tilespmem:$0x1F380] =	vst v63  }
0x48: {  	s28 =	simm.s32 $0x280;
	_ =	swait.ge [sflag:s18], $0x2800  }
0x49: {  	s29 =	simm.s32 $0x500;
	s26 =	simm.s32 $0x2900;
	[sflag:s18] =	ssyncset.done $0x0  }
.LBB2_4:
0x4a: {  	s30 =	sshra.s32 s28, $0x2  }
0x4b: {  	[sflag:s18] =	ssyncadd.s32 $0xFFFFD800;
	s28 =	smov.u32 s29;
	s31 =	sadd.s32 $0x280, s29  }
0x4c: {  	[tilespmem:s20], [sflag:$0x1] =	stream.indirect.gather [hbm4b:s4+s21], $0x80, s30, s21, $0xb8;
	[tilespmem:$0x1F380] =	vst v63  }
0x4d: {  	p0 =	sne.s32 s29, $0x9B00;
	_ =	swait.ge [sflag:s22], $0x5000  }
0x4e: {  	[sflag:s22] =	ssyncset.done $0x0  }
0x4f: {  	s29 =	sadd.s32 $0xFFFFFF80, s26;
	[sflag:s22] =	ssyncadd.s32 $0xFFFFB000  }
0x50: {  	[spmem:s2] =	stream.indirect.scatter.add.f32 [tilespmem:s20], [sflag:$0x2], $0x80, s29, s23, $0xb8;
	[tilespmem:$0x1F380] =	vst v63  }
0x51: {  	_ =	swait.ge [sflag:s18], $0x2800  }
.Ltmp1:
0x52: {  	[sflag:s18] =	ssyncset.done $0x0;
	(pc) =	sbr.rel @p0 .LBB2_4-.Ltmp1, $4  }
0x53: {  	[sflag:s18] =	ssyncadd.s32 $0xFFFFD800  }
0x54: {  	[spmem:s2] =	stream.indirect.scatter.add.f32 [tilespmem:s24], [sflag:$0x2], $0x80, s26, s23, $0xb8;
	[tilespmem:$0x1F380] =	vst v63  }
0x55: {  	_ =	swait.ge [sflag:s18], $0x2800  }
0x56: {  	s29 =	smov.u32 s31;
	s26 =	sadd.s32 $0x100, s26;
	[sflag:s18] =	ssyncset.done $0x0  }
0x57: {  	s28 =	sshra.s32 s28, $0x2;
	[sflag:s18] =	ssyncadd.s32 $0xFFFFD800  }
0x58: {  	[tilespmem:s20], [sflag:$0x1] =	stream.indirect.gather [hbm4b:s4+s21], $0x80, s28, s21, $0xb8;
	[tilespmem:$0x1F380] =	vst v63  }
0x59: {  	_ =	swait.ge [sflag:s22], $0x5000  }
0x5a: {  	[sflag:s22] =	ssyncset.done $0x0  }
0x5b: {  	s29 =	sadd.s32 $0xFFFFFF80, s26;
	[sflag:s22] =	ssyncadd.s32 $0xFFFFB000  }
0x5c: {  	[spmem:s2] =	stream.indirect.scatter.add.f32 [tilespmem:s20], [sflag:$0x2], $0x80, s29, s23, $0xb8;
	[tilespmem:$0x1F380] =	vst v63  }
0x5d: {  	_ =	swait.ge [sflag:s18], $0x2800  }
0x5e: {  	[sflag:s18] =	ssyncset.done $0x0  }
0x5f: {  	[sflag:s18] =	ssyncadd.s32 $0xFFFFD800  }
0x60: {  	[spmem:s2] =	stream.indirect.scatter.add.f32 [tilespmem:s24], [sflag:$0x2], $0x80, s26, s23, $0xb8;
	[tilespmem:$0x1F380] =	vst v63  }
0x61: {  	_ =	swait.ge [sflag:s18], $0x2800  }
0x62: {  	[sflag:s18] =	ssyncset.done $0x0  }
0x63: {  	s30 =	sshll.u32 s0, $0x6;
	[sflag:s18] =	ssyncadd.s32 $0xFFFFD800  }
0x64: {  	s31 =	sshrl.u32 s7, $0x3;
	s26 =	sor.u32 $0x1C02, s30;
	[bflag:$0x0] =	sbarrier.arrive $0xFFFF  }
0x65: {  	[hbm:s11], [sflag:s26] =	dma.local [spmem:s31], $0xA00  }
0x66: {  	_ =	swait.ge [sflag:s18], $0xA00  }
0x67: {  	[sflag:s18] =	ssyncset.done $0x0  }
0x68: {  	s29 =	sshrl.u32 s8, $0x3;
	[sflag:s18] =	ssyncadd.s32 $0xFFFFF600  }
0x69: {  	[hbm:s12], [sflag:s26] =	dma.local [spmem:s29], $0xA00  }
0x6a: {  	_ =	swait.ge [sflag:s18], $0xA00  }
0x6b: {  	[sflag:s18] =	ssyncset.done $0x0  }
0x6c: {  	s30 =	sshrl.u32 s9, $0x3;
	[sflag:s18] =	ssyncadd.s32 $0xFFFFF600  }
0x6d: {  	[hbm:s13], [sflag:s26] =	dma.local [spmem:s30], $0xA00  }
0x6e: {  	s25 =	sadd.s32 $0x1, s25;
	_ =	swait.ge [sflag:s18], $0xA00  }
0x6f: {  	p0 =	sne.s32 s25, s15;
	[sflag:s18] =	ssyncset.done $0x0  }
.Ltmp2:
0x70: {  	s31 =	sshrl.u32 s10, $0x3;
	[sflag:s18] =	ssyncadd.s32 $0xFFFFF600;
	(pc) =	sbr.rel @p0 .LBB2_1-.Ltmp2, $4  }
0x71: {  	[hbm:s14], [sflag:s26] =	dma.local [spmem:s31], $0x980  }
0x72: {  	_ =	swait.ge [sflag:s18], $0x980  }
0x73: {  	[sflag:s18] =	ssyncset.done $0x0  }
0x74: {  	[sflag:s18] =	ssyncadd.s32 $0xFFFFF680  }
0x75: {  	_ =	sfence.sel $0x180000  }
0x76: {  	[bflag:$0x0] =	sbarrier.arrive $0xFFFF  }
0x77: {  	p0 =	sne.s32 s0, $0x0;
	_ =	strace $0x9000004D  }
0x78: {  	s0 =	sadd.s32 @!p0 $0x100000, s1;
	[bflag:$0x2] =	sbarrier.arrive $0xFFFF  }
0x79: {  	[sflag:s0] =	ssyncadd.tile.s32 @!p0 $0x1;
	_ =	shalt  }
.Lfunc_end2:
_tile_overlayer_lowered:
.L_overlay_start_2:
0x7a: {  	(tag) =	ssettag $0x2  }
0x7b: {  	s0 =	rddreg [dreg:$0x0];
	s2 =	stileid.u32  }
0x7c: {  	s1 =	rddreg [dreg:$0x1];
	p0 =	sne.s32 s2, $0x0  }
0x7d: {  	s3 =	rddreg [dreg:$0x2];
	[bflag:$0x3] =	sbarrier.arrive $0xFFFF;
	s2 =	simm.s32 @!p0 $0x1C02  }
0x7e: {  	[timem:s3], [sflag:s2] =	dma.local @!p0 [hbm:s0], s1  }
0x7f: {  	s0 =	simm.s32 @!p0 $0x2  }
0x80: {  	_ =	swait.ge @!p0 [sflag:s0], s1  }
0x81: {  	s1 =	ssub.s32 @!p0 $0x0, s1;
	[sflag:s0] =	ssyncset.done @!p0 $0x0  }
0x82: {  	[sflag:s0] =	ssyncadd.s32 @!p0 s1  }
0x83: {  	[bflag:$0x3] =	sbarrier.arrive $0xFFFF  }
0x84: {  	_ =	shalt  }

// kernel: kernel.19.cloned.1.call-start
scs
__scs_entry_jumppad:
0x0: {  	(pc) =	sbr.rel $0x88, $3  }
0x1: {  	(tag) =	ssettag $0x0;
	lr =	simm.s32 $0x1  }
0x2: {  	[smem:$0x3F92] =	sst lr;
	_ =	strace $0xD0000000  }
0x3: {  	_ = 	snop  }
0x4: {  	_ = 	snop  }
0x5: {  	_ = 	snop  }
0x6: {  	_ = 	snop  }
0x7: {  	_ = 	snop  }
__scs_overlays_trampoline_lowered:
0x8: {  	[smem:$0x3FA1] =	sst s0  }
0x9: {  	[smem:$0x3FA2] =	sst s1  }
0xa: {  	[smem:$0x3FA3] =	sst s2  }
0xb: {  	[smem:$0x3FA4] =	sst s3  }
0xc: {  	[smem:$0x3FA5] =	sst s4  }
0xd: {  	[smem:$0x3FA6] =	sst s5  }
0xe: {  	[smem:$0x3FA7] =	sst s6  }
0xf: {  	[smem:$0x3FA8] =	sst s7  }
0x10: {  	[smem:$0x3FA9] =	sst s8  }
0x11: {  	[smem:$0x3FAA] =	sst s9;
	s0 =	simm.s32 @!p0 $0x0  }
0x12: {  	s1 =	sld [smem:$0x3F90];
	s0 =	simm.s32 @p0 $0x1  }
0x13: {  	[smem:$0x3FAB] =	sst s0;
	s0 =	simm.s32 @!p1 $0x0  }
0x14: {  	s2 =	sld [smem:$0x3F8F];
	s0 =	simm.s32 @p1 $0x1  }
0x15: {  	[smem:$0x3FAC] =	sst s0;
	s0 =	simm.s32 @!p2 $0x0  }
0x16: {  	s3 =	sld [smem:$0x3FDB];
	s0 =	simm.s32 @p2 $0x1  }
0x17: {  	s4 =	simm.s32 $0x1BF5;
	[smem:$0x3FAE] =	sst s0  }
0x18: {  	s0 =	sld [smem:$0x3F91];
	_ =	swait.ge [sflag:s4], $0x0  }
0x19: {  	s7 =	sld [smem:$0x3F92]  }
0x1a: {  	s8 =	sadd.s32 $0xFFFFE003, lr  }
0x1b: {  	s9 =	sadd.s32 $0xFFFFFEF7, lr;
	s5 =	simm.s32 $0xFFFFFFFF;
	p2 =	slt.u32 s8, $0xFFFFF086  }
0x1c: {  	p1 =	slt.u32 s9, $0xF7A;
	s5 =	simm.s32 @!p2 $0x0  }
0x1d: {  	s5 =	simm.s32 @p1 $0x1;
	p0 =	seq.s32 s7, s2  }
0x1e: {  	s7 =	smul.u32 @!p0 $0xF7A, s2;
	p2 =	seq.s32 @!p0 s5, $0x0  }
0x1f: {  	s9 =	smul.u32 $0xF7A, s1;
	s8 =	simm.s32 @!p0 $0x1BF5;
	p2 =	por !p2, p0  }
0x20: {  	[sflag:s8] =	ssyncset.s32 @!p0 $0xFFFFF086;
	s6 =	sadd.s32 @!p0 s3, s7;
	s7 =	simm.s32 @!p0 $0x108  }
0x21: {  	s3 =	sadd.s32 s3, s9;
	s6 =	sadd.s32 @!p0 $0x88, s6;
	s7 =	simm.s32 @p2 $0x1082  }
0x22: {  	[simem:s7], [sflag:s8] =	dma.local @!p0 [hbm:s6], $0xF7A  }
0x23: {  	s9 =	sor.u32 $0xD0000000, s2;
	s6 =	simm.s32 $0x108;
	_ =	swait.ge @!p0 [sflag:s8], $0x0  }
0x24: {  	s3 =	sadd.s32 $0x88, s3;
	s6 =	simm.s32 @!p1 $0x1082;
	[sflag:s4] =	ssyncset.s32 $0xFFFFF086  }
0x25: {  	[simem:s6], [sflag:s4] =	dma.local [hbm:s3], $0xF7A  }
0x26: {  	[smem:$0x3F92] =	sst s1;
	(tag) =	ssettag s2;
	_ =	strace s9  }
0x27: {  	s1 =	sld [smem:$0x3FA2]  }
0x28: {  	s2 =	sld [smem:$0x3FA3]  }
0x29: {  	s4 =	sld [smem:$0x3FA5]  }
0x2a: {  	p0 =	seq.s32 s5, $0x0;
	s5 =	sld [smem:$0x3FA6]  }
0x2b: {  	s6 =	sld [smem:$0x3FA7]  }
0x2c: {  	s7 =	sld [smem:$0x3FA8]  }
0x2d: {  	s3 =	simm.s32 $0x108;
	s8 =	sld [smem:$0x3FA9]  }
0x2e: {  	s3 =	simm.s32 @!p0 $0x1082;
	s9 =	sld [smem:$0x3FAA]  }
0x2f: {  	lr =	sadd.s32 s0, s3;
	s0 =	sld [smem:$0x3FA1]  }
0x30: {  	s3 =	sld [smem:$0x3FA4]  }
0x31: {  	[smem:$0x3FAD] =	sst s10  }
0x32: {  	s10 =	sld [smem:$0x3FAB];
	_ =	sdelay $0x3  }
0x33: {  	p0 =	seq.s32 s10, $0x1;
	s10 =	sld [smem:$0x3FAD];
	_ =	sdelay $0x3  }
0x34: {  	[smem:$0x3FAD] =	sst s10  }
0x35: {  	s10 =	sld [smem:$0x3FAC];
	_ =	sdelay $0x3  }
0x36: {  	p1 =	seq.s32 s10, $0x1;
	s10 =	sld [smem:$0x3FAD];
	_ =	sdelay $0x3  }
0x37: {  	[smem:$0x3FAD] =	sst s10  }
0x38: {  	s10 =	sld [smem:$0x3FAE]  }
0x39: {  	_ = 	snop;
	(pc) =	sbr.ind lr, $3  }
0x3a: {  	_ = 	snop  }
0x3b: {  	_ = 	snop  }
0x3c: {  	p2 =	seq.s32 s10, $0x1;
	s10 =	sld [smem:$0x3FAD]  }
0x3d: {  	_ =	shalt  }
0x3e: {  	_ =	shalt  }
0x3f: {  	_ =	shalt  }
0x40: {  	_ =	shalt  }
0x41: {  	_ =	shalt  }
0x42: {  	_ =	shalt  }
0x43: {  	_ =	shalt  }
0x44: {  	_ =	shalt  }
0x45: {  	_ =	shalt  }
0x46: {  	_ =	shalt  }
0x47: {  	_ =	shalt  }
0x48: {  	_ =	shalt  }
0x49: {  	_ =	shalt  }
0x4a: {  	_ =	shalt  }
0x4b: {  	_ =	shalt  }
0x4c: {  	_ =	shalt  }
0x4d: {  	_ =	shalt  }
0x4e: {  	_ =	shalt  }
0x4f: {  	_ =	shalt  }
0x50: {  	_ =	shalt  }
0x51: {  	_ =	shalt  }
0x52: {  	_ =	shalt  }
0x53: {  	_ =	shalt  }
0x54: {  	_ =	shalt  }
0x55: {  	_ =	shalt  }
0x56: {  	_ =	shalt  }
0x57: {  	_ =	shalt  }
0x58: {  	_ =	shalt  }
0x59: {  	_ =	shalt  }
0x5a: {  	_ =	shalt  }
0x5b: {  	_ =	shalt  }
0x5c: {  	_ =	shalt  }
0x5d: {  	_ =	shalt  }
0x5e: {  	_ =	shalt  }
0x5f: {  	_ =	shalt  }
0x60: {  	_ =	shalt  }
0x61: {  	_ =	shalt  }
0x62: {  	_ =	shalt  }
0x63: {  	_ =	shalt  }
0x64: {  	_ =	shalt  }
0x65: {  	_ =	shalt  }
0x66: {  	_ =	shalt  }
0x67: {  	_ =	shalt  }
0x68: {  	_ =	shalt  }
0x69: {  	_ =	shalt  }
0x6a: {  	_ =	shalt  }
0x6b: {  	_ =	shalt  }
0x6c: {  	_ =	shalt  }
0x6d: {  	_ =	shalt  }
0x6e: {  	_ =	shalt  }
0x6f: {  	_ =	shalt  }
0x70: {  	_ =	shalt  }
0x71: {  	_ =	shalt  }
0x72: {  	_ =	shalt  }
0x73: {  	_ =	shalt  }
0x74: {  	_ =	shalt  }
0x75: {  	_ =	shalt  }
0x76: {  	_ =	shalt  }
0x77: {  	_ =	shalt  }
0x78: {  	_ =	shalt  }
0x79: {  	_ =	shalt  }
0x7a: {  	_ =	shalt  }
0x7b: {  	_ =	shalt  }
0x7c: {  	_ =	shalt  }
0x7d: {  	_ =	shalt  }
0x7e: {  	_ =	shalt  }
0x7f: {  	_ =	shalt  }
0x80: {  	_ =	shalt  }
0x81: {  	_ =	shalt  }
0x82: {  	_ =	shalt  }
0x83: {  	_ =	shalt  }
0x84: {  	_ =	shalt  }
0x85: {  	_ =	shalt  }
0x86: {  	_ =	shalt  }
0x87: {  	_ =	shalt  }
.Lfunc_end0:
.L_simem_size_0:
called_computation.3_lowered:
.L_overlay_start_0:
0x88: {  	s2 =	sld [smem:$0x3FD9]  }
0x89: {  	s3 =	sld [smem:$0x3FFE];
	_ =	sdelay $0x1  }
0x8a: {  	s1 =	srdreg.scid  }
0x8b: {  	s0 =	sand.u32 $0x1, s1  }
0x8c: {  	s16 =	sshll.u32 s0, $0xA;
	s2 =	sadd.s32 s3, s2  }
0x8d: {  	s2 =	sadd.s32 s2, s16  }
0x8e: {  	[smem:$0x3FB9] =	sst s2  }
0x8f: {  	_ = 	snop  }
0x90: {  	(tm) =	ssettm $0x1  }
0x91: {  	s17 =	sld [smem:$0x3FFB];
	_ =	sdelay $0x3  }
0x92: {  	_ =	strace s17  }
0x93: {  	s2 =	sld [smem:$0x3FFC];
	_ =	sdelay $0x3  }
0x94: {  	_ =	strace s2  }
0x95: {  	s2 =	sld [smem:$0x3FFD];
	_ =	sdelay $0x3  }
0x96: {  	_ =	strace s2  }
0x97: {  	_ =	strace $0x8FFFFFFF  }
0x98: {  	s18 =	sld [smem:$0x3FDB];
	_ =	sdelay $0x1  }
0x99: {  	s19 =	simm.s32 $_scs_section_size  }
0x9a: {  	s4 =	simm.s32 $_size__tile_overlayer_lowered;
	s5 =	simm.s32 $_tile_overlayer_lowered  }
0x9b: {  	s22 =	simm.s32 $0x1BFF;
	s21 =	sshll.u32 s5, $0x1;
	s2 =	sadd.s32 s19, s18  }
0x9c: {  	s6 =	simm.s32 $0x0;
	s20 =	sshll.u32 s4, $0x1;
	s4 =	sadd.s32 s21, s2  }
0x9d: {  	[timem:s6], [sflag:s22] =	dma.local [hbm:s4], s20  }
0x9e: {  	_ =	swait.ge [sflag:s22], s20  }
0x9f: {  	s3 =	ssub.s32 $0x0, s20;
	[sflag:s22] =	ssyncset.done $0x0  }
0xa0: {  	[sflag:s22] =	ssyncadd.s32 s3;
	_ =	sdelay $0x1  }
0xa1: {  	s23 =	simm.s32 $0x1B8B  }
0xa2: {  	_ =	swait.ge [sflag:s23], $0x1  }
0xa3: {  	[sflag:s23] =	ssyncset.done $0x0  }
0xa4: {  	s25 =	simm.s32 $0x1B8E;
	s24 =	sld [smem:$0x3FFE];
	[sflag:s23] =	ssyncadd.s32 $0xFFFFFFFF  }
0xa5: {  	s26 =	simm.s32 $execute0_lowered;
	[smem:$0x3FD2] =	sst s25  }
0xa6: {  	s4 =	sshll.u32 s26, $0x1;
	_ =	strace $0x8000004F;
	[dreg:$0x1] =	wrdreg $0xFFFFFFFF  }
0xa7: {  	s28 =	simm.s32 $_size_execute0_lowered;
	s2 =	sadd.s32 s2, s4;
	[dreg:$0x0] =	wrdreg $0x0  }
0xa8: {  	s4 =	sshll.u32 s28, $0x1;
	[dreg:$0x2] =	wrdreg s2  }
0xa9: {  	[dreg:$0x3] =	wrdreg s4  }
0xaa: {  	[dreg:$0x4] =	wrdreg $0xC0  }
0xab: {  	_ =	task [dreg:s6], $0x5FFFF  }
0xac: {  	[dreg:$0x1] =	wrdreg $0xFFFFFFFF  }
0xad: {  	[dreg:$0x0] =	wrdreg $0x60  }
0xae: {  	[dreg:$0x2] =	wrdreg s24  }
0xaf: {  	[dreg:$0x3] =	wrdreg $0xB7800  }
0xb0: {  	[dreg:$0x4] =	wrdreg $0x9  }
0xb1: {  	_ =	task.clear_ibuf [dreg:s6], $0x5FFFF;
	_ =	strace $0x9000004F  }
0xb2: {  	s29 =	simm.s32 $0x9;
	_ =	strace $0x80000051  }
0xb3: {  	_ =	swait.ge [sflag:s29], $0x1  }
0xb4: {  	[sflag:s29] =	ssyncadd.s32 $0xFFFFFFFF  }
0xb5: {  	_ =	strace $0x90000051  }
0xb6: {  	_ =	sfence  }
0xb7: {  	s30 =	sld [smem:$0x0];
	_ =	sdelay $0x2  }
0xb8: {  	s31 =	sshll.u32 s1, $0xD;
	s1 =	sshrl.u32 s1, $0x2  }
0xb9: {  	s3 =	sand.u32 $0x4000, s31;
	s1 =	sadd.s32 s1, s30  }
0xba: {  	s0 =	sor.u32 s3, s0;
	s1 =	sshll.u32 s1, $0x11  }
0xbb: {  	s0 =	sor.u32 s1, s0  }
0xbc: {  	s0 =	sadd.s32 $0x8F2B, s0  }
0xbd: {  	[sflag:s0] =	ssyncadd.remote.s32 $0x1  }
0xbe: {  	_ =	sfence.sel $0xFFFF  }
0xbf: {  	[dreg:$0x0] =	wrdreg $0xFFFFFFFF;
	(pc) =	sbr.abs _section_cstart, $3  }
0xc0: {  	[dreg:$0x1] =	wrdreg $0xFFFFFFFF  }
0xc1: {  	_ =	task.clear_ibuf [dreg:s6], $0x2FFFF;
	_ =	strace $0x9FFFFFFF  }
0xc2: {  	(tm) =	ssettm $0x7FFFFFFF  }
0xc3: {  	_ =	shalt  }
tec
execute0_lowered:
.L_overlay_start_1:
0x0: {  	(tag) =	ssettag $0x1  }
0x1: {  	s7 =	rddreg [dreg:$0x0]  }
0x2: {  	s0 =	srdreg.scid;
	s2 =	rddreg [dreg:$0x1];
	s3 =	simm.s32 $0x0  }
0x3: {  	s19 =	simm.s32 $0x2780;
	s20 =	simm.s32 $0x6780;
	s21 =	simm.s32 $0xA0  }
0x4: {  	s22 =	simm.s32 $0x1;
	s23 =	simm.s32 $0x50;
	s24 =	simm.s32 $0x8F80  }
0x5: {  	s6 =	sand.u32 $0x1, s0;
	s0 =	stileid.u32;
	[smem:$0x7FF] =	sst s3  }
0x6: {  	s14 =	sadd.s32 $0x6BE00, s7;
	s1 =	sshll.u32 s6, $0x4;
	s10 =	smul.u32 $0x4F000, s0  }
0x7: {  	s25 =	sshll.u32 s0, $0x7;
	s9 =	ssub.s32 $0x2, s6;
	s12 =	smul.u32 $0x13C00, s0  }
0x8: {  	s16 =	smul.u32 $0x13C000, s6;
	s5 =	sor.u32 s0, s1;
	s8 =	sand.u32 $0x380, s25  }
0x9: {  	s26 =	sshrl.u32 s9, $0x1;
	s25 =	simm.s32 $0x0;
	s1 =	sshrl.u32 s5, $0x3  }
0xa: {  	s5 =	sshll.u32 s5, $0xB;
	s15 =	ssub.s32 s9, s26;
	s28 =	sshrl.u32 s10, $0x2  }
0xb: {  	s13 =	sadd.s32 $0x5000, s12;
	s17 =	sadd.s32 $0xA000, s12;
	s18 =	sadd.s32 $0xF000, s12  }
0xc: {  	s29 =	sadd.s32 s12, s16;
	s4 =	smul.u32 $0x13C00, s1;
	s1 =	rddreg [dreg:$0x2]  }
0xd: {  	_ =	strace $0x80000050;
	s11 =	sadd.s32 s5, s7;
	s9 =	sadd.s32 s17, s2  }
0xe: {  	s10 =	sadd.s32 s18, s2;
	s30 =	sadd.s32 s16, s13;
	s31 =	sadd.s32 s16, s17  }
0xf: {  	s16 =	sadd.s32 s16, s18;
	s15 =	smax.u32 s15, $0x1;
	s17 =	simm.s32 $0x400  }
0x10: {  	s18 =	simm.s32 $0x2;
	s6 =	sadd.s32 $0x3000, s11;
	s11 =	sshrl.u32 s29, $0x3  }
0x11: {  	s12 =	sshrl.u32 s30, $0x3;
	s16 =	sshrl.u32 s16, $0x3;
	s4 =	sor.u32 s8, s4  }
0x12: {  	s11 =	sadd.s32 s14, s11;
	s12 =	sadd.s32 s14, s12;
	s8 =	sshrl.u32 s4, $0x3  }
0x13: {  	s4 =	sadd.s32 $0x13000, s7;
	s8 =	sadd.s32 s8, s7;
	s7 =	sadd.s32 s28, s2  }
0x14: {  	s5 =	sadd.s32 $0x62000, s8;
	s8 =	sadd.s32 s13, s2;
	s13 =	sshrl.u32 s31, $0x3  }
0x15: {  	v0 =	vimm.f32 $0.0e+00;
	s13 =	sadd.s32 s14, s13;
	s14 =	sadd.s32 s14, s16;
	s16 =	simm.s32 $0x80  }
.LBB2_1:
0x16: {  	[tilespmem:s3], [sflag:$0x2] =	stream.strided.gather [hbm4b:s5+s16], $0x2780, s17, s16, $0x38;
	[tilespmem:$0x1F380] =	vst v63  }
0x17: {  	_ =	swait.ge [sflag:s18], $0x2780  }
0x18: {  	[sflag:s18] =	ssyncset.done $0x0  }
0x19: {  	[sflag:s18] =	ssyncadd.s32 $0xFFFFD880  }
0x1a: {  	[tilespmem:s19], [sflag:$0x2] =	stream.linear.gather [hbm4b:s6+s3], $0x3F00, $0x38;
	[tilespmem:$0x1F380] =	vst v63  }
0x1b: {  	_ =	swait.ge [sflag:s18], $0x3F00  }
0x1c: {  	[sflag:s18] =	ssyncset.done $0x0  }
0x1d: {  	s26 =	simm.s32 $0x0;
	s28 =	simm.s32 $0x200;
	[sflag:s18] =	ssyncadd.s32 $0xFFFFC100  }
.LBB2_2:
0x1e: {  	p0 =	sne.s32 s28, $0x13E00;
	[tilespmem:s26+$0x67F0] =	vst v0  }
0x1f: {  	[tilespmem:s26+$0x6780] =	vst v0  }
0x20: {  	[tilespmem:s26+$0x6790] =	vst v0  }
.Ltmp0:
0x21: {  	[tilespmem:s26+$0x67A0] =	vst v0;
	(pc) =	sbr.rel @p0 .LBB2_2-.Ltmp0, $4  }
0x22: {  	[tilespmem:s26+$0x67B0] =	vst v0  }
0x23: {  	[tilespmem:s26+$0x67C0] =	vst v0  }
0x24: {  	[tilespmem:s26+$0x67D0] =	vst v0  }
0x25: {  	[tilespmem:s26+$0x67E0] =	vst v0;
	s26 =	sshra.s32 s28, $0x2;
	s28 =	sadd.s32 $0x200, s28  }
0x26: {  	[tilespmem:s26+$0x67F0] =	vst v0  }
0x27: {  	[tilespmem:s26+$0x6780] =	vst v0  }
0x28: {  	[tilespmem:s26+$0x6790] =	vst v0  }
0x29: {  	[tilespmem:s26+$0x67A0] =	vst v0  }
0x2a: {  	[tilespmem:s26+$0x67B0] =	vst v0  }
0x2b: {  	[tilespmem:s26+$0x67C0] =	vst v0  }
0x2c: {  	[tilespmem:s26+$0x67D0] =	vst v0  }
0x2d: {  	[tilespmem:s26+$0x67E0] =	vst v0  }
0x2e: {  	[spmem:s7] =	stream.linear.scatter [tilespmem:s20], [sflag:$0x2], $0x5000, $0x38;
	[tilespmem:$0x1F380] =	vst v63  }
0x2f: {  	_ =	swait.ge [sflag:s18], $0x5000  }
0x30: {  	[sflag:s18] =	ssyncset.done $0x0  }
0x31: {  	[sflag:s18] =	ssyncadd.s32 $0xFFFFB000  }
0x32: {  	[spmem:s8] =	stream.linear.scatter [tilespmem:s20], [sflag:$0x2], $0x5000, $0x38;
	[tilespmem:$0x1F380] =	vst v63  }
0x33: {  	_ =	swait.ge [sflag:s18], $0x5000  }
0x34: {  	[sflag:s18] =	ssyncset.done $0x0  }
0x35: {  	[sflag:s18] =	ssyncadd.s32 $0xFFFFB000  }
0x36: {  	[spmem:s9] =	stream.linear.scatter [tilespmem:s20], [sflag:$0x2], $0x5000, $0x38;
	[tilespmem:$0x1F380] =	vst v63  }
0x37: {  	_ =	swait.ge [sflag:s18], $0x5000  }
0x38: {  	[sflag:s18] =	ssyncset.done $0x0  }
0x39: {  	[sflag:s18] =	ssyncadd.s32 $0xFFFFB000  }
0x3a: {  	[spmem:s10] =	stream.linear.scatter [tilespmem:s20], [sflag:$0x2], $0x4C00, $0x38;
	[tilespmem:$0x1F380] =	vst v63  }
0x3b: {  	_ =	swait.ge [sflag:s18], $0x4C00  }
0x3c: {  	[sflag:s18] =	ssyncset.done $0x0  }
0x3d: {  	[sflag:s18] =	ssyncadd.s32 $0xFFFFB400  }
0x3e: {  	s31 =	simm.s32 $0x0;
	[bflag:$0x0] =	sbarrier.arrive $0xFFFF  }
0x3f: {  	[tilespmem:s20], [sflag:$0x1] =	stream.indirect.gather [hbm4b:s4+s21], $0x80, s31, s21, $0xb8;
	[tilespmem:$0x1F380] =	vst v63  }
0x40: {  	_ =	swait.ge [sflag:s22], $0x5000  }
0x41: {  	[sflag:s22] =	ssyncset.done $0x0  }
0x42: {  	s30 =	simm.s32 $0x2780;
	[sflag:s22] =	ssyncadd.s32 $0xFFFFB000  }
0x43: {  	[spmem:s2] =	stream.indirect.scatter.add.f32 [tilespmem:s20], [sflag:$0x2], $0x80, s30, s23, $0xb8;
	[tilespmem:$0x1F380] =	vst v63  }
0x44: {  	_ =	swait.ge [sflag:s18], $0x2800  }
0x45: {  	[sflag:s18] =	ssyncset.done $0x0  }
0x46: {  	s31 =	simm.s32 $0x2800;
	[sflag:s18] =	ssyncadd.s32 $0xFFFFD800  }
0x47: {  	[spmem:s2] =	stream.indirect.scatter.add.f32 [tilespmem:s24], [sflag:$0x2], $0x80, s31, s23, $0xb8;
	[tilespmem:$0x1F380] =	vst v63  }
0x48: {  	s28 =	simm.s32 $0x280;
	_ =	swait.ge [sflag:s18], $0x2800  }
0x49: {  	s29 =	simm.s32 $0x500;
	s26 =	simm.s32 $0x2900;
	[sflag:s18] =	ssyncset.done $0x0  }
.LBB2_4:
0x4a: {  	s30 =	sshra.s32 s28, $0x2  }
0x4b: {  	[sflag:s18] =	ssyncadd.s32 $0xFFFFD800;
	s28 =	smov.u32 s29;
	s31 =	sadd.s32 $0x280, s29  }
0x4c: {  	[tilespmem:s20], [sflag:$0x1] =	stream.indirect.gather [hbm4b:s4+s21], $0x80, s30, s21, $0xb8;
	[tilespmem:$0x1F380] =	vst v63  }
0x4d: {  	p0 =	sne.s32 s29, $0x9B00;
	_ =	swait.ge [sflag:s22], $0x5000  }
0x4e: {  	[sflag:s22] =	ssyncset.done $0x0  }
0x4f: {  	s29 =	sadd.s32 $0xFFFFFF80, s26;
	[sflag:s22] =	ssyncadd.s32 $0xFFFFB000  }
0x50: {  	[spmem:s2] =	stream.indirect.scatter.add.f32 [tilespmem:s20], [sflag:$0x2], $0x80, s29, s23, $0xb8;
	[tilespmem:$0x1F380] =	vst v63  }
0x51: {  	_ =	swait.ge [sflag:s18], $0x2800  }
.Ltmp1:
0x52: {  	[sflag:s18] =	ssyncset.done $0x0;
	(pc) =	sbr.rel @p0 .LBB2_4-.Ltmp1, $4  }
0x53: {  	[sflag:s18] =	ssyncadd.s32 $0xFFFFD800  }
0x54: {  	[spmem:s2] =	stream.indirect.scatter.add.f32 [tilespmem:s24], [sflag:$0x2], $0x80, s26, s23, $0xb8;
	[tilespmem:$0x1F380] =	vst v63  }
0x55: {  	_ =	swait.ge [sflag:s18], $0x2800  }
0x56: {  	s29 =	smov.u32 s31;
	s26 =	sadd.s32 $0x100, s26;
	[sflag:s18] =	ssyncset.done $0x0  }
0x57: {  	s28 =	sshra.s32 s28, $0x2;
	[sflag:s18] =	ssyncadd.s32 $0xFFFFD800  }
0x58: {  	[tilespmem:s20], [sflag:$0x1] =	stream.indirect.gather [hbm4b:s4+s21], $0x80, s28, s21, $0xb8;
	[tilespmem:$0x1F380] =	vst v63  }
0x59: {  	_ =	swait.ge [sflag:s22], $0x5000  }
0x5a: {  	[sflag:s22] =	ssyncset.done $0x0  }
0x5b: {  	s29 =	sadd.s32 $0xFFFFFF80, s26;
	[sflag:s22] =	ssyncadd.s32 $0xFFFFB000  }
0x5c: {  	[spmem:s2] =	stream.indirect.scatter.add.f32 [tilespmem:s20], [sflag:$0x2], $0x80, s29, s23, $0xb8;
	[tilespmem:$0x1F380] =	vst v63  }
0x5d: {  	_ =	swait.ge [sflag:s18], $0x2800  }
0x5e: {  	[sflag:s18] =	ssyncset.done $0x0  }
0x5f: {  	[sflag:s18] =	ssyncadd.s32 $0xFFFFD800  }
0x60: {  	[spmem:s2] =	stream.indirect.scatter.add.f32 [tilespmem:s24], [sflag:$0x2], $0x80, s26, s23, $0xb8;
	[tilespmem:$0x1F380] =	vst v63  }
0x61: {  	_ =	swait.ge [sflag:s18], $0x2800  }
0x62: {  	[sflag:s18] =	ssyncset.done $0x0  }
0x63: {  	s30 =	sshll.u32 s0, $0x6;
	[sflag:s18] =	ssyncadd.s32 $0xFFFFD800  }
0x64: {  	s31 =	sshrl.u32 s7, $0x3;
	s26 =	sor.u32 $0x1C02, s30;
	[bflag:$0x0] =	sbarrier.arrive $0xFFFF  }
0x65: {  	[hbm:s11], [sflag:s26] =	dma.local [spmem:s31], $0xA00  }
0x66: {  	_ =	swait.ge [sflag:s18], $0xA00  }
0x67: {  	[sflag:s18] =	ssyncset.done $0x0  }
0x68: {  	s29 =	sshrl.u32 s8, $0x3;
	[sflag:s18] =	ssyncadd.s32 $0xFFFFF600  }
0x69: {  	[hbm:s12], [sflag:s26] =	dma.local [spmem:s29], $0xA00  }
0x6a: {  	_ =	swait.ge [sflag:s18], $0xA00  }
0x6b: {  	[sflag:s18] =	ssyncset.done $0x0  }
0x6c: {  	s30 =	sshrl.u32 s9, $0x3;
	[sflag:s18] =	ssyncadd.s32 $0xFFFFF600  }
0x6d: {  	[hbm:s13], [sflag:s26] =	dma.local [spmem:s30], $0xA00  }
0x6e: {  	s25 =	sadd.s32 $0x1, s25;
	_ =	swait.ge [sflag:s18], $0xA00  }
0x6f: {  	p0 =	sne.s32 s25, s15;
	[sflag:s18] =	ssyncset.done $0x0  }
.Ltmp2:
0x70: {  	s31 =	sshrl.u32 s10, $0x3;
	[sflag:s18] =	ssyncadd.s32 $0xFFFFF600;
	(pc) =	sbr.rel @p0 .LBB2_1-.Ltmp2, $4  }
0x71: {  	[hbm:s14], [sflag:s26] =	dma.local [spmem:s31], $0x980  }
0x72: {  	_ =	swait.ge [sflag:s18], $0x980  }
0x73: {  	[sflag:s18] =	ssyncset.done $0x0  }
0x74: {  	[sflag:s18] =	ssyncadd.s32 $0xFFFFF680  }
0x75: {  	_ =	sfence.sel $0x180000  }
0x76: {  	[bflag:$0x0] =	sbarrier.arrive $0xFFFF  }
0x77: {  	p0 =	sne.s32 s0, $0x0;
	_ =	strace $0x90000050  }
0x78: {  	s0 =	sadd.s32 @!p0 $0x100000, s1;
	[bflag:$0x2] =	sbarrier.arrive $0xFFFF  }
0x79: {  	[sflag:s0] =	ssyncadd.tile.s32 @!p0 $0x1;
	_ =	shalt  }
.Lfunc_end2:
_tile_overlayer_lowered:
.L_overlay_start_2:
0x7a: {  	(tag) =	ssettag $0x2  }
0x7b: {  	s0 =	rddreg [dreg:$0x0];
	s2 =	stileid.u32  }
0x7c: {  	s1 =	rddreg [dreg:$0x1];
	p0 =	sne.s32 s2, $0x0  }
0x7d: {  	s3 =	rddreg [dreg:$0x2];
	[bflag:$0x3] =	sbarrier.arrive $0xFFFF;
	s2 =	simm.s32 @!p0 $0x1C02  }
0x7e: {  	[timem:s3], [sflag:s2] =	dma.local @!p0 [hbm:s0], s1  }
0x7f: {  	s0 =	simm.s32 @!p0 $0x2  }
0x80: {  	_ =	swait.ge @!p0 [sflag:s0], s1  }
0x81: {  	s1 =	ssub.s32 @!p0 $0x0, s1;
	[sflag:s0] =	ssyncset.done @!p0 $0x0  }
0x82: {  	[sflag:s0] =	ssyncadd.s32 @!p0 s1  }
0x83: {  	[bflag:$0x3] =	sbarrier.arrive $0xFFFF  }
0x84: {  	_ =	shalt  }

</sc_bundles>
